<compile_context>
chip_gen: v7x
topology: tpu7x:2x2x1
jax: 0.10.2.dev20260603
libtpu: 0.0.44.dev20260713+nightly
codegen_flags: <defaults>
</compile_context>

<pallas_src>
import functools

import jax
import jax.numpy as jnp
from jax import lax
from jax.experimental import pallas as pl
from jax.experimental.pallas import tpu as pltpu
from jax.experimental.pallas import tpu_sc as plsc

N = 10000
E = 320000
IN_C = 128
HID_C = 64
OUT_C = 128

_LANES = 128
_EROWS_PER_TILE = 80
_EROWS = 32 * _EROWS_PER_TILE
_E_PAD = _EROWS * _LANES
_IDX_BLK = 8
_N_ACC = 10112
_RPT = _N_ACC // 16

_MESH = plsc.VectorSubcoreMesh(core_axis_name="c", subcore_axis_name="s")
_SC_PARAMS = pltpu.CompilerParams(use_tc_tiling_on_sc=False)


@functools.partial(
    pl.kernel,
    out_type=jax.ShapeDtypeStruct((2, _N_ACC, 16), jnp.float32),
    mesh=_MESH,
    compiler_params=_SC_PARAMS,
    scratch_types=[
        pltpu.VMEM((_EROWS_PER_TILE, _LANES), jnp.int32),
        pltpu.VMEM((_LANES, 16), jnp.float32),
        pltpu.VMEM((_RPT, 16), jnp.float32),
        pltpu.VMEM_SHARED((_N_ACC, 16), jnp.float32),
        pltpu.SemaphoreType.DMA,
        pltpu.SemaphoreType.DMA,
    ],
)
def _sc_degree(dstm_hbm, out_hbm, idv, ones_v, zero_v, acc, sem_i, sem_s):
    c = lax.axis_index("c")
    s = lax.axis_index("s")
    wid = c * 16 + s
    base = wid * _EROWS_PER_TILE

    cpi = pltpu.async_copy(dstm_hbm.at[pl.ds(base, _EROWS_PER_TILE)], idv,
                           sem_i)

    @pl.loop(0, _RPT)
    def _(i):
        zero_v[i, :] = jnp.zeros((16,), jnp.float32)

    @pl.loop(0, _LANES)
    def _(j):
        ones_v[j, :] = jnp.ones((16,), jnp.float32)

    r0 = s * _RPT
    pltpu.sync_copy(zero_v, acc.at[pl.ds(r0, _RPT)])
    cpi.wait()
    plsc.subcore_barrier()

    @pl.loop(0, _EROWS_PER_TILE // _IDX_BLK)
    def _(i):
        for j in range(_IDX_BLK):
            pltpu.async_copy(ones_v, acc.at[idv.at[i * _IDX_BLK + j]], sem_s,
                             add=True)

        @pl.when(i > 0)
        def _():
            for j in range(_IDX_BLK):
                pltpu.make_async_copy(ones_v, acc.at[idv.at[j]], sem_s).wait()

    for j in range(_IDX_BLK):
        pltpu.make_async_copy(ones_v, acc.at[idv.at[j]], sem_s).wait()

    plsc.subcore_barrier()
    pltpu.sync_copy(acc.at[pl.ds(r0, _RPT)], out_hbm.at[c, pl.ds(r0, _RPT)])


_RPB = 4
_NBLK = _EROWS_PER_TILE // _RPB


@functools.partial(
    pl.kernel,
    out_type=jax.ShapeDtypeStruct((2, _N_ACC, HID_C), jnp.float32),
    mesh=_MESH,
    compiler_params=_SC_PARAMS,
    scratch_types=[
        pltpu.VMEM((_EROWS_PER_TILE, _LANES), jnp.int32),
        pltpu.VMEM((_EROWS_PER_TILE, _LANES), jnp.int32),
        pltpu.VMEM((2, _RPB * _LANES, HID_C), jnp.float32),
        pltpu.VMEM_SHARED((_N_ACC, HID_C), jnp.float32),
        pltpu.SemaphoreType.DMA,
        pltpu.SemaphoreType.DMA,
        pltpu.SemaphoreType.DMA,
    ],
)
def _sc_propagate(h_hbm, srcm_hbm, dstm_hbm, out_hbm, isv, idv, rows_v, acc,
                  sem_g, sem_s0, sem_s1):
    c = lax.axis_index("c")
    s = lax.axis_index("s")
    wid = c * 16 + s
    sem_s = (sem_s0, sem_s1)

    r0 = s * _RPT
    base = wid * _EROWS_PER_TILE
    cp0 = pltpu.async_copy(h_hbm.at[pl.ds(r0, _RPT)],
                           acc.at[pl.ds(r0, _RPT)], sem_g)
    cp1 = pltpu.async_copy(srcm_hbm.at[pl.ds(base, _EROWS_PER_TILE)], isv,
                           sem_g)
    cp2 = pltpu.async_copy(dstm_hbm.at[pl.ds(base, _EROWS_PER_TILE)], idv,
                           sem_g)
    cp0.wait()
    cp1.wait()
    cp2.wait()
    plsc.subcore_barrier()

    @pl.loop(0, _NBLK // 2)
    def _(g):
        for buf in range(2):
            b = 2 * g + buf

            @pl.when(g > 0)
            def _():
                for j in range(_RPB):
                    pltpu.make_async_copy(
                        rows_v.at[buf, pl.ds(j * _LANES, _LANES)],
                        acc.at[idv.at[b * _RPB + j]], sem_s[buf]).wait()

            for j in range(_RPB):
                pltpu.async_copy(h_hbm.at[isv.at[b * _RPB + j]],
                                 rows_v.at[buf, pl.ds(j * _LANES, _LANES)],
                                 sem_g)
            for j in range(_RPB):
                pltpu.make_async_copy(h_hbm.at[isv.at[b * _RPB + j]],
                                      rows_v.at[buf, pl.ds(j * _LANES, _LANES)],
                                      sem_g).wait()
            for j in range(_RPB):
                pltpu.async_copy(rows_v.at[buf, pl.ds(j * _LANES, _LANES)],
                                 acc.at[idv.at[b * _RPB + j]], sem_s[buf],
                                 add=True)

    for buf in range(2):
        b = _NBLK - 2 + buf
        for j in range(_RPB):
            pltpu.make_async_copy(rows_v.at[buf, pl.ds(j * _LANES, _LANES)],
                                  acc.at[idv.at[b * _RPB + j]],
                                  sem_s[buf]).wait()

    plsc.subcore_barrier()
    pltpu.sync_copy(acc.at[pl.ds(r0, _RPT)], out_hbm.at[c, pl.ds(r0, _RPT)])


def _dinv_full(d_ref):
    deg = d_ref[0, :, 0:1] + d_ref[1, :, 0:1] + 1.0
    return lax.rsqrt(jnp.maximum(deg, 1e-12))


def _tc_hs1(x, w1, degp):
    def body(x_ref, w_ref, d_ref, o_ref):
        dinv = _dinv_full(d_ref)
        h1 = jnp.dot(x_ref[...], w_ref[...],
                     preferred_element_type=jnp.float32)
        o_ref[0:N, :] = h1 * dinv[0:N, :]
        o_ref[N:_N_ACC, :] = jnp.zeros((_N_ACC - N, HID_C), jnp.float32)

    return pl.pallas_call(
        body, out_shape=jax.ShapeDtypeStruct((_N_ACC, HID_C), jnp.float32))(
            x, w1, degp)


def _tc_mid(p, hs1, degp, b1):
    def body(p_ref, hs_ref, d_ref, b_ref, o_ref):
        dinv = _dinv_full(d_ref)
        seg = p_ref[0] + p_ref[1] - hs_ref[...]
        hid = jnp.maximum(seg * dinv + b_ref[...], 0.0)
        o_ref[0:N, :] = (hid * dinv)[0:N, :]
        o_ref[N:_N_ACC, :] = jnp.zeros((_N_ACC - N, HID_C), jnp.float32)

    return pl.pallas_call(
        body, out_shape=jax.ShapeDtypeStruct((_N_ACC, HID_C), jnp.float32))(
            p, hs1, degp, b1)


def _tc_out(p, hs2, degp, w2, b2):
    def body(p_ref, hs_ref, d_ref, w_ref, b_ref, o_ref):
        deg = d_ref[0, 0:N, 0:1] + d_ref[1, 0:N, 0:1] + 1.0
        dinv = lax.rsqrt(jnp.maximum(deg, 1e-12))
        q = (p_ref[0, 0:N, :] + p_ref[1, 0:N, :] - hs_ref[0:N, :]) * dinv
        z = jnp.dot(q, w_ref[...], preferred_element_type=jnp.float32)
        z = z + b_ref[...]
        zs = z - jnp.max(z, axis=1, keepdims=True)
        lse = jnp.log(jnp.sum(jnp.exp(zs), axis=1, keepdims=True))
        o_ref[...] = zs - lse

    return pl.pallas_call(
        body, out_shape=jax.ShapeDtypeStruct((N, OUT_C), jnp.float32))(
            p, hs2, degp, w2, b2)


def kernel(x, edge_index, W1, b1, W2, b2):
    src = edge_index[0]
    dst = edge_index[1]
    fill = jnp.arange(_E_PAD - E, dtype=jnp.int32) % 16
    srcm = jnp.concatenate([src, fill]).reshape(_EROWS, _LANES)
    dstm = jnp.concatenate([dst, fill + N]).reshape(_EROWS, _LANES)

    degp = _sc_degree(dstm)
    hs1 = _tc_hs1(x, W1, degp)
    p1 = _sc_propagate(hs1, srcm, dstm)
    hs2 = _tc_mid(p1, hs1, degp, b1.reshape(1, HID_C))
    p2 = _sc_propagate(hs2, srcm, dstm)
    return _tc_out(p2, hs2, degp, W2, b2.reshape(1, OUT_C))

# --- scband reference (transcript-rebuilt; emitter-appended) ---
"""Pipeline reference for scband-graph-cnn-71683004171206 (READ-ONLY COPY).

The authoritative reference and input builder live on the scoring server;
editing this copy changes nothing except your own understanding.
"""

import jax, jax.numpy as jnp
import numpy as np

N = 10000
E = 320000
IN_C = 128
HID_C = 64
OUT_C = 128


def setup_inputs(seed: int = 0) -> dict:
    key = jax.random.key(seed)
    k1, k2, k3, k4 = jax.random.split(key, 4)
    x = jax.random.normal(k1, (N, IN_C), dtype=jnp.float32)
    edge_index = jax.random.randint(k2, (2, E), 0, N, dtype=jnp.int32)
    # GCNConv layer 1 params (glorot-style init)
    W1 = jax.random.normal(k3, (IN_C, HID_C), dtype=jnp.float32) * (1.0 / np.sqrt(IN_C))
    b1 = jnp.zeros((HID_C,), dtype=jnp.float32)
    # GCNConv layer 2 params
    W2 = jax.random.normal(k4, (HID_C, OUT_C), dtype=jnp.float32) * (1.0 / np.sqrt(HID_C))
    b2 = jnp.zeros((OUT_C,), dtype=jnp.float32)
    return {"x": x, "edge_index": edge_index, "W1": W1, "b1": b1, "W2": W2, "b2": b2}


def _gcn_conv(x, edge_index, W, b):
    # GCNConv: out = D^{-1/2} (A + I) D^{-1/2} X W + b
    src = edge_index[0]
    dst = edge_index[1]
    loop = jnp.arange(N, dtype=src.dtype)
    src = jnp.concatenate([src, loop])
    dst = jnp.concatenate([dst, loop])
    deg = jnp.zeros((N,), dtype=x.dtype).at[dst].add(1.0)
    dinv = jnp.where(deg > 0, jax.lax.rsqrt(jnp.maximum(deg, 1e-12)), 0.0)
    norm = dinv[src] * dinv[dst]
    h = x @ W
    msg = jnp.take(h, src, axis=0) * norm[:, None]
    out = jax.ops.segment_sum(msg, dst, num_segments=N)
    return out + b


def reference(x, edge_index, W1, b1, W2, b2):
    # eval mode: F.dropout(training=False) is identity
    hid = _gcn_conv(x, edge_index, W1, b1)
    hid = jax.nn.relu(hid)
    out = _gcn_conv(hid, edge_index, W2, b2)
    return jax.nn.log_softmax(out, axis=1)

if __name__ == "__main__":
    import jax
    _d = setup_inputs()
    print(jax.jit(kernel)(*tuple(_d.values())))

</pallas_src>

<mosaic_0001>
#map = affine_map<(d0, d1) -> (0, 0)>
#map1 = affine_map<(d0, d1) -> (0, 0, 0)>
module attributes {stable_mosaic.version = 14 : i64} {
  func.func @_sc_propagate(%arg0: i32, %arg1: i32, %arg2: memref<10112x64xf32, #tpu.memory_space<hbm>>, %arg3: memref<2560x128xi32, #tpu.memory_space<hbm>>, %arg4: memref<2560x128xi32, #tpu.memory_space<hbm>>, %arg5: memref<2x10112x64xf32, #tpu.memory_space<hbm>>, %arg6: memref<80x128xi32, #tpu.memory_space<vmem>>, %arg7: memref<80x128xi32, #tpu.memory_space<vmem>>, %arg8: memref<2x512x64xf32, #tpu.memory_space<vmem>>, %arg9: memref<10112x64xf32, #tpu.memory_space<vmem_shared>>, %arg10: memref<!tpu.dma_semaphore, #tpu.memory_space<semaphore_mem>>, %arg11: memref<!tpu.dma_semaphore, #tpu.memory_space<semaphore_mem>>, %arg12: memref<!tpu.dma_semaphore, #tpu.memory_space<semaphore_mem>>) attributes {dimension_semantics = [#tpu.dimension_semantics<core_parallel>, #tpu.dimension_semantics<subcore_parallel>], iteration_bounds = array<i64: 2, 16>, scalar_prefetch = 0 : i64, scratch_operands = 7 : i64, tpu.core_type = #tpu.core_type<sc_vector_subcore>, window_params = [{transform_indices = #map}, {transform_indices = #map}, {transform_indices = #map}, {transform_indices = #map1}]} {
    %mul3A = arith.constant 16 : i32
    %mul3A_0 = arith.muli %arg0, %mul3A : i32
    %add3A = arith.addi %mul3A_0, %arg1 : i32
    %mul3A_1 = arith.constant 632 : i32
    %mul3A_2 = arith.muli %arg1, %mul3A_1 : i32
    %mul3A_3 = arith.constant 80 : i32
    %mul3A_4 = arith.muli %add3A, %mul3A_3 : i32
    %dma_start3A = arith.constant 0 : i32
    %dma_start3A_5 = tpu.memref_slice %arg9[%mul3A_2, %dma_start3A] : memref<10112x64xf32, #tpu.memory_space<vmem_shared>> -> memref<632x64xf32, #tpu.memory_space<vmem_shared>>
    %dma_start3A_6 = arith.constant 0 : i32
    %dma_start3A_7 = tpu.memref_slice %arg2[%mul3A_2, %dma_start3A_6] : memref<10112x64xf32, #tpu.memory_space<hbm>> -> memref<632x64xf32, #tpu.memory_space<hbm>>
    tpu.enqueue_dma source(%dma_start3A_7 : memref<632x64xf32, #tpu.memory_space<hbm>>) target(%dma_start3A_5 : memref<632x64xf32, #tpu.memory_space<vmem_shared>>) target_semaphore(%arg10 : memref<!tpu.dma_semaphore, #tpu.memory_space<semaphore_mem>>)
    %dma_start3A_8 = arith.constant 0 : i32
    %dma_start3A_9 = tpu.memref_slice %arg3[%mul3A_4, %dma_start3A_8] : memref<2560x128xi32, #tpu.memory_space<hbm>> -> memref<80x128xi32, #tpu.memory_space<hbm>>
    %dma_start3A_10 = arith.constant 0 : i32
    %dma_start3A_11 = tpu.memref_slice %arg3[%mul3A_4, %dma_start3A_10] : memref<2560x128xi32, #tpu.memory_space<hbm>> -> memref<80x128xi32, #tpu.memory_space<hbm>>
    tpu.enqueue_dma source(%dma_start3A_11 : memref<80x128xi32, #tpu.memory_space<hbm>>) target(%arg6 : memref<80x128xi32, #tpu.memory_space<vmem>>) target_semaphore(%arg10 : memref<!tpu.dma_semaphore, #tpu.memory_space<semaphore_mem>>)
    %dma_start3A_12 = arith.constant 0 : i32
    %dma_start3A_13 = tpu.memref_slice %arg4[%mul3A_4, %dma_start3A_12] : memref<2560x128xi32, #tpu.memory_space<hbm>> -> memref<80x128xi32, #tpu.memory_space<hbm>>
    %dma_start3A_14 = arith.constant 0 : i32
    %dma_start3A_15 = tpu.memref_slice %arg4[%mul3A_4, %dma_start3A_14] : memref<2560x128xi32, #tpu.memory_space<hbm>> -> memref<80x128xi32, #tpu.memory_space<hbm>>
    tpu.enqueue_dma source(%dma_start3A_15 : memref<80x128xi32, #tpu.memory_space<hbm>>) target(%arg7 : memref<80x128xi32, #tpu.memory_space<vmem>>) target_semaphore(%arg10 : memref<!tpu.dma_semaphore, #tpu.memory_space<semaphore_mem>>)
    %dma_wait3A = arith.constant 0 : i32
    %dma_wait3A_16 = tpu.memref_slice %arg9[%mul3A_2, %dma_wait3A] : memref<10112x64xf32, #tpu.memory_space<vmem_shared>> -> memref<632x64xf32, #tpu.memory_space<vmem_shared>>
    %dma_wait3A_17 = arith.constant 0 : i32
    %dma_wait3A_18 = tpu.memref_slice %arg2[%mul3A_2, %dma_wait3A_17] : memref<10112x64xf32, #tpu.memory_space<hbm>> -> memref<632x64xf32, #tpu.memory_space<hbm>>
    tpu.wait_dma2 semaphore(%arg10 : memref<!tpu.dma_semaphore, #tpu.memory_space<semaphore_mem>>) src(%dma_wait3A_18 : memref<632x64xf32, #tpu.memory_space<hbm>>) dst(%dma_wait3A_16 : memref<632x64xf32, #tpu.memory_space<vmem_shared>>)
    %dma_wait3A_19 = arith.constant 0 : i32
    %dma_wait3A_20 = tpu.memref_slice %arg3[%mul3A_4, %dma_wait3A_19] : memref<2560x128xi32, #tpu.memory_space<hbm>> -> memref<80x128xi32, #tpu.memory_space<hbm>>
    %dma_wait3A_21 = arith.constant 0 : i32
    %dma_wait3A_22 = tpu.memref_slice %arg3[%mul3A_4, %dma_wait3A_21] : memref<2560x128xi32, #tpu.memory_space<hbm>> -> memref<80x128xi32, #tpu.memory_space<hbm>>
    tpu.wait_dma2 semaphore(%arg10 : memref<!tpu.dma_semaphore, #tpu.memory_space<semaphore_mem>>) src(%dma_wait3A_22 : memref<80x128xi32, #tpu.memory_space<hbm>>) dst(%arg6 : memref<80x128xi32, #tpu.memory_space<vmem>>)
    %dma_wait3A_23 = arith.constant 0 : i32
    %dma_wait3A_24 = tpu.memref_slice %arg4[%mul3A_4, %dma_wait3A_23] : memref<2560x128xi32, #tpu.memory_space<hbm>> -> memref<80x128xi32, #tpu.memory_space<hbm>>
    %dma_wait3A_25 = arith.constant 0 : i32
    %dma_wait3A_26 = tpu.memref_slice %arg4[%mul3A_4, %dma_wait3A_25] : memref<2560x128xi32, #tpu.memory_space<hbm>> -> memref<80x128xi32, #tpu.memory_space<hbm>>
    tpu.wait_dma2 semaphore(%arg10 : memref<!tpu.dma_semaphore, #tpu.memory_space<semaphore_mem>>) src(%dma_wait3A_26 : memref<80x128xi32, #tpu.memory_space<hbm>>) dst(%arg7 : memref<80x128xi32, #tpu.memory_space<vmem>>)
    %barrier3A = arith.constant 0 : index
    tpu.barrier barrier_id(%barrier3A)
    %scan3A = arith.constant 0 : i32
    %scan3A_27 = arith.constant 10 : i32
    %scan3A_28 = arith.addi %scan3A, %scan3A_27 : i32
    %scan3A_29 = arith.constant 1 : i32
    scf.for %scan3A_128 = %scan3A to %scan3A_28 step %scan3A_29  : i32 {
      %mul3A_129 = arith.constant 1 : i32
      %mul3A_130 = arith.muli %scan3A_128, %mul3A_129 : i32
      %add3A_131 = arith.constant 0 : i32
      %add3A_132 = arith.addi %add3A_131, %mul3A_130 : i32
      %mul3A_133 = arith.constant 2 : i32
      %mul3A_134 = arith.muli %mul3A_133, %add3A_132 : i32
      %add3A_135 = arith.constant 0 : i32
      %add3A_136 = arith.addi %mul3A_134, %add3A_135 : i32
      %gt3A = arith.constant 0 : i32
      %gt3A_137 = arith.cmpi sgt, %add3A_132, %gt3A : i32
      %convert_element_type3A = arith.extui %gt3A_137 : i1 to i32
      %cond3A = arith.constant 0 : i32
      %cond3A_138 = arith.cmpi ne, %convert_element_type3A, %cond3A : i32
      scf.if %cond3A_138 {
        %mul3A_508 = arith.constant 4 : i32
        %mul3A_509 = arith.muli %add3A_136, %mul3A_508 : i32
        %add3A_510 = arith.constant 0 : i32
        %add3A_511 = arith.addi %mul3A_509, %add3A_510 : i32
        %dma_wait3A_512 = arith.constant 0 : i32
        %dma_wait3A_513 = arith.constant 0 : i32
        %dma_wait3A_514 = arith.constant 0 : i32
        %dma_wait3A_515 = tpu.memref_slice %arg8[%dma_wait3A_512, %dma_wait3A_513, %dma_wait3A_514] : memref<2x512x64xf32, #tpu.memory_space<vmem>> -> memref<1x128x64xf32, #tpu.memory_space<vmem>>
        %dma_wait3A_516 = tpu.memref_squeeze %dma_wait3A_515 : memref<1x128x64xf32, #tpu.memory_space<vmem>> -> memref<128x64xf32, #tpu.memory_space<vmem>>
        %dma_wait3A_517 = arith.constant 0 : i32
        %dma_wait3A_518 = tpu.memref_slice %arg7[%add3A_511, %dma_wait3A_517] : memref<80x128xi32, #tpu.memory_space<vmem>> -> memref<1x128xi32, #tpu.memory_space<vmem>>
        %dma_wait3A_519 = tpu.memref_squeeze %dma_wait3A_518 : memref<1x128xi32, #tpu.memory_space<vmem>> -> memref<128xi32, #tpu.memory_space<vmem>>
        %dma_wait3A_520 = arith.constant 0 : i32
        %dma_wait3A_521 = arith.constant 0 : i32
        %dma_wait3A_522 = tpu.memref_slice %arg9[%dma_wait3A_520, %dma_wait3A_521] : memref<10112x64xf32, #tpu.memory_space<vmem_shared>> -> memref<10112x64xf32, #tpu.memory_space<vmem_shared>>
        tpu.wait_indirect_dma semaphore(%arg11 : memref<!tpu.dma_semaphore, #tpu.memory_space<semaphore_mem>>) src(%dma_wait3A_516 : memref<128x64xf32, #tpu.memory_space<vmem>>) dst(%dma_wait3A_522 : memref<10112x64xf32, #tpu.memory_space<vmem_shared>>)
        %mul3A_523 = arith.constant 4 : i32
        %mul3A_524 = arith.muli %add3A_136, %mul3A_523 : i32
        %add3A_525 = arith.constant 1 : i32
        %add3A_526 = arith.addi %mul3A_524, %add3A_525 : i32
        %dma_wait3A_527 = arith.constant 0 : i32
        %dma_wait3A_528 = arith.constant 128 : i32
        %dma_wait3A_529 = arith.constant 0 : i32
        %dma_wait3A_530 = tpu.memref_slice %arg8[%dma_wait3A_527, %dma_wait3A_528, %dma_wait3A_529] : memref<2x512x64xf32, #tpu.memory_space<vmem>> -> memref<1x128x64xf32, #tpu.memory_space<vmem>>
        %dma_wait3A_531 = tpu.memref_squeeze %dma_wait3A_530 : memref<1x128x64xf32, #tpu.memory_space<vmem>> -> memref<128x64xf32, #tpu.memory_space<vmem>>
        %dma_wait3A_532 = arith.constant 0 : i32
        %dma_wait3A_533 = tpu.memref_slice %arg7[%add3A_526, %dma_wait3A_532] : memref<80x128xi32, #tpu.memory_space<vmem>> -> memref<1x128xi32, #tpu.memory_space<vmem>>
        %dma_wait3A_534 = tpu.memref_squeeze %dma_wait3A_533 : memref<1x128xi32, #tpu.memory_space<vmem>> -> memref<128xi32, #tpu.memory_space<vmem>>
        %dma_wait3A_535 = arith.constant 0 : i32
        %dma_wait3A_536 = arith.constant 0 : i32
        %dma_wait3A_537 = tpu.memref_slice %arg9[%dma_wait3A_535, %dma_wait3A_536] : memref<10112x64xf32, #tpu.memory_space<vmem_shared>> -> memref<10112x64xf32, #tpu.memory_space<vmem_shared>>
        tpu.wait_indirect_dma semaphore(%arg11 : memref<!tpu.dma_semaphore, #tpu.memory_space<semaphore_mem>>) src(%dma_wait3A_531 : memref<128x64xf32, #tpu.memory_space<vmem>>) dst(%dma_wait3A_537 : memref<10112x64xf32, #tpu.memory_space<vmem_shared>>)
        %mul3A_538 = arith.constant 4 : i32
        %mul3A_539 = arith.muli %add3A_136, %mul3A_538 : i32
        %add3A_540 = arith.constant 2 : i32
        %add3A_541 = arith.addi %mul3A_539, %add3A_540 : i32
        %dma_wait3A_542 = arith.constant 0 : i32
        %dma_wait3A_543 = arith.constant 256 : i32
        %dma_wait3A_544 = arith.constant 0 : i32
        %dma_wait3A_545 = tpu.memref_slice %arg8[%dma_wait3A_542, %dma_wait3A_543, %dma_wait3A_544] : memref<2x512x64xf32, #tpu.memory_space<vmem>> -> memref<1x128x64xf32, #tpu.memory_space<vmem>>
        %dma_wait3A_546 = tpu.memref_squeeze %dma_wait3A_545 : memref<1x128x64xf32, #tpu.memory_space<vmem>> -> memref<128x64xf32, #tpu.memory_space<vmem>>
        %dma_wait3A_547 = arith.constant 0 : i32
        %dma_wait3A_548 = tpu.memref_slice %arg7[%add3A_541, %dma_wait3A_547] : memref<80x128xi32, #tpu.memory_space<vmem>> -> memref<1x128xi32, #tpu.memory_space<vmem>>
        %dma_wait3A_549 = tpu.memref_squeeze %dma_wait3A_548 : memref<1x128xi32, #tpu.memory_space<vmem>> -> memref<128xi32, #tpu.memory_space<vmem>>
        %dma_wait3A_550 = arith.constant 0 : i32
        %dma_wait3A_551 = arith.constant 0 : i32
        %dma_wait3A_552 = tpu.memref_slice %arg9[%dma_wait3A_550, %dma_wait3A_551] : memref<10112x64xf32, #tpu.memory_space<vmem_shared>> -> memref<10112x64xf32, #tpu.memory_space<vmem_shared>>
        tpu.wait_indirect_dma semaphore(%arg11 : memref<!tpu.dma_semaphore, #tpu.memory_space<semaphore_mem>>) src(%dma_wait3A_546 : memref<128x64xf32, #tpu.memory_space<vmem>>) dst(%dma_wait3A_552 : memref<10112x64xf32, #tpu.memory_space<vmem_shared>>)
        %mul3A_553 = arith.constant 4 : i32
        %mul3A_554 = arith.muli %add3A_136, %mul3A_553 : i32
        %add3A_555 = arith.constant 3 : i32
        %add3A_556 = arith.addi %mul3A_554, %add3A_555 : i32
        %dma_wait3A_557 = arith.constant 0 : i32
        %dma_wait3A_558 = arith.constant 384 : i32
        %dma_wait3A_559 = arith.constant 0 : i32
        %dma_wait3A_560 = tpu.memref_slice %arg8[%dma_wait3A_557, %dma_wait3A_558, %dma_wait3A_559] : memref<2x512x64xf32, #tpu.memory_space<vmem>> -> memref<1x128x64xf32, #tpu.memory_space<vmem>>
        %dma_wait3A_561 = tpu.memref_squeeze %dma_wait3A_560 : memref<1x128x64xf32, #tpu.memory_space<vmem>> -> memref<128x64xf32, #tpu.memory_space<vmem>>
        %dma_wait3A_562 = arith.constant 0 : i32
        %dma_wait3A_563 = tpu.memref_slice %arg7[%add3A_556, %dma_wait3A_562] : memref<80x128xi32, #tpu.memory_space<vmem>> -> memref<1x128xi32, #tpu.memory_space<vmem>>
        %dma_wait3A_564 = tpu.memref_squeeze %dma_wait3A_563 : memref<1x128xi32, #tpu.memory_space<vmem>> -> memref<128xi32, #tpu.memory_space<vmem>>
        %dma_wait3A_565 = arith.constant 0 : i32
        %dma_wait3A_566 = arith.constant 0 : i32
        %dma_wait3A_567 = tpu.memref_slice %arg9[%dma_wait3A_565, %dma_wait3A_566] : memref<10112x64xf32, #tpu.memory_space<vmem_shared>> -> memref<10112x64xf32, #tpu.memory_space<vmem_shared>>
        tpu.wait_indirect_dma semaphore(%arg11 : memref<!tpu.dma_semaphore, #tpu.memory_space<semaphore_mem>>) src(%dma_wait3A_561 : memref<128x64xf32, #tpu.memory_space<vmem>>) dst(%dma_wait3A_567 : memref<10112x64xf32, #tpu.memory_space<vmem_shared>>)
      } else {
      }
      %mul3A_139 = arith.constant 4 : i32
      %mul3A_140 = arith.muli %add3A_136, %mul3A_139 : i32
      %add3A_141 = arith.constant 0 : i32
      %add3A_142 = arith.addi %mul3A_140, %add3A_141 : i32
      %dma_start3A_143 = arith.constant 0 : i32
      %dma_start3A_144 = arith.constant 0 : i32
      %dma_start3A_145 = arith.constant 0 : i32
      %dma_start3A_146 = tpu.memref_slice %arg8[%dma_start3A_143, %dma_start3A_144, %dma_start3A_145] : memref<2x512x64xf32, #tpu.memory_space<vmem>> -> memref<1x128x64xf32, #tpu.memory_space<vmem>>
      %dma_start3A_147 = tpu.memref_squeeze %dma_start3A_146 : memref<1x128x64xf32, #tpu.memory_space<vmem>> -> memref<128x64xf32, #tpu.memory_space<vmem>>
      %dma_start3A_148 = arith.constant 0 : i32
      %dma_start3A_149 = tpu.memref_slice %arg6[%add3A_142, %dma_start3A_148] : memref<80x128xi32, #tpu.memory_space<vmem>> -> memref<1x128xi32, #tpu.memory_space<vmem>>
      %dma_start3A_150 = tpu.memref_squeeze %dma_start3A_149 : memref<1x128xi32, #tpu.memory_space<vmem>> -> memref<128xi32, #tpu.memory_space<vmem>>
      %dma_start3A_151 = arith.constant 0 : i32
      %dma_start3A_152 = arith.constant 0 : i32
      %dma_start3A_153 = tpu.memref_slice %arg2[%dma_start3A_151, %dma_start3A_152] : memref<10112x64xf32, #tpu.memory_space<hbm>> -> memref<10112x64xf32, #tpu.memory_space<hbm>>
      tpu.enqueue_indirect_dma source(%dma_start3A_153 : memref<10112x64xf32, #tpu.memory_space<hbm>>) target(%dma_start3A_147 : memref<128x64xf32, #tpu.memory_space<vmem>>) offsets(%dma_start3A_150 : memref<128xi32, #tpu.memory_space<vmem>>) semaphore(%arg10 : memref<!tpu.dma_semaphore, #tpu.memory_space<semaphore_mem>>)
      %mul3A_154 = arith.constant 4 : i32
      %mul3A_155 = arith.muli %add3A_136, %mul3A_154 : i32
      %add3A_156 = arith.constant 1 : i32
      %add3A_157 = arith.addi %mul3A_155, %add3A_156 : i32
      %dma_start3A_158 = arith.constant 0 : i32
      %dma_start3A_159 = arith.constant 128 : i32
      %dma_start3A_160 = arith.constant 0 : i32
      %dma_start3A_161 = tpu.memref_slice %arg8[%dma_start3A_158, %dma_start3A_159, %dma_start3A_160] : memref<2x512x64xf32, #tpu.memory_space<vmem>> -> memref<1x128x64xf32, #tpu.memory_space<vmem>>
      %dma_start3A_162 = tpu.memref_squeeze %dma_start3A_161 : memref<1x128x64xf32, #tpu.memory_space<vmem>> -> memref<128x64xf32, #tpu.memory_space<vmem>>
      %dma_start3A_163 = arith.constant 0 : i32
      %dma_start3A_164 = tpu.memref_slice %arg6[%add3A_157, %dma_start3A_163] : memref<80x128xi32, #tpu.memory_space<vmem>> -> memref<1x128xi32, #tpu.memory_space<vmem>>
      %dma_start3A_165 = tpu.memref_squeeze %dma_start3A_164 : memref<1x128xi32, #tpu.memory_space<vmem>> -> memref<128xi32, #tpu.memory_space<vmem>>
      %dma_start3A_166 = arith.constant 0 : i32
      %dma_start3A_167 = arith.constant 0 : i32
      %dma_start3A_168 = tpu.memref_slice %arg2[%dma_start3A_166, %dma_start3A_167] : memref<10112x64xf32, #tpu.memory_space<hbm>> -> memref<10112x64xf32, #tpu.memory_space<hbm>>
      tpu.enqueue_indirect_dma source(%dma_start3A_168 : memref<10112x64xf32, #tpu.memory_space<hbm>>) target(%dma_start3A_162 : memref<128x64xf32, #tpu.memory_space<vmem>>) offsets(%dma_start3A_165 : memref<128xi32, #tpu.memory_space<vmem>>) semaphore(%arg10 : memref<!tpu.dma_semaphore, #tpu.memory_space<semaphore_mem>>)
      %mul3A_169 = arith.constant 4 : i32
      %mul3A_170 = arith.muli %add3A_136, %mul3A_169 : i32
      %add3A_171 = arith.constant 2 : i32
      %add3A_172 = arith.addi %mul3A_170, %add3A_171 : i32
      %dma_start3A_173 = arith.constant 0 : i32
      %dma_start3A_174 = arith.constant 256 : i32
      %dma_start3A_175 = arith.constant 0 : i32
      %dma_start3A_176 = tpu.memref_slice %arg8[%dma_start3A_173, %dma_start3A_174, %dma_start3A_175] : memref<2x512x64xf32, #tpu.memory_space<vmem>> -> memref<1x128x64xf32, #tpu.memory_space<vmem>>
      %dma_start3A_177 = tpu.memref_squeeze %dma_start3A_176 : memref<1x128x64xf32, #tpu.memory_space<vmem>> -> memref<128x64xf32, #tpu.memory_space<vmem>>
      %dma_start3A_178 = arith.constant 0 : i32
      %dma_start3A_179 = tpu.memref_slice %arg6[%add3A_172, %dma_start3A_178] : memref<80x128xi32, #tpu.memory_space<vmem>> -> memref<1x128xi32, #tpu.memory_space<vmem>>
      %dma_start3A_180 = tpu.memref_squeeze %dma_start3A_179 : memref<1x128xi32, #tpu.memory_space<vmem>> -> memref<128xi32, #tpu.memory_space<vmem>>
      %dma_start3A_181 = arith.constant 0 : i32
      %dma_start3A_182 = arith.constant 0 : i32
      %dma_start3A_183 = tpu.memref_slice %arg2[%dma_start3A_181, %dma_start3A_182] : memref<10112x64xf32, #tpu.memory_space<hbm>> -> memref<10112x64xf32, #tpu.memory_space<hbm>>
      tpu.enqueue_indirect_dma source(%dma_start3A_183 : memref<10112x64xf32, #tpu.memory_space<hbm>>) target(%dma_start3A_177 : memref<128x64xf32, #tpu.memory_space<vmem>>) offsets(%dma_start3A_180 : memref<128xi32, #tpu.memory_space<vmem>>) semaphore(%arg10 : memref<!tpu.dma_semaphore, #tpu.memory_space<semaphore_mem>>)
      %mul3A_184 = arith.constant 4 : i32
      %mul3A_185 = arith.muli %add3A_136, %mul3A_184 : i32
      %add3A_186 = arith.constant 3 : i32
      %add3A_187 = arith.addi %mul3A_185, %add3A_186 : i32
      %dma_start3A_188 = arith.constant 0 : i32
      %dma_start3A_189 = arith.constant 384 : i32
      %dma_start3A_190 = arith.constant 0 : i32
      %dma_start3A_191 = tpu.memref_slice %arg8[%dma_start3A_188, %dma_start3A_189, %dma_start3A_190] : memref<2x512x64xf32, #tpu.memory_space<vmem>> -> memref<1x128x64xf32, #tpu.memory_space<vmem>>
      %dma_start3A_192 = tpu.memref_squeeze %dma_start3A_191 : memref<1x128x64xf32, #tpu.memory_space<vmem>> -> memref<128x64xf32, #tpu.memory_space<vmem>>
      %dma_start3A_193 = arith.constant 0 : i32
      %dma_start3A_194 = tpu.memref_slice %arg6[%add3A_187, %dma_start3A_193] : memref<80x128xi32, #tpu.memory_space<vmem>> -> memref<1x128xi32, #tpu.memory_space<vmem>>
      %dma_start3A_195 = tpu.memref_squeeze %dma_start3A_194 : memref<1x128xi32, #tpu.memory_space<vmem>> -> memref<128xi32, #tpu.memory_space<vmem>>
      %dma_start3A_196 = arith.constant 0 : i32
      %dma_start3A_197 = arith.constant 0 : i32
      %dma_start3A_198 = tpu.memref_slice %arg2[%dma_start3A_196, %dma_start3A_197] : memref<10112x64xf32, #tpu.memory_space<hbm>> -> memref<10112x64xf32, #tpu.memory_space<hbm>>
      tpu.enqueue_indirect_dma source(%dma_start3A_198 : memref<10112x64xf32, #tpu.memory_space<hbm>>) target(%dma_start3A_192 : memref<128x64xf32, #tpu.memory_space<vmem>>) offsets(%dma_start3A_195 : memref<128xi32, #tpu.memory_space<vmem>>) semaphore(%arg10 : memref<!tpu.dma_semaphore, #tpu.memory_space<semaphore_mem>>)
      %mul3A_199 = arith.constant 4 : i32
      %mul3A_200 = arith.muli %add3A_136, %mul3A_199 : i32
      %add3A_201 = arith.constant 0 : i32
      %add3A_202 = arith.addi %mul3A_200, %add3A_201 : i32
      %dma_wait3A_203 = arith.constant 0 : i32
      %dma_wait3A_204 = arith.constant 0 : i32
      %dma_wait3A_205 = arith.constant 0 : i32
      %dma_wait3A_206 = tpu.memref_slice %arg8[%dma_wait3A_203, %dma_wait3A_204, %dma_wait3A_205] : memref<2x512x64xf32, #tpu.memory_space<vmem>> -> memref<1x128x64xf32, #tpu.memory_space<vmem>>
      %dma_wait3A_207 = tpu.memref_squeeze %dma_wait3A_206 : memref<1x128x64xf32, #tpu.memory_space<vmem>> -> memref<128x64xf32, #tpu.memory_space<vmem>>
      %dma_wait3A_208 = arith.constant 0 : i32
      %dma_wait3A_209 = tpu.memref_slice %arg6[%add3A_202, %dma_wait3A_208] : memref<80x128xi32, #tpu.memory_space<vmem>> -> memref<1x128xi32, #tpu.memory_space<vmem>>
      %dma_wait3A_210 = tpu.memref_squeeze %dma_wait3A_209 : memref<1x128xi32, #tpu.memory_space<vmem>> -> memref<128xi32, #tpu.memory_space<vmem>>
      %dma_wait3A_211 = arith.constant 0 : i32
      %dma_wait3A_212 = arith.constant 0 : i32
      %dma_wait3A_213 = tpu.memref_slice %arg2[%dma_wait3A_211, %dma_wait3A_212] : memref<10112x64xf32, #tpu.memory_space<hbm>> -> memref<10112x64xf32, #tpu.memory_space<hbm>>
      tpu.wait_indirect_dma semaphore(%arg10 : memref<!tpu.dma_semaphore, #tpu.memory_space<semaphore_mem>>) src(%dma_wait3A_213 : memref<10112x64xf32, #tpu.memory_space<hbm>>) dst(%dma_wait3A_207 : memref<128x64xf32, #tpu.memory_space<vmem>>)
      %mul3A_214 = arith.constant 4 : i32
      %mul3A_215 = arith.muli %add3A_136, %mul3A_214 : i32
      %add3A_216 = arith.constant 1 : i32
      %add3A_217 = arith.addi %mul3A_215, %add3A_216 : i32
      %dma_wait3A_218 = arith.constant 0 : i32
      %dma_wait3A_219 = arith.constant 128 : i32
      %dma_wait3A_220 = arith.constant 0 : i32
      %dma_wait3A_221 = tpu.memref_slice %arg8[%dma_wait3A_218, %dma_wait3A_219, %dma_wait3A_220] : memref<2x512x64xf32, #tpu.memory_space<vmem>> -> memref<1x128x64xf32, #tpu.memory_space<vmem>>
      %dma_wait3A_222 = tpu.memref_squeeze %dma_wait3A_221 : memref<1x128x64xf32, #tpu.memory_space<vmem>> -> memref<128x64xf32, #tpu.memory_space<vmem>>
      %dma_wait3A_223 = arith.constant 0 : i32
      %dma_wait3A_224 = tpu.memref_slice %arg6[%add3A_217, %dma_wait3A_223] : memref<80x128xi32, #tpu.memory_space<vmem>> -> memref<1x128xi32, #tpu.memory_space<vmem>>
      %dma_wait3A_225 = tpu.memref_squeeze %dma_wait3A_224 : memref<1x128xi32, #tpu.memory_space<vmem>> -> memref<128xi32, #tpu.memory_space<vmem>>
      %dma_wait3A_226 = arith.constant 0 : i32
      %dma_wait3A_227 = arith.constant 0 : i32
      %dma_wait3A_228 = tpu.memref_slice %arg2[%dma_wait3A_226, %dma_wait3A_227] : memref<10112x64xf32, #tpu.memory_space<hbm>> -> memref<10112x64xf32, #tpu.memory_space<hbm>>
      tpu.wait_indirect_dma semaphore(%arg10 : memref<!tpu.dma_semaphore, #tpu.memory_space<semaphore_mem>>) src(%dma_wait3A_228 : memref<10112x64xf32, #tpu.memory_space<hbm>>) dst(%dma_wait3A_222 : memref<128x64xf32, #tpu.memory_space<vmem>>)
      %mul3A_229 = arith.constant 4 : i32
      %mul3A_230 = arith.muli %add3A_136, %mul3A_229 : i32
      %add3A_231 = arith.constant 2 : i32
      %add3A_232 = arith.addi %mul3A_230, %add3A_231 : i32
      %dma_wait3A_233 = arith.constant 0 : i32
      %dma_wait3A_234 = arith.constant 256 : i32
      %dma_wait3A_235 = arith.constant 0 : i32
      %dma_wait3A_236 = tpu.memref_slice %arg8[%dma_wait3A_233, %dma_wait3A_234, %dma_wait3A_235] : memref<2x512x64xf32, #tpu.memory_space<vmem>> -> memref<1x128x64xf32, #tpu.memory_space<vmem>>
      %dma_wait3A_237 = tpu.memref_squeeze %dma_wait3A_236 : memref<1x128x64xf32, #tpu.memory_space<vmem>> -> memref<128x64xf32, #tpu.memory_space<vmem>>
      %dma_wait3A_238 = arith.constant 0 : i32
      %dma_wait3A_239 = tpu.memref_slice %arg6[%add3A_232, %dma_wait3A_238] : memref<80x128xi32, #tpu.memory_space<vmem>> -> memref<1x128xi32, #tpu.memory_space<vmem>>
      %dma_wait3A_240 = tpu.memref_squeeze %dma_wait3A_239 : memref<1x128xi32, #tpu.memory_space<vmem>> -> memref<128xi32, #tpu.memory_space<vmem>>
      %dma_wait3A_241 = arith.constant 0 : i32
      %dma_wait3A_242 = arith.constant 0 : i32
      %dma_wait3A_243 = tpu.memref_slice %arg2[%dma_wait3A_241, %dma_wait3A_242] : memref<10112x64xf32, #tpu.memory_space<hbm>> -> memref<10112x64xf32, #tpu.memory_space<hbm>>
      tpu.wait_indirect_dma semaphore(%arg10 : memref<!tpu.dma_semaphore, #tpu.memory_space<semaphore_mem>>) src(%dma_wait3A_243 : memref<10112x64xf32, #tpu.memory_space<hbm>>) dst(%dma_wait3A_237 : memref<128x64xf32, #tpu.memory_space<vmem>>)
      %mul3A_244 = arith.constant 4 : i32
      %mul3A_245 = arith.muli %add3A_136, %mul3A_244 : i32
      %add3A_246 = arith.constant 3 : i32
      %add3A_247 = arith.addi %mul3A_245, %add3A_246 : i32
      %dma_wait3A_248 = arith.constant 0 : i32
      %dma_wait3A_249 = arith.constant 384 : i32
      %dma_wait3A_250 = arith.constant 0 : i32
      %dma_wait3A_251 = tpu.memref_slice %arg8[%dma_wait3A_248, %dma_wait3A_249, %dma_wait3A_250] : memref<2x512x64xf32, #tpu.memory_space<vmem>> -> memref<1x128x64xf32, #tpu.memory_space<vmem>>
      %dma_wait3A_252 = tpu.memref_squeeze %dma_wait3A_251 : memref<1x128x64xf32, #tpu.memory_space<vmem>> -> memref<128x64xf32, #tpu.memory_space<vmem>>
      %dma_wait3A_253 = arith.constant 0 : i32
      %dma_wait3A_254 = tpu.memref_slice %arg6[%add3A_247, %dma_wait3A_253] : memref<80x128xi32, #tpu.memory_space<vmem>> -> memref<1x128xi32, #tpu.memory_space<vmem>>
      %dma_wait3A_255 = tpu.memref_squeeze %dma_wait3A_254 : memref<1x128xi32, #tpu.memory_space<vmem>> -> memref<128xi32, #tpu.memory_space<vmem>>
      %dma_wait3A_256 = arith.constant 0 : i32
      %dma_wait3A_257 = arith.constant 0 : i32
      %dma_wait3A_258 = tpu.memref_slice %arg2[%dma_wait3A_256, %dma_wait3A_257] : memref<10112x64xf32, #tpu.memory_space<hbm>> -> memref<10112x64xf32, #tpu.memory_space<hbm>>
      tpu.wait_indirect_dma semaphore(%arg10 : memref<!tpu.dma_semaphore, #tpu.memory_space<semaphore_mem>>) src(%dma_wait3A_258 : memref<10112x64xf32, #tpu.memory_space<hbm>>) dst(%dma_wait3A_252 : memref<128x64xf32, #tpu.memory_space<vmem>>)
      %mul3A_259 = arith.constant 4 : i32
      %mul3A_260 = arith.muli %add3A_136, %mul3A_259 : i32
      %add3A_261 = arith.constant 0 : i32
      %add3A_262 = arith.addi %mul3A_260, %add3A_261 : i32
      %dma_start3A_263 = arith.constant 0 : i32
      %dma_start3A_264 = arith.constant 0 : i32
      %dma_start3A_265 = arith.constant 0 : i32
      %dma_start3A_266 = tpu.memref_slice %arg8[%dma_start3A_263, %dma_start3A_264, %dma_start3A_265] : memref<2x512x64xf32, #tpu.memory_space<vmem>> -> memref<1x128x64xf32, #tpu.memory_space<vmem>>
      %dma_start3A_267 = tpu.memref_squeeze %dma_start3A_266 : memref<1x128x64xf32, #tpu.memory_space<vmem>> -> memref<128x64xf32, #tpu.memory_space<vmem>>
      %dma_start3A_268 = arith.constant 0 : i32
      %dma_start3A_269 = tpu.memref_slice %arg7[%add3A_262, %dma_start3A_268] : memref<80x128xi32, #tpu.memory_space<vmem>> -> memref<1x128xi32, #tpu.memory_space<vmem>>
      %dma_start3A_270 = tpu.memref_squeeze %dma_start3A_269 : memref<1x128xi32, #tpu.memory_space<vmem>> -> memref<128xi32, #tpu.memory_space<vmem>>
      %dma_start3A_271 = arith.constant 0 : i32
      %dma_start3A_272 = arith.constant 0 : i32
      %dma_start3A_273 = tpu.memref_slice %arg9[%dma_start3A_271, %dma_start3A_272] : memref<10112x64xf32, #tpu.memory_space<vmem_shared>> -> memref<10112x64xf32, #tpu.memory_space<vmem_shared>>
      tpu.enqueue_indirect_dma source(%dma_start3A_267 : memref<128x64xf32, #tpu.memory_space<vmem>>) target(%dma_start3A_273 : memref<10112x64xf32, #tpu.memory_space<vmem_shared>>) offsets(%dma_start3A_270 : memref<128xi32, #tpu.memory_space<vmem>>) semaphore(%arg11 : memref<!tpu.dma_semaphore, #tpu.memory_space<semaphore_mem>>) {add = true}
      %mul3A_274 = arith.constant 4 : i32
      %mul3A_275 = arith.muli %add3A_136, %mul3A_274 : i32
      %add3A_276 = arith.constant 1 : i32
      %add3A_277 = arith.addi %mul3A_275, %add3A_276 : i32
      %dma_start3A_278 = arith.constant 0 : i32
      %dma_start3A_279 = arith.constant 128 : i32
      %dma_start3A_280 = arith.constant 0 : i32
      %dma_start3A_281 = tpu.memref_slice %arg8[%dma_start3A_278, %dma_start3A_279, %dma_start3A_280] : memref<2x512x64xf32, #tpu.memory_space<vmem>> -> memref<1x128x64xf32, #tpu.memory_space<vmem>>
      %dma_start3A_282 = tpu.memref_squeeze %dma_start3A_281 : memref<1x128x64xf32, #tpu.memory_space<vmem>> -> memref<128x64xf32, #tpu.memory_space<vmem>>
      %dma_start3A_283 = arith.constant 0 : i32
      %dma_start3A_284 = tpu.memref_slice %arg7[%add3A_277, %dma_start3A_283] : memref<80x128xi32, #tpu.memory_space<vmem>> -> memref<1x128xi32, #tpu.memory_space<vmem>>
      %dma_start3A_285 = tpu.memref_squeeze %dma_start3A_284 : memref<1x128xi32, #tpu.memory_space<vmem>> -> memref<128xi32, #tpu.memory_space<vmem>>
      %dma_start3A_286 = arith.constant 0 : i32
      %dma_start3A_287 = arith.constant 0 : i32
      %dma_start3A_288 = tpu.memref_slice %arg9[%dma_start3A_286, %dma_start3A_287] : memref<10112x64xf32, #tpu.memory_space<vmem_shared>> -> memref<10112x64xf32, #tpu.memory_space<vmem_shared>>
      tpu.enqueue_indirect_dma source(%dma_start3A_282 : memref<128x64xf32, #tpu.memory_space<vmem>>) target(%dma_start3A_288 : memref<10112x64xf32, #tpu.memory_space<vmem_shared>>) offsets(%dma_start3A_285 : memref<128xi32, #tpu.memory_space<vmem>>) semaphore(%arg11 : memref<!tpu.dma_semaphore, #tpu.memory_space<semaphore_mem>>) {add = true}
      %mul3A_289 = arith.constant 4 : i32
      %mul3A_290 = arith.muli %add3A_136, %mul3A_289 : i32
      %add3A_291 = arith.constant 2 : i32
      %add3A_292 = arith.addi %mul3A_290, %add3A_291 : i32
      %dma_start3A_293 = arith.constant 0 : i32
      %dma_start3A_294 = arith.constant 256 : i32
      %dma_start3A_295 = arith.constant 0 : i32
      %dma_start3A_296 = tpu.memref_slice %arg8[%dma_start3A_293, %dma_start3A_294, %dma_start3A_295] : memref<2x512x64xf32, #tpu.memory_space<vmem>> -> memref<1x128x64xf32, #tpu.memory_space<vmem>>
      %dma_start3A_297 = tpu.memref_squeeze %dma_start3A_296 : memref<1x128x64xf32, #tpu.memory_space<vmem>> -> memref<128x64xf32, #tpu.memory_space<vmem>>
      %dma_start3A_298 = arith.constant 0 : i32
      %dma_start3A_299 = tpu.memref_slice %arg7[%add3A_292, %dma_start3A_298] : memref<80x128xi32, #tpu.memory_space<vmem>> -> memref<1x128xi32, #tpu.memory_space<vmem>>
      %dma_start3A_300 = tpu.memref_squeeze %dma_start3A_299 : memref<1x128xi32, #tpu.memory_space<vmem>> -> memref<128xi32, #tpu.memory_space<vmem>>
      %dma_start3A_301 = arith.constant 0 : i32
      %dma_start3A_302 = arith.constant 0 : i32
      %dma_start3A_303 = tpu.memref_slice %arg9[%dma_start3A_301, %dma_start3A_302] : memref<10112x64xf32, #tpu.memory_space<vmem_shared>> -> memref<10112x64xf32, #tpu.memory_space<vmem_shared>>
      tpu.enqueue_indirect_dma source(%dma_start3A_297 : memref<128x64xf32, #tpu.memory_space<vmem>>) target(%dma_start3A_303 : memref<10112x64xf32, #tpu.memory_space<vmem_shared>>) offsets(%dma_start3A_300 : memref<128xi32, #tpu.memory_space<vmem>>) semaphore(%arg11 : memref<!tpu.dma_semaphore, #tpu.memory_space<semaphore_mem>>) {add = true}
      %mul3A_304 = arith.constant 4 : i32
      %mul3A_305 = arith.muli %add3A_136, %mul3A_304 : i32
      %add3A_306 = arith.constant 3 : i32
      %add3A_307 = arith.addi %mul3A_305, %add3A_306 : i32
      %dma_start3A_308 = arith.constant 0 : i32
      %dma_start3A_309 = arith.constant 384 : i32
      %dma_start3A_310 = arith.constant 0 : i32
      %dma_start3A_311 = tpu.memref_slice %arg8[%dma_start3A_308, %dma_start3A_309, %dma_start3A_310] : memref<2x512x64xf32, #tpu.memory_space<vmem>> -> memref<1x128x64xf32, #tpu.memory_space<vmem>>
      %dma_start3A_312 = tpu.memref_squeeze %dma_start3A_311 : memref<1x128x64xf32, #tpu.memory_space<vmem>> -> memref<128x64xf32, #tpu.memory_space<vmem>>
      %dma_start3A_313 = arith.constant 0 : i32
      %dma_start3A_314 = tpu.memref_slice %arg7[%add3A_307, %dma_start3A_313] : memref<80x128xi32, #tpu.memory_space<vmem>> -> memref<1x128xi32, #tpu.memory_space<vmem>>
      %dma_start3A_315 = tpu.memref_squeeze %dma_start3A_314 : memref<1x128xi32, #tpu.memory_space<vmem>> -> memref<128xi32, #tpu.memory_space<vmem>>
      %dma_start3A_316 = arith.constant 0 : i32
      %dma_start3A_317 = arith.constant 0 : i32
      %dma_start3A_318 = tpu.memref_slice %arg9[%dma_start3A_316, %dma_start3A_317] : memref<10112x64xf32, #tpu.memory_space<vmem_shared>> -> memref<10112x64xf32, #tpu.memory_space<vmem_shared>>
      tpu.enqueue_indirect_dma source(%dma_start3A_312 : memref<128x64xf32, #tpu.memory_space<vmem>>) target(%dma_start3A_318 : memref<10112x64xf32, #tpu.memory_space<vmem_shared>>) offsets(%dma_start3A_315 : memref<128xi32, #tpu.memory_space<vmem>>) semaphore(%arg11 : memref<!tpu.dma_semaphore, #tpu.memory_space<semaphore_mem>>) {add = true}
      %mul3A_319 = arith.constant 2 : i32
      %mul3A_320 = arith.muli %mul3A_319, %add3A_132 : i32
      %add3A_321 = arith.constant 1 : i32
      %add3A_322 = arith.addi %mul3A_320, %add3A_321 : i32
      %gt3A_323 = arith.constant 0 : i32
      %gt3A_324 = arith.cmpi sgt, %add3A_132, %gt3A_323 : i32
      %convert_element_type3A_325 = arith.extui %gt3A_324 : i1 to i32
      %cond3A_326 = arith.constant 0 : i32
      %cond3A_327 = arith.cmpi ne, %convert_element_type3A_325, %cond3A_326 : i32
      scf.if %cond3A_327 {
        %mul3A_508 = arith.constant 4 : i32
        %mul3A_509 = arith.muli %add3A_322, %mul3A_508 : i32
        %add3A_510 = arith.constant 0 : i32
        %add3A_511 = arith.addi %mul3A_509, %add3A_510 : i32
        %dma_wait3A_512 = arith.constant 1 : i32
        %dma_wait3A_513 = arith.constant 0 : i32
        %dma_wait3A_514 = arith.constant 0 : i32
        %dma_wait3A_515 = tpu.memref_slice %arg8[%dma_wait3A_512, %dma_wait3A_513, %dma_wait3A_514] : memref<2x512x64xf32, #tpu.memory_space<vmem>> -> memref<1x128x64xf32, #tpu.memory_space<vmem>>
        %dma_wait3A_516 = tpu.memref_squeeze %dma_wait3A_515 : memref<1x128x64xf32, #tpu.memory_space<vmem>> -> memref<128x64xf32, #tpu.memory_space<vmem>>
        %dma_wait3A_517 = arith.constant 0 : i32
        %dma_wait3A_518 = tpu.memref_slice %arg7[%add3A_511, %dma_wait3A_517] : memref<80x128xi32, #tpu.memory_space<vmem>> -> memref<1x128xi32, #tpu.memory_space<vmem>>
        %dma_wait3A_519 = tpu.memref_squeeze %dma_wait3A_518 : memref<1x128xi32, #tpu.memory_space<vmem>> -> memref<128xi32, #tpu.memory_space<vmem>>
        %dma_wait3A_520 = arith.constant 0 : i32
        %dma_wait3A_521 = arith.constant 0 : i32
        %dma_wait3A_522 = tpu.memref_slice %arg9[%dma_wait3A_520, %dma_wait3A_521] : memref<10112x64xf32, #tpu.memory_space<vmem_shared>> -> memref<10112x64xf32, #tpu.memory_space<vmem_shared>>
        tpu.wait_indirect_dma semaphore(%arg12 : memref<!tpu.dma_semaphore, #tpu.memory_space<semaphore_mem>>) src(%dma_wait3A_516 : memref<128x64xf32, #tpu.memory_space<vmem>>) dst(%dma_wait3A_522 : memref<10112x64xf32, #tpu.memory_space<vmem_shared>>)
        %mul3A_523 = arith.constant 4 : i32
        %mul3A_524 = arith.muli %add3A_322, %mul3A_523 : i32
        %add3A_525 = arith.constant 1 : i32
        %add3A_526 = arith.addi %mul3A_524, %add3A_525 : i32
        %dma_wait3A_527 = arith.constant 1 : i32
        %dma_wait3A_528 = arith.constant 128 : i32
        %dma_wait3A_529 = arith.constant 0 : i32
        %dma_wait3A_530 = tpu.memref_slice %arg8[%dma_wait3A_527, %dma_wait3A_528, %dma_wait3A_529] : memref<2x512x64xf32, #tpu.memory_space<vmem>> -> memref<1x128x64xf32, #tpu.memory_space<vmem>>
        %dma_wait3A_531 = tpu.memref_squeeze %dma_wait3A_530 : memref<1x128x64xf32, #tpu.memory_space<vmem>> -> memref<128x64xf32, #tpu.memory_space<vmem>>
        %dma_wait3A_532 = arith.constant 0 : i32
        %dma_wait3A_533 = tpu.memref_slice %arg7[%add3A_526, %dma_wait3A_532] : memref<80x128xi32, #tpu.memory_space<vmem>> -> memref<1x128xi32, #tpu.memory_space<vmem>>
        %dma_wait3A_534 = tpu.memref_squeeze %dma_wait3A_533 : memref<1x128xi32, #tpu.memory_space<vmem>> -> memref<128xi32, #tpu.memory_space<vmem>>
        %dma_wait3A_535 = arith.constant 0 : i32
        %dma_wait3A_536 = arith.constant 0 : i32
        %dma_wait3A_537 = tpu.memref_slice %arg9[%dma_wait3A_535, %dma_wait3A_536] : memref<10112x64xf32, #tpu.memory_space<vmem_shared>> -> memref<10112x64xf32, #tpu.memory_space<vmem_shared>>
        tpu.wait_indirect_dma semaphore(%arg12 : memref<!tpu.dma_semaphore, #tpu.memory_space<semaphore_mem>>) src(%dma_wait3A_531 : memref<128x64xf32, #tpu.memory_space<vmem>>) dst(%dma_wait3A_537 : memref<10112x64xf32, #tpu.memory_space<vmem_shared>>)
        %mul3A_538 = arith.constant 4 : i32
        %mul3A_539 = arith.muli %add3A_322, %mul3A_538 : i32
        %add3A_540 = arith.constant 2 : i32
        %add3A_541 = arith.addi %mul3A_539, %add3A_540 : i32
        %dma_wait3A_542 = arith.constant 1 : i32
        %dma_wait3A_543 = arith.constant 256 : i32
        %dma_wait3A_544 = arith.constant 0 : i32
        %dma_wait3A_545 = tpu.memref_slice %arg8[%dma_wait3A_542, %dma_wait3A_543, %dma_wait3A_544] : memref<2x512x64xf32, #tpu.memory_space<vmem>> -> memref<1x128x64xf32, #tpu.memory_space<vmem>>
        %dma_wait3A_546 = tpu.memref_squeeze %dma_wait3A_545 : memref<1x128x64xf32, #tpu.memory_space<vmem>> -> memref<128x64xf32, #tpu.memory_space<vmem>>
        %dma_wait3A_547 = arith.constant 0 : i32
        %dma_wait3A_548 = tpu.memref_slice %arg7[%add3A_541, %dma_wait3A_547] : memref<80x128xi32, #tpu.memory_space<vmem>> -> memref<1x128xi32, #tpu.memory_space<vmem>>
        %dma_wait3A_549 = tpu.memref_squeeze %dma_wait3A_548 : memref<1x128xi32, #tpu.memory_space<vmem>> -> memref<128xi32, #tpu.memory_space<vmem>>
        %dma_wait3A_550 = arith.constant 0 : i32
        %dma_wait3A_551 = arith.constant 0 : i32
        %dma_wait3A_552 = tpu.memref_slice %arg9[%dma_wait3A_550, %dma_wait3A_551] : memref<10112x64xf32, #tpu.memory_space<vmem_shared>> -> memref<10112x64xf32, #tpu.memory_space<vmem_shared>>
        tpu.wait_indirect_dma semaphore(%arg12 : memref<!tpu.dma_semaphore, #tpu.memory_space<semaphore_mem>>) src(%dma_wait3A_546 : memref<128x64xf32, #tpu.memory_space<vmem>>) dst(%dma_wait3A_552 : memref<10112x64xf32, #tpu.memory_space<vmem_shared>>)
        %mul3A_553 = arith.constant 4 : i32
        %mul3A_554 = arith.muli %add3A_322, %mul3A_553 : i32
        %add3A_555 = arith.constant 3 : i32
        %add3A_556 = arith.addi %mul3A_554, %add3A_555 : i32
        %dma_wait3A_557 = arith.constant 1 : i32
        %dma_wait3A_558 = arith.constant 384 : i32
        %dma_wait3A_559 = arith.constant 0 : i32
        %dma_wait3A_560 = tpu.memref_slice %arg8[%dma_wait3A_557, %dma_wait3A_558, %dma_wait3A_559] : memref<2x512x64xf32, #tpu.memory_space<vmem>> -> memref<1x128x64xf32, #tpu.memory_space<vmem>>
        %dma_wait3A_561 = tpu.memref_squeeze %dma_wait3A_560 : memref<1x128x64xf32, #tpu.memory_space<vmem>> -> memref<128x64xf32, #tpu.memory_space<vmem>>
        %dma_wait3A_562 = arith.constant 0 : i32
        %dma_wait3A_563 = tpu.memref_slice %arg7[%add3A_556, %dma_wait3A_562] : memref<80x128xi32, #tpu.memory_space<vmem>> -> memref<1x128xi32, #tpu.memory_space<vmem>>
        %dma_wait3A_564 = tpu.memref_squeeze %dma_wait3A_563 : memref<1x128xi32, #tpu.memory_space<vmem>> -> memref<128xi32, #tpu.memory_space<vmem>>
        %dma_wait3A_565 = arith.constant 0 : i32
        %dma_wait3A_566 = arith.constant 0 : i32
        %dma_wait3A_567 = tpu.memref_slice %arg9[%dma_wait3A_565, %dma_wait3A_566] : memref<10112x64xf32, #tpu.memory_space<vmem_shared>> -> memref<10112x64xf32, #tpu.memory_space<vmem_shared>>
        tpu.wait_indirect_dma semaphore(%arg12 : memref<!tpu.dma_semaphore, #tpu.memory_space<semaphore_mem>>) src(%dma_wait3A_561 : memref<128x64xf32, #tpu.memory_space<vmem>>) dst(%dma_wait3A_567 : memref<10112x64xf32, #tpu.memory_space<vmem_shared>>)
      } else {
      }
      %mul3A_328 = arith.constant 4 : i32
      %mul3A_329 = arith.muli %add3A_322, %mul3A_328 : i32
      %add3A_330 = arith.constant 0 : i32
      %add3A_331 = arith.addi %mul3A_329, %add3A_330 : i32
      %dma_start3A_332 = arith.constant 1 : i32
      %dma_start3A_333 = arith.constant 0 : i32
      %dma_start3A_334 = arith.constant 0 : i32
      %dma_start3A_335 = tpu.memref_slice %arg8[%dma_start3A_332, %dma_start3A_333, %dma_start3A_334] : memref<2x512x64xf32, #tpu.memory_space<vmem>> -> memref<1x128x64xf32, #tpu.memory_space<vmem>>
      %dma_start3A_336 = tpu.memref_squeeze %dma_start3A_335 : memref<1x128x64xf32, #tpu.memory_space<vmem>> -> memref<128x64xf32, #tpu.memory_space<vmem>>
      %dma_start3A_337 = arith.constant 0 : i32
      %dma_start3A_338 = tpu.memref_slice %arg6[%add3A_331, %dma_start3A_337] : memref<80x128xi32, #tpu.memory_space<vmem>> -> memref<1x128xi32, #tpu.memory_space<vmem>>
      %dma_start3A_339 = tpu.memref_squeeze %dma_start3A_338 : memref<1x128xi32, #tpu.memory_space<vmem>> -> memref<128xi32, #tpu.memory_space<vmem>>
      %dma_start3A_340 = arith.constant 0 : i32
      %dma_start3A_341 = arith.constant 0 : i32
      %dma_start3A_342 = tpu.memref_slice %arg2[%dma_start3A_340, %dma_start3A_341] : memref<10112x64xf32, #tpu.memory_space<hbm>> -> memref<10112x64xf32, #tpu.memory_space<hbm>>
      tpu.enqueue_indirect_dma source(%dma_start3A_342 : memref<10112x64xf32, #tpu.memory_space<hbm>>) target(%dma_start3A_336 : memref<128x64xf32, #tpu.memory_space<vmem>>) offsets(%dma_start3A_339 : memref<128xi32, #tpu.memory_space<vmem>>) semaphore(%arg10 : memref<!tpu.dma_semaphore, #tpu.memory_space<semaphore_mem>>)
      %mul3A_343 = arith.constant 4 : i32
      %mul3A_344 = arith.muli %add3A_322, %mul3A_343 : i32
      %add3A_345 = arith.constant 1 : i32
      %add3A_346 = arith.addi %mul3A_344, %add3A_345 : i32
      %dma_start3A_347 = arith.constant 1 : i32
      %dma_start3A_348 = arith.constant 128 : i32
      %dma_start3A_349 = arith.constant 0 : i32
      %dma_start3A_350 = tpu.memref_slice %arg8[%dma_start3A_347, %dma_start3A_348, %dma_start3A_349] : memref<2x512x64xf32, #tpu.memory_space<vmem>> -> memref<1x128x64xf32, #tpu.memory_space<vmem>>
      %dma_start3A_351 = tpu.memref_squeeze %dma_start3A_350 : memref<1x128x64xf32, #tpu.memory_space<vmem>> -> memref<128x64xf32, #tpu.memory_space<vmem>>
      %dma_start3A_352 = arith.constant 0 : i32
      %dma_start3A_353 = tpu.memref_slice %arg6[%add3A_346, %dma_start3A_352] : memref<80x128xi32, #tpu.memory_space<vmem>> -> memref<1x128xi32, #tpu.memory_space<vmem>>
      %dma_start3A_354 = tpu.memref_squeeze %dma_start3A_353 : memref<1x128xi32, #tpu.memory_space<vmem>> -> memref<128xi32, #tpu.memory_space<vmem>>
      %dma_start3A_355 = arith.constant 0 : i32
      %dma_start3A_356 = arith.constant 0 : i32
      %dma_start3A_357 = tpu.memref_slice %arg2[%dma_start3A_355, %dma_start3A_356] : memref<10112x64xf32, #tpu.memory_space<hbm>> -> memref<10112x64xf32, #tpu.memory_space<hbm>>
      tpu.enqueue_indirect_dma source(%dma_start3A_357 : memref<10112x64xf32, #tpu.memory_space<hbm>>) target(%dma_start3A_351 : memref<128x64xf32, #tpu.memory_space<vmem>>) offsets(%dma_start3A_354 : memref<128xi32, #tpu.memory_space<vmem>>) semaphore(%arg10 : memref<!tpu.dma_semaphore, #tpu.memory_space<semaphore_mem>>)
      %mul3A_358 = arith.constant 4 : i32
      %mul3A_359 = arith.muli %add3A_322, %mul3A_358 : i32
      %add3A_360 = arith.constant 2 : i32
      %add3A_361 = arith.addi %mul3A_359, %add3A_360 : i32
      %dma_start3A_362 = arith.constant 1 : i32
      %dma_start3A_363 = arith.constant 256 : i32
      %dma_start3A_364 = arith.constant 0 : i32
      %dma_start3A_365 = tpu.memref_slice %arg8[%dma_start3A_362, %dma_start3A_363, %dma_start3A_364] : memref<2x512x64xf32, #tpu.memory_space<vmem>> -> memref<1x128x64xf32, #tpu.memory_space<vmem>>
      %dma_start3A_366 = tpu.memref_squeeze %dma_start3A_365 : memref<1x128x64xf32, #tpu.memory_space<vmem>> -> memref<128x64xf32, #tpu.memory_space<vmem>>
      %dma_start3A_367 = arith.constant 0 : i32
      %dma_start3A_368 = tpu.memref_slice %arg6[%add3A_361, %dma_start3A_367] : memref<80x128xi32, #tpu.memory_space<vmem>> -> memref<1x128xi32, #tpu.memory_space<vmem>>
      %dma_start3A_369 = tpu.memref_squeeze %dma_start3A_368 : memref<1x128xi32, #tpu.memory_space<vmem>> -> memref<128xi32, #tpu.memory_space<vmem>>
      %dma_start3A_370 = arith.constant 0 : i32
      %dma_start3A_371 = arith.constant 0 : i32
      %dma_start3A_372 = tpu.memref_slice %arg2[%dma_start3A_370, %dma_start3A_371] : memref<10112x64xf32, #tpu.memory_space<hbm>> -> memref<10112x64xf32, #tpu.memory_space<hbm>>
      tpu.enqueue_indirect_dma source(%dma_start3A_372 : memref<10112x64xf32, #tpu.memory_space<hbm>>) target(%dma_start3A_366 : memref<128x64xf32, #tpu.memory_space<vmem>>) offsets(%dma_start3A_369 : memref<128xi32, #tpu.memory_space<vmem>>) semaphore(%arg10 : memref<!tpu.dma_semaphore, #tpu.memory_space<semaphore_mem>>)
      %mul3A_373 = arith.constant 4 : i32
      %mul3A_374 = arith.muli %add3A_322, %mul3A_373 : i32
      %add3A_375 = arith.constant 3 : i32
      %add3A_376 = arith.addi %mul3A_374, %add3A_375 : i32
      %dma_start3A_377 = arith.constant 1 : i32
      %dma_start3A_378 = arith.constant 384 : i32
      %dma_start3A_379 = arith.constant 0 : i32
      %dma_start3A_380 = tpu.memref_slice %arg8[%dma_start3A_377, %dma_start3A_378, %dma_start3A_379] : memref<2x512x64xf32, #tpu.memory_space<vmem>> -> memref<1x128x64xf32, #tpu.memory_space<vmem>>
      %dma_start3A_381 = tpu.memref_squeeze %dma_start3A_380 : memref<1x128x64xf32, #tpu.memory_space<vmem>> -> memref<128x64xf32, #tpu.memory_space<vmem>>
      %dma_start3A_382 = arith.constant 0 : i32
      %dma_start3A_383 = tpu.memref_slice %arg6[%add3A_376, %dma_start3A_382] : memref<80x128xi32, #tpu.memory_space<vmem>> -> memref<1x128xi32, #tpu.memory_space<vmem>>
      %dma_start3A_384 = tpu.memref_squeeze %dma_start3A_383 : memref<1x128xi32, #tpu.memory_space<vmem>> -> memref<128xi32, #tpu.memory_space<vmem>>
      %dma_start3A_385 = arith.constant 0 : i32
      %dma_start3A_386 = arith.constant 0 : i32
      %dma_start3A_387 = tpu.memref_slice %arg2[%dma_start3A_385, %dma_start3A_386] : memref<10112x64xf32, #tpu.memory_space<hbm>> -> memref<10112x64xf32, #tpu.memory_space<hbm>>
      tpu.enqueue_indirect_dma source(%dma_start3A_387 : memref<10112x64xf32, #tpu.memory_space<hbm>>) target(%dma_start3A_381 : memref<128x64xf32, #tpu.memory_space<vmem>>) offsets(%dma_start3A_384 : memref<128xi32, #tpu.memory_space<vmem>>) semaphore(%arg10 : memref<!tpu.dma_semaphore, #tpu.memory_space<semaphore_mem>>)
      %mul3A_388 = arith.constant 4 : i32
      %mul3A_389 = arith.muli %add3A_322, %mul3A_388 : i32
      %add3A_390 = arith.constant 0 : i32
      %add3A_391 = arith.addi %mul3A_389, %add3A_390 : i32
      %dma_wait3A_392 = arith.constant 1 : i32
      %dma_wait3A_393 = arith.constant 0 : i32
      %dma_wait3A_394 = arith.constant 0 : i32
      %dma_wait3A_395 = tpu.memref_slice %arg8[%dma_wait3A_392, %dma_wait3A_393, %dma_wait3A_394] : memref<2x512x64xf32, #tpu.memory_space<vmem>> -> memref<1x128x64xf32, #tpu.memory_space<vmem>>
      %dma_wait3A_396 = tpu.memref_squeeze %dma_wait3A_395 : memref<1x128x64xf32, #tpu.memory_space<vmem>> -> memref<128x64xf32, #tpu.memory_space<vmem>>
      %dma_wait3A_397 = arith.constant 0 : i32
      %dma_wait3A_398 = tpu.memref_slice %arg6[%add3A_391, %dma_wait3A_397] : memref<80x128xi32, #tpu.memory_space<vmem>> -> memref<1x128xi32, #tpu.memory_space<vmem>>
      %dma_wait3A_399 = tpu.memref_squeeze %dma_wait3A_398 : memref<1x128xi32, #tpu.memory_space<vmem>> -> memref<128xi32, #tpu.memory_space<vmem>>
      %dma_wait3A_400 = arith.constant 0 : i32
      %dma_wait3A_401 = arith.constant 0 : i32
      %dma_wait3A_402 = tpu.memref_slice %arg2[%dma_wait3A_400, %dma_wait3A_401] : memref<10112x64xf32, #tpu.memory_space<hbm>> -> memref<10112x64xf32, #tpu.memory_space<hbm>>
      tpu.wait_indirect_dma semaphore(%arg10 : memref<!tpu.dma_semaphore, #tpu.memory_space<semaphore_mem>>) src(%dma_wait3A_402 : memref<10112x64xf32, #tpu.memory_space<hbm>>) dst(%dma_wait3A_396 : memref<128x64xf32, #tpu.memory_space<vmem>>)
      %mul3A_403 = arith.constant 4 : i32
      %mul3A_404 = arith.muli %add3A_322, %mul3A_403 : i32
      %add3A_405 = arith.constant 1 : i32
      %add3A_406 = arith.addi %mul3A_404, %add3A_405 : i32
      %dma_wait3A_407 = arith.constant 1 : i32
      %dma_wait3A_408 = arith.constant 128 : i32
      %dma_wait3A_409 = arith.constant 0 : i32
      %dma_wait3A_410 = tpu.memref_slice %arg8[%dma_wait3A_407, %dma_wait3A_408, %dma_wait3A_409] : memref<2x512x64xf32, #tpu.memory_space<vmem>> -> memref<1x128x64xf32, #tpu.memory_space<vmem>>
      %dma_wait3A_411 = tpu.memref_squeeze %dma_wait3A_410 : memref<1x128x64xf32, #tpu.memory_space<vmem>> -> memref<128x64xf32, #tpu.memory_space<vmem>>
      %dma_wait3A_412 = arith.constant 0 : i32
      %dma_wait3A_413 = tpu.memref_slice %arg6[%add3A_406, %dma_wait3A_412] : memref<80x128xi32, #tpu.memory_space<vmem>> -> memref<1x128xi32, #tpu.memory_space<vmem>>
      %dma_wait3A_414 = tpu.memref_squeeze %dma_wait3A_413 : memref<1x128xi32, #tpu.memory_space<vmem>> -> memref<128xi32, #tpu.memory_space<vmem>>
      %dma_wait3A_415 = arith.constant 0 : i32
      %dma_wait3A_416 = arith.constant 0 : i32
      %dma_wait3A_417 = tpu.memref_slice %arg2[%dma_wait3A_415, %dma_wait3A_416] : memref<10112x64xf32, #tpu.memory_space<hbm>> -> memref<10112x64xf32, #tpu.memory_space<hbm>>
      tpu.wait_indirect_dma semaphore(%arg10 : memref<!tpu.dma_semaphore, #tpu.memory_space<semaphore_mem>>) src(%dma_wait3A_417 : memref<10112x64xf32, #tpu.memory_space<hbm>>) dst(%dma_wait3A_411 : memref<128x64xf32, #tpu.memory_space<vmem>>)
      %mul3A_418 = arith.constant 4 : i32
      %mul3A_419 = arith.muli %add3A_322, %mul3A_418 : i32
      %add3A_420 = arith.constant 2 : i32
      %add3A_421 = arith.addi %mul3A_419, %add3A_420 : i32
      %dma_wait3A_422 = arith.constant 1 : i32
      %dma_wait3A_423 = arith.constant 256 : i32
      %dma_wait3A_424 = arith.constant 0 : i32
      %dma_wait3A_425 = tpu.memref_slice %arg8[%dma_wait3A_422, %dma_wait3A_423, %dma_wait3A_424] : memref<2x512x64xf32, #tpu.memory_space<vmem>> -> memref<1x128x64xf32, #tpu.memory_space<vmem>>
      %dma_wait3A_426 = tpu.memref_squeeze %dma_wait3A_425 : memref<1x128x64xf32, #tpu.memory_space<vmem>> -> memref<128x64xf32, #tpu.memory_space<vmem>>
      %dma_wait3A_427 = arith.constant 0 : i32
      %dma_wait3A_428 = tpu.memref_slice %arg6[%add3A_421, %dma_wait3A_427] : memref<80x128xi32, #tpu.memory_space<vmem>> -> memref<1x128xi32, #tpu.memory_space<vmem>>
      %dma_wait3A_429 = tpu.memref_squeeze %dma_wait3A_428 : memref<1x128xi32, #tpu.memory_space<vmem>> -> memref<128xi32, #tpu.memory_space<vmem>>
      %dma_wait3A_430 = arith.constant 0 : i32
      %dma_wait3A_431 = arith.constant 0 : i32
      %dma_wait3A_432 = tpu.memref_slice %arg2[%dma_wait3A_430, %dma_wait3A_431] : memref<10112x64xf32, #tpu.memory_space<hbm>> -> memref<10112x64xf32, #tpu.memory_space<hbm>>
      tpu.wait_indirect_dma semaphore(%arg10 : memref<!tpu.dma_semaphore, #tpu.memory_space<semaphore_mem>>) src(%dma_wait3A_432 : memref<10112x64xf32, #tpu.memory_space<hbm>>) dst(%dma_wait3A_426 : memref<128x64xf32, #tpu.memory_space<vmem>>)
      %mul3A_433 = arith.constant 4 : i32
      %mul3A_434 = arith.muli %add3A_322, %mul3A_433 : i32
      %add3A_435 = arith.constant 3 : i32
      %add3A_436 = arith.addi %mul3A_434, %add3A_435 : i32
      %dma_wait3A_437 = arith.constant 1 : i32
      %dma_wait3A_438 = arith.constant 384 : i32
      %dma_wait3A_439 = arith.constant 0 : i32
      %dma_wait3A_440 = tpu.memref_slice %arg8[%dma_wait3A_437, %dma_wait3A_438, %dma_wait3A_439] : memref<2x512x64xf32, #tpu.memory_space<vmem>> -> memref<1x128x64xf32, #tpu.memory_space<vmem>>
      %dma_wait3A_441 = tpu.memref_squeeze %dma_wait3A_440 : memref<1x128x64xf32, #tpu.memory_space<vmem>> -> memref<128x64xf32, #tpu.memory_space<vmem>>
      %dma_wait3A_442 = arith.constant 0 : i32
      %dma_wait3A_443 = tpu.memref_slice %arg6[%add3A_436, %dma_wait3A_442] : memref<80x128xi32, #tpu.memory_space<vmem>> -> memref<1x128xi32, #tpu.memory_space<vmem>>
      %dma_wait3A_444 = tpu.memref_squeeze %dma_wait3A_443 : memref<1x128xi32, #tpu.memory_space<vmem>> -> memref<128xi32, #tpu.memory_space<vmem>>
      %dma_wait3A_445 = arith.constant 0 : i32
      %dma_wait3A_446 = arith.constant 0 : i32
      %dma_wait3A_447 = tpu.memref_slice %arg2[%dma_wait3A_445, %dma_wait3A_446] : memref<10112x64xf32, #tpu.memory_space<hbm>> -> memref<10112x64xf32, #tpu.memory_space<hbm>>
      tpu.wait_indirect_dma semaphore(%arg10 : memref<!tpu.dma_semaphore, #tpu.memory_space<semaphore_mem>>) src(%dma_wait3A_447 : memref<10112x64xf32, #tpu.memory_space<hbm>>) dst(%dma_wait3A_441 : memref<128x64xf32, #tpu.memory_space<vmem>>)
      %mul3A_448 = arith.constant 4 : i32
      %mul3A_449 = arith.muli %add3A_322, %mul3A_448 : i32
      %add3A_450 = arith.constant 0 : i32
      %add3A_451 = arith.addi %mul3A_449, %add3A_450 : i32
      %dma_start3A_452 = arith.constant 1 : i32
      %dma_start3A_453 = arith.constant 0 : i32
      %dma_start3A_454 = arith.constant 0 : i32
      %dma_start3A_455 = tpu.memref_slice %arg8[%dma_start3A_452, %dma_start3A_453, %dma_start3A_454] : memref<2x512x64xf32, #tpu.memory_space<vmem>> -> memref<1x128x64xf32, #tpu.memory_space<vmem>>
      %dma_start3A_456 = tpu.memref_squeeze %dma_start3A_455 : memref<1x128x64xf32, #tpu.memory_space<vmem>> -> memref<128x64xf32, #tpu.memory_space<vmem>>
      %dma_start3A_457 = arith.constant 0 : i32
      %dma_start3A_458 = tpu.memref_slice %arg7[%add3A_451, %dma_start3A_457] : memref<80x128xi32, #tpu.memory_space<vmem>> -> memref<1x128xi32, #tpu.memory_space<vmem>>
      %dma_start3A_459 = tpu.memref_squeeze %dma_start3A_458 : memref<1x128xi32, #tpu.memory_space<vmem>> -> memref<128xi32, #tpu.memory_space<vmem>>
      %dma_start3A_460 = arith.constant 0 : i32
      %dma_start3A_461 = arith.constant 0 : i32
      %dma_start3A_462 = tpu.memref_slice %arg9[%dma_start3A_460, %dma_start3A_461] : memref<10112x64xf32, #tpu.memory_space<vmem_shared>> -> memref<10112x64xf32, #tpu.memory_space<vmem_shared>>
      tpu.enqueue_indirect_dma source(%dma_start3A_456 : memref<128x64xf32, #tpu.memory_space<vmem>>) target(%dma_start3A_462 : memref<10112x64xf32, #tpu.memory_space<vmem_shared>>) offsets(%dma_start3A_459 : memref<128xi32, #tpu.memory_space<vmem>>) semaphore(%arg12 : memref<!tpu.dma_semaphore, #tpu.memory_space<semaphore_mem>>) {add = true}
      %mul3A_463 = arith.constant 4 : i32
      %mul3A_464 = arith.muli %add3A_322, %mul3A_463 : i32
      %add3A_465 = arith.constant 1 : i32
      %add3A_466 = arith.addi %mul3A_464, %add3A_465 : i32
      %dma_start3A_467 = arith.constant 1 : i32
      %dma_start3A_468 = arith.constant 128 : i32
      %dma_start3A_469 = arith.constant 0 : i32
      %dma_start3A_470 = tpu.memref_slice %arg8[%dma_start3A_467, %dma_start3A_468, %dma_start3A_469] : memref<2x512x64xf32, #tpu.memory_space<vmem>> -> memref<1x128x64xf32, #tpu.memory_space<vmem>>
      %dma_start3A_471 = tpu.memref_squeeze %dma_start3A_470 : memref<1x128x64xf32, #tpu.memory_space<vmem>> -> memref<128x64xf32, #tpu.memory_space<vmem>>
      %dma_start3A_472 = arith.constant 0 : i32
      %dma_start3A_473 = tpu.memref_slice %arg7[%add3A_466, %dma_start3A_472] : memref<80x128xi32, #tpu.memory_space<vmem>> -> memref<1x128xi32, #tpu.memory_space<vmem>>
      %dma_start3A_474 = tpu.memref_squeeze %dma_start3A_473 : memref<1x128xi32, #tpu.memory_space<vmem>> -> memref<128xi32, #tpu.memory_space<vmem>>
      %dma_start3A_475 = arith.constant 0 : i32
      %dma_start3A_476 = arith.constant 0 : i32
      %dma_start3A_477 = tpu.memref_slice %arg9[%dma_start3A_475, %dma_start3A_476] : memref<10112x64xf32, #tpu.memory_space<vmem_shared>> -> memref<10112x64xf32, #tpu.memory_space<vmem_shared>>
      tpu.enqueue_indirect_dma source(%dma_start3A_471 : memref<128x64xf32, #tpu.memory_space<vmem>>) target(%dma_start3A_477 : memref<10112x64xf32, #tpu.memory_space<vmem_shared>>) offsets(%dma_start3A_474 : memref<128xi32, #tpu.memory_space<vmem>>) semaphore(%arg12 : memref<!tpu.dma_semaphore, #tpu.memory_space<semaphore_mem>>) {add = true}
      %mul3A_478 = arith.constant 4 : i32
      %mul3A_479 = arith.muli %add3A_322, %mul3A_478 : i32
      %add3A_480 = arith.constant 2 : i32
      %add3A_481 = arith.addi %mul3A_479, %add3A_480 : i32
      %dma_start3A_482 = arith.constant 1 : i32
      %dma_start3A_483 = arith.constant 256 : i32
      %dma_start3A_484 = arith.constant 0 : i32
      %dma_start3A_485 = tpu.memref_slice %arg8[%dma_start3A_482, %dma_start3A_483, %dma_start3A_484] : memref<2x512x64xf32, #tpu.memory_space<vmem>> -> memref<1x128x64xf32, #tpu.memory_space<vmem>>
      %dma_start3A_486 = tpu.memref_squeeze %dma_start3A_485 : memref<1x128x64xf32, #tpu.memory_space<vmem>> -> memref<128x64xf32, #tpu.memory_space<vmem>>
      %dma_start3A_487 = arith.constant 0 : i32
      %dma_start3A_488 = tpu.memref_slice %arg7[%add3A_481, %dma_start3A_487] : memref<80x128xi32, #tpu.memory_space<vmem>> -> memref<1x128xi32, #tpu.memory_space<vmem>>
      %dma_start3A_489 = tpu.memref_squeeze %dma_start3A_488 : memref<1x128xi32, #tpu.memory_space<vmem>> -> memref<128xi32, #tpu.memory_space<vmem>>
      %dma_start3A_490 = arith.constant 0 : i32
      %dma_start3A_491 = arith.constant 0 : i32
      %dma_start3A_492 = tpu.memref_slice %arg9[%dma_start3A_490, %dma_start3A_491] : memref<10112x64xf32, #tpu.memory_space<vmem_shared>> -> memref<10112x64xf32, #tpu.memory_space<vmem_shared>>
      tpu.enqueue_indirect_dma source(%dma_start3A_486 : memref<128x64xf32, #tpu.memory_space<vmem>>) target(%dma_start3A_492 : memref<10112x64xf32, #tpu.memory_space<vmem_shared>>) offsets(%dma_start3A_489 : memref<128xi32, #tpu.memory_space<vmem>>) semaphore(%arg12 : memref<!tpu.dma_semaphore, #tpu.memory_space<semaphore_mem>>) {add = true}
      %mul3A_493 = arith.constant 4 : i32
      %mul3A_494 = arith.muli %add3A_322, %mul3A_493 : i32
      %add3A_495 = arith.constant 3 : i32
      %add3A_496 = arith.addi %mul3A_494, %add3A_495 : i32
      %dma_start3A_497 = arith.constant 1 : i32
      %dma_start3A_498 = arith.constant 384 : i32
      %dma_start3A_499 = arith.constant 0 : i32
      %dma_start3A_500 = tpu.memref_slice %arg8[%dma_start3A_497, %dma_start3A_498, %dma_start3A_499] : memref<2x512x64xf32, #tpu.memory_space<vmem>> -> memref<1x128x64xf32, #tpu.memory_space<vmem>>
      %dma_start3A_501 = tpu.memref_squeeze %dma_start3A_500 : memref<1x128x64xf32, #tpu.memory_space<vmem>> -> memref<128x64xf32, #tpu.memory_space<vmem>>
      %dma_start3A_502 = arith.constant 0 : i32
      %dma_start3A_503 = tpu.memref_slice %arg7[%add3A_496, %dma_start3A_502] : memref<80x128xi32, #tpu.memory_space<vmem>> -> memref<1x128xi32, #tpu.memory_space<vmem>>
      %dma_start3A_504 = tpu.memref_squeeze %dma_start3A_503 : memref<1x128xi32, #tpu.memory_space<vmem>> -> memref<128xi32, #tpu.memory_space<vmem>>
      %dma_start3A_505 = arith.constant 0 : i32
      %dma_start3A_506 = arith.constant 0 : i32
      %dma_start3A_507 = tpu.memref_slice %arg9[%dma_start3A_505, %dma_start3A_506] : memref<10112x64xf32, #tpu.memory_space<vmem_shared>> -> memref<10112x64xf32, #tpu.memory_space<vmem_shared>>
      tpu.enqueue_indirect_dma source(%dma_start3A_501 : memref<128x64xf32, #tpu.memory_space<vmem>>) target(%dma_start3A_507 : memref<10112x64xf32, #tpu.memory_space<vmem_shared>>) offsets(%dma_start3A_504 : memref<128xi32, #tpu.memory_space<vmem>>) semaphore(%arg12 : memref<!tpu.dma_semaphore, #tpu.memory_space<semaphore_mem>>) {add = true}
    }
    %scan3A_30 = arith.constant 10 : i32
    %dma_wait3A_31 = arith.constant 0 : i32
    %dma_wait3A_32 = arith.constant 72 : i32
    %dma_wait3A_33 = arith.constant 0 : i32
    %dma_wait3A_34 = arith.constant 0 : i32
    %dma_wait3A_35 = tpu.memref_slice %arg8[%dma_wait3A_31, %dma_wait3A_33, %dma_wait3A_34] : memref<2x512x64xf32, #tpu.memory_space<vmem>> -> memref<1x128x64xf32, #tpu.memory_space<vmem>>
    %dma_wait3A_36 = tpu.memref_squeeze %dma_wait3A_35 : memref<1x128x64xf32, #tpu.memory_space<vmem>> -> memref<128x64xf32, #tpu.memory_space<vmem>>
    %dma_wait3A_37 = arith.constant 0 : i32
    %dma_wait3A_38 = tpu.memref_slice %arg7[%dma_wait3A_32, %dma_wait3A_37] : memref<80x128xi32, #tpu.memory_space<vmem>> -> memref<1x128xi32, #tpu.memory_space<vmem>>
    %dma_wait3A_39 = tpu.memref_squeeze %dma_wait3A_38 : memref<1x128xi32, #tpu.memory_space<vmem>> -> memref<128xi32, #tpu.memory_space<vmem>>
    %dma_wait3A_40 = arith.constant 0 : i32
    %dma_wait3A_41 = arith.constant 0 : i32
    %dma_wait3A_42 = tpu.memref_slice %arg9[%dma_wait3A_40, %dma_wait3A_41] : memref<10112x64xf32, #tpu.memory_space<vmem_shared>> -> memref<10112x64xf32, #tpu.memory_space<vmem_shared>>
    tpu.wait_indirect_dma semaphore(%arg11 : memref<!tpu.dma_semaphore, #tpu.memory_space<semaphore_mem>>) src(%dma_wait3A_36 : memref<128x64xf32, #tpu.memory_space<vmem>>) dst(%dma_wait3A_42 : memref<10112x64xf32, #tpu.memory_space<vmem_shared>>)
    %dma_wait3A_43 = arith.constant 0 : i32
    %dma_wait3A_44 = arith.constant 73 : i32
    %dma_wait3A_45 = arith.constant 128 : i32
    %dma_wait3A_46 = arith.constant 0 : i32
    %dma_wait3A_47 = tpu.memref_slice %arg8[%dma_wait3A_43, %dma_wait3A_45, %dma_wait3A_46] : memref<2x512x64xf32, #tpu.memory_space<vmem>> -> memref<1x128x64xf32, #tpu.memory_space<vmem>>
    %dma_wait3A_48 = tpu.memref_squeeze %dma_wait3A_47 : memref<1x128x64xf32, #tpu.memory_space<vmem>> -> memref<128x64xf32, #tpu.memory_space<vmem>>
    %dma_wait3A_49 = arith.constant 0 : i32
    %dma_wait3A_50 = tpu.memref_slice %arg7[%dma_wait3A_44, %dma_wait3A_49] : memref<80x128xi32, #tpu.memory_space<vmem>> -> memref<1x128xi32, #tpu.memory_space<vmem>>
    %dma_wait3A_51 = tpu.memref_squeeze %dma_wait3A_50 : memref<1x128xi32, #tpu.memory_space<vmem>> -> memref<128xi32, #tpu.memory_space<vmem>>
    %dma_wait3A_52 = arith.constant 0 : i32
    %dma_wait3A_53 = arith.constant 0 : i32
    %dma_wait3A_54 = tpu.memref_slice %arg9[%dma_wait3A_52, %dma_wait3A_53] : memref<10112x64xf32, #tpu.memory_space<vmem_shared>> -> memref<10112x64xf32, #tpu.memory_space<vmem_shared>>
    tpu.wait_indirect_dma semaphore(%arg11 : memref<!tpu.dma_semaphore, #tpu.memory_space<semaphore_mem>>) src(%dma_wait3A_48 : memref<128x64xf32, #tpu.memory_space<vmem>>) dst(%dma_wait3A_54 : memref<10112x64xf32, #tpu.memory_space<vmem_shared>>)
    %dma_wait3A_55 = arith.constant 0 : i32
    %dma_wait3A_56 = arith.constant 74 : i32
    %dma_wait3A_57 = arith.constant 256 : i32
    %dma_wait3A_58 = arith.constant 0 : i32
    %dma_wait3A_59 = tpu.memref_slice %arg8[%dma_wait3A_55, %dma_wait3A_57, %dma_wait3A_58] : memref<2x512x64xf32, #tpu.memory_space<vmem>> -> memref<1x128x64xf32, #tpu.memory_space<vmem>>
    %dma_wait3A_60 = tpu.memref_squeeze %dma_wait3A_59 : memref<1x128x64xf32, #tpu.memory_space<vmem>> -> memref<128x64xf32, #tpu.memory_space<vmem>>
    %dma_wait3A_61 = arith.constant 0 : i32
    %dma_wait3A_62 = tpu.memref_slice %arg7[%dma_wait3A_56, %dma_wait3A_61] : memref<80x128xi32, #tpu.memory_space<vmem>> -> memref<1x128xi32, #tpu.memory_space<vmem>>
    %dma_wait3A_63 = tpu.memref_squeeze %dma_wait3A_62 : memref<1x128xi32, #tpu.memory_space<vmem>> -> memref<128xi32, #tpu.memory_space<vmem>>
    %dma_wait3A_64 = arith.constant 0 : i32
    %dma_wait3A_65 = arith.constant 0 : i32
    %dma_wait3A_66 = tpu.memref_slice %arg9[%dma_wait3A_64, %dma_wait3A_65] : memref<10112x64xf32, #tpu.memory_space<vmem_shared>> -> memref<10112x64xf32, #tpu.memory_space<vmem_shared>>
    tpu.wait_indirect_dma semaphore(%arg11 : memref<!tpu.dma_semaphore, #tpu.memory_space<semaphore_mem>>) src(%dma_wait3A_60 : memref<128x64xf32, #tpu.memory_space<vmem>>) dst(%dma_wait3A_66 : memref<10112x64xf32, #tpu.memory_space<vmem_shared>>)
    %dma_wait3A_67 = arith.constant 0 : i32
    %dma_wait3A_68 = arith.constant 75 : i32
    %dma_wait3A_69 = arith.constant 384 : i32
    %dma_wait3A_70 = arith.constant 0 : i32
    %dma_wait3A_71 = tpu.memref_slice %arg8[%dma_wait3A_67, %dma_wait3A_69, %dma_wait3A_70] : memref<2x512x64xf32, #tpu.memory_space<vmem>> -> memref<1x128x64xf32, #tpu.memory_space<vmem>>
    %dma_wait3A_72 = tpu.memref_squeeze %dma_wait3A_71 : memref<1x128x64xf32, #tpu.memory_space<vmem>> -> memref<128x64xf32, #tpu.memory_space<vmem>>
    %dma_wait3A_73 = arith.constant 0 : i32
    %dma_wait3A_74 = tpu.memref_slice %arg7[%dma_wait3A_68, %dma_wait3A_73] : memref<80x128xi32, #tpu.memory_space<vmem>> -> memref<1x128xi32, #tpu.memory_space<vmem>>
    %dma_wait3A_75 = tpu.memref_squeeze %dma_wait3A_74 : memref<1x128xi32, #tpu.memory_space<vmem>> -> memref<128xi32, #tpu.memory_space<vmem>>
    %dma_wait3A_76 = arith.constant 0 : i32
    %dma_wait3A_77 = arith.constant 0 : i32
    %dma_wait3A_78 = tpu.memref_slice %arg9[%dma_wait3A_76, %dma_wait3A_77] : memref<10112x64xf32, #tpu.memory_space<vmem_shared>> -> memref<10112x64xf32, #tpu.memory_space<vmem_shared>>
    tpu.wait_indirect_dma semaphore(%arg11 : memref<!tpu.dma_semaphore, #tpu.memory_space<semaphore_mem>>) src(%dma_wait3A_72 : memref<128x64xf32, #tpu.memory_space<vmem>>) dst(%dma_wait3A_78 : memref<10112x64xf32, #tpu.memory_space<vmem_shared>>)
    %dma_wait3A_79 = arith.constant 1 : i32
    %dma_wait3A_80 = arith.constant 76 : i32
    %dma_wait3A_81 = arith.constant 0 : i32
    %dma_wait3A_82 = arith.constant 0 : i32
    %dma_wait3A_83 = tpu.memref_slice %arg8[%dma_wait3A_79, %dma_wait3A_81, %dma_wait3A_82] : memref<2x512x64xf32, #tpu.memory_space<vmem>> -> memref<1x128x64xf32, #tpu.memory_space<vmem>>
    %dma_wait3A_84 = tpu.memref_squeeze %dma_wait3A_83 : memref<1x128x64xf32, #tpu.memory_space<vmem>> -> memref<128x64xf32, #tpu.memory_space<vmem>>
    %dma_wait3A_85 = arith.constant 0 : i32
    %dma_wait3A_86 = tpu.memref_slice %arg7[%dma_wait3A_80, %dma_wait3A_85] : memref<80x128xi32, #tpu.memory_space<vmem>> -> memref<1x128xi32, #tpu.memory_space<vmem>>
    %dma_wait3A_87 = tpu.memref_squeeze %dma_wait3A_86 : memref<1x128xi32, #tpu.memory_space<vmem>> -> memref<128xi32, #tpu.memory_space<vmem>>
    %dma_wait3A_88 = arith.constant 0 : i32
    %dma_wait3A_89 = arith.constant 0 : i32
    %dma_wait3A_90 = tpu.memref_slice %arg9[%dma_wait3A_88, %dma_wait3A_89] : memref<10112x64xf32, #tpu.memory_space<vmem_shared>> -> memref<10112x64xf32, #tpu.memory_space<vmem_shared>>
    tpu.wait_indirect_dma semaphore(%arg12 : memref<!tpu.dma_semaphore, #tpu.memory_space<semaphore_mem>>) src(%dma_wait3A_84 : memref<128x64xf32, #tpu.memory_space<vmem>>) dst(%dma_wait3A_90 : memref<10112x64xf32, #tpu.memory_space<vmem_shared>>)
    %dma_wait3A_91 = arith.constant 1 : i32
    %dma_wait3A_92 = arith.constant 77 : i32
    %dma_wait3A_93 = arith.constant 128 : i32
    %dma_wait3A_94 = arith.constant 0 : i32
    %dma_wait3A_95 = tpu.memref_slice %arg8[%dma_wait3A_91, %dma_wait3A_93, %dma_wait3A_94] : memref<2x512x64xf32, #tpu.memory_space<vmem>> -> memref<1x128x64xf32, #tpu.memory_space<vmem>>
    %dma_wait3A_96 = tpu.memref_squeeze %dma_wait3A_95 : memref<1x128x64xf32, #tpu.memory_space<vmem>> -> memref<128x64xf32, #tpu.memory_space<vmem>>
    %dma_wait3A_97 = arith.constant 0 : i32
    %dma_wait3A_98 = tpu.memref_slice %arg7[%dma_wait3A_92, %dma_wait3A_97] : memref<80x128xi32, #tpu.memory_space<vmem>> -> memref<1x128xi32, #tpu.memory_space<vmem>>
    %dma_wait3A_99 = tpu.memref_squeeze %dma_wait3A_98 : memref<1x128xi32, #tpu.memory_space<vmem>> -> memref<128xi32, #tpu.memory_space<vmem>>
    %dma_wait3A_100 = arith.constant 0 : i32
    %dma_wait3A_101 = arith.constant 0 : i32
    %dma_wait3A_102 = tpu.memref_slice %arg9[%dma_wait3A_100, %dma_wait3A_101] : memref<10112x64xf32, #tpu.memory_space<vmem_shared>> -> memref<10112x64xf32, #tpu.memory_space<vmem_shared>>
    tpu.wait_indirect_dma semaphore(%arg12 : memref<!tpu.dma_semaphore, #tpu.memory_space<semaphore_mem>>) src(%dma_wait3A_96 : memref<128x64xf32, #tpu.memory_space<vmem>>) dst(%dma_wait3A_102 : memref<10112x64xf32, #tpu.memory_space<vmem_shared>>)
    %dma_wait3A_103 = arith.constant 1 : i32
    %dma_wait3A_104 = arith.constant 78 : i32
    %dma_wait3A_105 = arith.constant 256 : i32
    %dma_wait3A_106 = arith.constant 0 : i32
    %dma_wait3A_107 = tpu.memref_slice %arg8[%dma_wait3A_103, %dma_wait3A_105, %dma_wait3A_106] : memref<2x512x64xf32, #tpu.memory_space<vmem>> -> memref<1x128x64xf32, #tpu.memory_space<vmem>>
    %dma_wait3A_108 = tpu.memref_squeeze %dma_wait3A_107 : memref<1x128x64xf32, #tpu.memory_space<vmem>> -> memref<128x64xf32, #tpu.memory_space<vmem>>
    %dma_wait3A_109 = arith.constant 0 : i32
    %dma_wait3A_110 = tpu.memref_slice %arg7[%dma_wait3A_104, %dma_wait3A_109] : memref<80x128xi32, #tpu.memory_space<vmem>> -> memref<1x128xi32, #tpu.memory_space<vmem>>
    %dma_wait3A_111 = tpu.memref_squeeze %dma_wait3A_110 : memref<1x128xi32, #tpu.memory_space<vmem>> -> memref<128xi32, #tpu.memory_space<vmem>>
    %dma_wait3A_112 = arith.constant 0 : i32
    %dma_wait3A_113 = arith.constant 0 : i32
    %dma_wait3A_114 = tpu.memref_slice %arg9[%dma_wait3A_112, %dma_wait3A_113] : memref<10112x64xf32, #tpu.memory_space<vmem_shared>> -> memref<10112x64xf32, #tpu.memory_space<vmem_shared>>
    tpu.wait_indirect_dma semaphore(%arg12 : memref<!tpu.dma_semaphore, #tpu.memory_space<semaphore_mem>>) src(%dma_wait3A_108 : memref<128x64xf32, #tpu.memory_space<vmem>>) dst(%dma_wait3A_114 : memref<10112x64xf32, #tpu.memory_space<vmem_shared>>)
    %dma_wait3A_115 = arith.constant 1 : i32
    %dma_wait3A_116 = arith.constant 79 : i32
    %dma_wait3A_117 = arith.constant 384 : i32
    %dma_wait3A_118 = arith.constant 0 : i32
    %dma_wait3A_119 = tpu.memref_slice %arg8[%dma_wait3A_115, %dma_wait3A_117, %dma_wait3A_118] : memref<2x512x64xf32, #tpu.memory_space<vmem>> -> memref<1x128x64xf32, #tpu.memory_space<vmem>>
    %dma_wait3A_120 = tpu.memref_squeeze %dma_wait3A_119 : memref<1x128x64xf32, #tpu.memory_space<vmem>> -> memref<128x64xf32, #tpu.memory_space<vmem>>
    %dma_wait3A_121 = arith.constant 0 : i32
    %dma_wait3A_122 = tpu.memref_slice %arg7[%dma_wait3A_116, %dma_wait3A_121] : memref<80x128xi32, #tpu.memory_space<vmem>> -> memref<1x128xi32, #tpu.memory_space<vmem>>
    %dma_wait3A_123 = tpu.memref_squeeze %dma_wait3A_122 : memref<1x128xi32, #tpu.memory_space<vmem>> -> memref<128xi32, #tpu.memory_space<vmem>>
    %dma_wait3A_124 = arith.constant 0 : i32
    %dma_wait3A_125 = arith.constant 0 : i32
    %dma_wait3A_126 = tpu.memref_slice %arg9[%dma_wait3A_124, %dma_wait3A_125] : memref<10112x64xf32, #tpu.memory_space<vmem_shared>> -> memref<10112x64xf32, #tpu.memory_space<vmem_shared>>
    tpu.wait_indirect_dma semaphore(%arg12 : memref<!tpu.dma_semaphore, #tpu.memory_space<semaphore_mem>>) src(%dma_wait3A_120 : memref<128x64xf32, #tpu.memory_space<vmem>>) dst(%dma_wait3A_126 : memref<10112x64xf32, #tpu.memory_space<vmem_shared>>)
    %barrier3A_127 = arith.constant 0 : index
    tpu.barrier barrier_id(%barrier3A_127)
    "tpu.region"() ({
      %run_scoped3A = tpu.sem_alloc : memref<!tpu.dma_semaphore, #tpu.memory_space<semaphore_mem>>
      %dma_start3A_128 = arith.constant 0 : i32
      %dma_start3A_129 = tpu.memref_slice %arg5[%arg0, %mul3A_2, %dma_start3A_128] : memref<2x10112x64xf32, #tpu.memory_space<hbm>> -> memref<1x632x64xf32, #tpu.memory_space<hbm>>
      %dma_start3A_130 = tpu.memref_squeeze %dma_start3A_129 : memref<1x632x64xf32, #tpu.memory_space<hbm>> -> memref<632x64xf32, #tpu.memory_space<hbm>>
      %dma_start3A_131 = arith.constant 0 : i32
      %dma_start3A_132 = tpu.memref_slice %arg9[%mul3A_2, %dma_start3A_131] : memref<10112x64xf32, #tpu.memory_space<vmem_shared>> -> memref<632x64xf32, #tpu.memory_space<vmem_shared>>
      tpu.enqueue_dma source(%dma_start3A_132 : memref<632x64xf32, #tpu.memory_space<vmem_shared>>) target(%dma_start3A_130 : memref<632x64xf32, #tpu.memory_space<hbm>>) target_semaphore(%run_scoped3A : memref<!tpu.dma_semaphore, #tpu.memory_space<semaphore_mem>>)
      %dma_wait3A_133 = arith.constant 0 : i32
      %dma_wait3A_134 = tpu.memref_slice %arg5[%arg0, %mul3A_2, %dma_wait3A_133] : memref<2x10112x64xf32, #tpu.memory_space<hbm>> -> memref<1x632x64xf32, #tpu.memory_space<hbm>>
      %dma_wait3A_135 = tpu.memref_squeeze %dma_wait3A_134 : memref<1x632x64xf32, #tpu.memory_space<hbm>> -> memref<632x64xf32, #tpu.memory_space<hbm>>
      %dma_wait3A_136 = arith.constant 0 : i32
      %dma_wait3A_137 = tpu.memref_slice %arg9[%mul3A_2, %dma_wait3A_136] : memref<10112x64xf32, #tpu.memory_space<vmem_shared>> -> memref<632x64xf32, #tpu.memory_space<vmem_shared>>
      tpu.wait_dma2 semaphore(%run_scoped3A : memref<!tpu.dma_semaphore, #tpu.memory_space<semaphore_mem>>) src(%dma_wait3A_137 : memref<632x64xf32, #tpu.memory_space<vmem_shared>>) dst(%dma_wait3A_135 : memref<632x64xf32, #tpu.memory_space<hbm>>)
      tpu.yield
    }) : () -> ()
    return
  }
}

#map = affine_map<(d0, d1) -> (0, 0)>
#map1 = affine_map<(d0, d1) -> (0, 0, 0)>
module attributes {stable_mosaic.version = 14 : i64} {
  func.func @_sc_degree(%arg0: i32, %arg1: i32, %arg2: memref<2560x128xi32, #tpu.memory_space<hbm>>, %arg3: memref<2x10112x16xf32, #tpu.memory_space<hbm>>, %arg4: memref<80x128xi32, #tpu.memory_space<vmem>>, %arg5: memref<128x16xf32, #tpu.memory_space<vmem>>, %arg6: memref<632x16xf32, #tpu.memory_space<vmem>>, %arg7: memref<10112x16xf32, #tpu.memory_space<vmem_shared>>, %arg8: memref<!tpu.dma_semaphore, #tpu.memory_space<semaphore_mem>>, %arg9: memref<!tpu.dma_semaphore, #tpu.memory_space<semaphore_mem>>) attributes {dimension_semantics = [#tpu.dimension_semantics<core_parallel>, #tpu.dimension_semantics<subcore_parallel>], iteration_bounds = array<i64: 2, 16>, scalar_prefetch = 0 : i64, scratch_operands = 6 : i64, tpu.core_type = #tpu.core_type<sc_vector_subcore>, window_params = [{transform_indices = #map}, {transform_indices = #map1}]} {
    %mul3A = arith.constant 16 : i32
    %mul3A_0 = arith.muli %arg0, %mul3A : i32
    %add3A = arith.addi %mul3A_0, %arg1 : i32
    %mul3A_1 = arith.constant 80 : i32
    %mul3A_2 = arith.muli %add3A, %mul3A_1 : i32
    %dma_start3A = arith.constant 0 : i32
    %dma_start3A_3 = tpu.memref_slice %arg2[%mul3A_2, %dma_start3A] : memref<2560x128xi32, #tpu.memory_space<hbm>> -> memref<80x128xi32, #tpu.memory_space<hbm>>
    %dma_start3A_4 = arith.constant 0 : i32
    %dma_start3A_5 = tpu.memref_slice %arg2[%mul3A_2, %dma_start3A_4] : memref<2560x128xi32, #tpu.memory_space<hbm>> -> memref<80x128xi32, #tpu.memory_space<hbm>>
    tpu.enqueue_dma source(%dma_start3A_5 : memref<80x128xi32, #tpu.memory_space<hbm>>) target(%arg4 : memref<80x128xi32, #tpu.memory_space<vmem>>) target_semaphore(%arg8 : memref<!tpu.dma_semaphore, #tpu.memory_space<semaphore_mem>>)
    %scan3A = arith.constant 0 : i32
    %scan3A_6 = arith.constant 632 : i32
    %scan3A_7 = arith.addi %scan3A, %scan3A_6 : i32
    %scan3A_8 = arith.constant 1 : i32
    scf.for %scan3A_82 = %scan3A to %scan3A_7 step %scan3A_8  : i32 {
      %mul3A_83 = arith.constant 1 : i32
      %mul3A_84 = arith.muli %scan3A_82, %mul3A_83 : i32
      %add3A_85 = arith.constant 0 : i32
      %add3A_86 = arith.addi %add3A_85, %mul3A_84 : i32
      %broadcast_in_dim3A = arith.constant 0.000000e+00 : f32
      %broadcast_in_dim3A_87 = vector.broadcast %broadcast_in_dim3A : f32 to vector<16xf32>
      %swap3A = arith.index_cast %add3A_86 : i32 to index
      %swap3A_88 = arith.constant 0 : index
      %swap3A_89 = tpu.vector_load %arg6[%swap3A, %swap3A_88] {strides = array<i32>} : memref<632x16xf32, #tpu.memory_space<vmem>>, vector<1x16xf32>,
      %swap3A_90 = vector.shape_cast %swap3A_89 : vector<1x16xf32> to vector<16xf32>
      %swap3A_91 = vector.shape_cast %broadcast_in_dim3A_87 : vector<16xf32> to vector<1x16xf32>
      tpu.vector_store %arg6[%swap3A, %swap3A_88], %swap3A_91 {strides = array<i32>} : memref<632x16xf32, #tpu.memory_space<vmem>>, vector<1x16xf32>,
    }
    %scan3A_9 = arith.constant 632 : i32
    %scan3A_10 = arith.constant 0 : i32
    %scan3A_11 = arith.constant 128 : i32
    %scan3A_12 = arith.addi %scan3A_10, %scan3A_11 : i32
    %scan3A_13 = arith.constant 1 : i32
    scf.for %scan3A_82 = %scan3A_10 to %scan3A_12 step %scan3A_13  : i32 {
      %mul3A_83 = arith.constant 1 : i32
      %mul3A_84 = arith.muli %scan3A_82, %mul3A_83 : i32
      %add3A_85 = arith.constant 0 : i32
      %add3A_86 = arith.addi %add3A_85, %mul3A_84 : i32
      %broadcast_in_dim3A = arith.constant 1.000000e+00 : f32
      %broadcast_in_dim3A_87 = vector.broadcast %broadcast_in_dim3A : f32 to vector<16xf32>
      %swap3A = arith.index_cast %add3A_86 : i32 to index
      %swap3A_88 = arith.constant 0 : index
      %swap3A_89 = tpu.vector_load %arg5[%swap3A, %swap3A_88] {strides = array<i32>} : memref<128x16xf32, #tpu.memory_space<vmem>>, vector<1x16xf32>,
      %swap3A_90 = vector.shape_cast %swap3A_89 : vector<1x16xf32> to vector<16xf32>
      %swap3A_91 = vector.shape_cast %broadcast_in_dim3A_87 : vector<16xf32> to vector<1x16xf32>
      tpu.vector_store %arg5[%swap3A, %swap3A_88], %swap3A_91 {strides = array<i32>} : memref<128x16xf32, #tpu.memory_space<vmem>>, vector<1x16xf32>,
    }
    %scan3A_14 = arith.constant 128 : i32
    %mul3A_15 = arith.constant 632 : i32
    %mul3A_16 = arith.muli %arg1, %mul3A_15 : i32
    "tpu.region"() ({
      %run_scoped3A = tpu.sem_alloc : memref<!tpu.dma_semaphore, #tpu.memory_space<semaphore_mem>>
      %dma_start3A_82 = arith.constant 0 : i32
      %dma_start3A_83 = tpu.memref_slice %arg7[%mul3A_16, %dma_start3A_82] : memref<10112x16xf32, #tpu.memory_space<vmem_shared>> -> memref<632x16xf32, #tpu.memory_space<vmem_shared>>
      %dma_start3A_84 = arith.constant 0 : i32
      %dma_start3A_85 = tpu.memref_slice %arg7[%mul3A_16, %dma_start3A_84] : memref<10112x16xf32, #tpu.memory_space<vmem_shared>> -> memref<632x16xf32, #tpu.memory_space<vmem_shared>>
      tpu.enqueue_dma source(%arg6 : memref<632x16xf32, #tpu.memory_space<vmem>>) target(%dma_start3A_85 : memref<632x16xf32, #tpu.memory_space<vmem_shared>>) target_semaphore(%run_scoped3A : memref<!tpu.dma_semaphore, #tpu.memory_space<semaphore_mem>>)
      %dma_wait3A_86 = arith.constant 0 : i32
      %dma_wait3A_87 = tpu.memref_slice %arg7[%mul3A_16, %dma_wait3A_86] : memref<10112x16xf32, #tpu.memory_space<vmem_shared>> -> memref<632x16xf32, #tpu.memory_space<vmem_shared>>
      %dma_wait3A_88 = arith.constant 0 : i32
      %dma_wait3A_89 = tpu.memref_slice %arg7[%mul3A_16, %dma_wait3A_88] : memref<10112x16xf32, #tpu.memory_space<vmem_shared>> -> memref<632x16xf32, #tpu.memory_space<vmem_shared>>
      tpu.wait_dma2 semaphore(%run_scoped3A : memref<!tpu.dma_semaphore, #tpu.memory_space<semaphore_mem>>) src(%arg6 : memref<632x16xf32, #tpu.memory_space<vmem>>) dst(%dma_wait3A_89 : memref<632x16xf32, #tpu.memory_space<vmem_shared>>)
      tpu.yield
    }) : () -> ()
    %dma_wait3A = arith.constant 0 : i32
    %dma_wait3A_17 = tpu.memref_slice %arg2[%mul3A_2, %dma_wait3A] : memref<2560x128xi32, #tpu.memory_space<hbm>> -> memref<80x128xi32, #tpu.memory_space<hbm>>
    %dma_wait3A_18 = arith.constant 0 : i32
    %dma_wait3A_19 = tpu.memref_slice %arg2[%mul3A_2, %dma_wait3A_18] : memref<2560x128xi32, #tpu.memory_space<hbm>> -> memref<80x128xi32, #tpu.memory_space<hbm>>
    tpu.wait_dma2 semaphore(%arg8 : memref<!tpu.dma_semaphore, #tpu.memory_space<semaphore_mem>>) src(%dma_wait3A_19 : memref<80x128xi32, #tpu.memory_space<hbm>>) dst(%arg4 : memref<80x128xi32, #tpu.memory_space<vmem>>)
    %barrier3A = arith.constant 0 : index
    tpu.barrier barrier_id(%barrier3A)
    %scan3A_20 = arith.constant 0 : i32
    %scan3A_21 = arith.constant 10 : i32
    %scan3A_22 = arith.addi %scan3A_20, %scan3A_21 : i32
    %scan3A_23 = arith.constant 1 : i32
    scf.for %scan3A_82 = %scan3A_20 to %scan3A_22 step %scan3A_23  : i32 {
      %mul3A_83 = arith.constant 1 : i32
      %mul3A_84 = arith.muli %scan3A_82, %mul3A_83 : i32
      %add3A_85 = arith.constant 0 : i32
      %add3A_86 = arith.addi %add3A_85, %mul3A_84 : i32
      %mul3A_87 = arith.constant 8 : i32
      %mul3A_88 = arith.muli %add3A_86, %mul3A_87 : i32
      %add3A_89 = arith.constant 0 : i32
      %add3A_90 = arith.addi %mul3A_88, %add3A_89 : i32
      %dma_start3A_91 = arith.constant 0 : i32
      %dma_start3A_92 = tpu.memref_slice %arg4[%add3A_90, %dma_start3A_91] : memref<80x128xi32, #tpu.memory_space<vmem>> -> memref<1x128xi32, #tpu.memory_space<vmem>>
      %dma_start3A_93 = tpu.memref_squeeze %dma_start3A_92 : memref<1x128xi32, #tpu.memory_space<vmem>> -> memref<128xi32, #tpu.memory_space<vmem>>
      %dma_start3A_94 = arith.constant 0 : i32
      %dma_start3A_95 = arith.constant 0 : i32
      %dma_start3A_96 = tpu.memref_slice %arg7[%dma_start3A_94, %dma_start3A_95] : memref<10112x16xf32, #tpu.memory_space<vmem_shared>> -> memref<10112x16xf32, #tpu.memory_space<vmem_shared>>
      tpu.enqueue_indirect_dma source(%arg5 : memref<128x16xf32, #tpu.memory_space<vmem>>) target(%dma_start3A_96 : memref<10112x16xf32, #tpu.memory_space<vmem_shared>>) offsets(%dma_start3A_93 : memref<128xi32, #tpu.memory_space<vmem>>) semaphore(%arg9 : memref<!tpu.dma_semaphore, #tpu.memory_space<semaphore_mem>>) {add = true}
      %mul3A_97 = arith.constant 8 : i32
      %mul3A_98 = arith.muli %add3A_86, %mul3A_97 : i32
      %add3A_99 = arith.constant 1 : i32
      %add3A_100 = arith.addi %mul3A_98, %add3A_99 : i32
      %dma_start3A_101 = arith.constant 0 : i32
      %dma_start3A_102 = tpu.memref_slice %arg4[%add3A_100, %dma_start3A_101] : memref<80x128xi32, #tpu.memory_space<vmem>> -> memref<1x128xi32, #tpu.memory_space<vmem>>
      %dma_start3A_103 = tpu.memref_squeeze %dma_start3A_102 : memref<1x128xi32, #tpu.memory_space<vmem>> -> memref<128xi32, #tpu.memory_space<vmem>>
      %dma_start3A_104 = arith.constant 0 : i32
      %dma_start3A_105 = arith.constant 0 : i32
      %dma_start3A_106 = tpu.memref_slice %arg7[%dma_start3A_104, %dma_start3A_105] : memref<10112x16xf32, #tpu.memory_space<vmem_shared>> -> memref<10112x16xf32, #tpu.memory_space<vmem_shared>>
      tpu.enqueue_indirect_dma source(%arg5 : memref<128x16xf32, #tpu.memory_space<vmem>>) target(%dma_start3A_106 : memref<10112x16xf32, #tpu.memory_space<vmem_shared>>) offsets(%dma_start3A_103 : memref<128xi32, #tpu.memory_space<vmem>>) semaphore(%arg9 : memref<!tpu.dma_semaphore, #tpu.memory_space<semaphore_mem>>) {add = true}
      %mul3A_107 = arith.constant 8 : i32
      %mul3A_108 = arith.muli %add3A_86, %mul3A_107 : i32
      %add3A_109 = arith.constant 2 : i32
      %add3A_110 = arith.addi %mul3A_108, %add3A_109 : i32
      %dma_start3A_111 = arith.constant 0 : i32
      %dma_start3A_112 = tpu.memref_slice %arg4[%add3A_110, %dma_start3A_111] : memref<80x128xi32, #tpu.memory_space<vmem>> -> memref<1x128xi32, #tpu.memory_space<vmem>>
      %dma_start3A_113 = tpu.memref_squeeze %dma_start3A_112 : memref<1x128xi32, #tpu.memory_space<vmem>> -> memref<128xi32, #tpu.memory_space<vmem>>
      %dma_start3A_114 = arith.constant 0 : i32
      %dma_start3A_115 = arith.constant 0 : i32
      %dma_start3A_116 = tpu.memref_slice %arg7[%dma_start3A_114, %dma_start3A_115] : memref<10112x16xf32, #tpu.memory_space<vmem_shared>> -> memref<10112x16xf32, #tpu.memory_space<vmem_shared>>
      tpu.enqueue_indirect_dma source(%arg5 : memref<128x16xf32, #tpu.memory_space<vmem>>) target(%dma_start3A_116 : memref<10112x16xf32, #tpu.memory_space<vmem_shared>>) offsets(%dma_start3A_113 : memref<128xi32, #tpu.memory_space<vmem>>) semaphore(%arg9 : memref<!tpu.dma_semaphore, #tpu.memory_space<semaphore_mem>>) {add = true}
      %mul3A_117 = arith.constant 8 : i32
      %mul3A_118 = arith.muli %add3A_86, %mul3A_117 : i32
      %add3A_119 = arith.constant 3 : i32
      %add3A_120 = arith.addi %mul3A_118, %add3A_119 : i32
      %dma_start3A_121 = arith.constant 0 : i32
      %dma_start3A_122 = tpu.memref_slice %arg4[%add3A_120, %dma_start3A_121] : memref<80x128xi32, #tpu.memory_space<vmem>> -> memref<1x128xi32, #tpu.memory_space<vmem>>
      %dma_start3A_123 = tpu.memref_squeeze %dma_start3A_122 : memref<1x128xi32, #tpu.memory_space<vmem>> -> memref<128xi32, #tpu.memory_space<vmem>>
      %dma_start3A_124 = arith.constant 0 : i32
      %dma_start3A_125 = arith.constant 0 : i32
      %dma_start3A_126 = tpu.memref_slice %arg7[%dma_start3A_124, %dma_start3A_125] : memref<10112x16xf32, #tpu.memory_space<vmem_shared>> -> memref<10112x16xf32, #tpu.memory_space<vmem_shared>>
      tpu.enqueue_indirect_dma source(%arg5 : memref<128x16xf32, #tpu.memory_space<vmem>>) target(%dma_start3A_126 : memref<10112x16xf32, #tpu.memory_space<vmem_shared>>) offsets(%dma_start3A_123 : memref<128xi32, #tpu.memory_space<vmem>>) semaphore(%arg9 : memref<!tpu.dma_semaphore, #tpu.memory_space<semaphore_mem>>) {add = true}
      %mul3A_127 = arith.constant 8 : i32
      %mul3A_128 = arith.muli %add3A_86, %mul3A_127 : i32
      %add3A_129 = arith.constant 4 : i32
      %add3A_130 = arith.addi %mul3A_128, %add3A_129 : i32
      %dma_start3A_131 = arith.constant 0 : i32
      %dma_start3A_132 = tpu.memref_slice %arg4[%add3A_130, %dma_start3A_131] : memref<80x128xi32, #tpu.memory_space<vmem>> -> memref<1x128xi32, #tpu.memory_space<vmem>>
      %dma_start3A_133 = tpu.memref_squeeze %dma_start3A_132 : memref<1x128xi32, #tpu.memory_space<vmem>> -> memref<128xi32, #tpu.memory_space<vmem>>
      %dma_start3A_134 = arith.constant 0 : i32
      %dma_start3A_135 = arith.constant 0 : i32
      %dma_start3A_136 = tpu.memref_slice %arg7[%dma_start3A_134, %dma_start3A_135] : memref<10112x16xf32, #tpu.memory_space<vmem_shared>> -> memref<10112x16xf32, #tpu.memory_space<vmem_shared>>
      tpu.enqueue_indirect_dma source(%arg5 : memref<128x16xf32, #tpu.memory_space<vmem>>) target(%dma_start3A_136 : memref<10112x16xf32, #tpu.memory_space<vmem_shared>>) offsets(%dma_start3A_133 : memref<128xi32, #tpu.memory_space<vmem>>) semaphore(%arg9 : memref<!tpu.dma_semaphore, #tpu.memory_space<semaphore_mem>>) {add = true}
      %mul3A_137 = arith.constant 8 : i32
      %mul3A_138 = arith.muli %add3A_86, %mul3A_137 : i32
      %add3A_139 = arith.constant 5 : i32
      %add3A_140 = arith.addi %mul3A_138, %add3A_139 : i32
      %dma_start3A_141 = arith.constant 0 : i32
      %dma_start3A_142 = tpu.memref_slice %arg4[%add3A_140, %dma_start3A_141] : memref<80x128xi32, #tpu.memory_space<vmem>> -> memref<1x128xi32, #tpu.memory_space<vmem>>
      %dma_start3A_143 = tpu.memref_squeeze %dma_start3A_142 : memref<1x128xi32, #tpu.memory_space<vmem>> -> memref<128xi32, #tpu.memory_space<vmem>>
      %dma_start3A_144 = arith.constant 0 : i32
      %dma_start3A_145 = arith.constant 0 : i32
      %dma_start3A_146 = tpu.memref_slice %arg7[%dma_start3A_144, %dma_start3A_145] : memref<10112x16xf32, #tpu.memory_space<vmem_shared>> -> memref<10112x16xf32, #tpu.memory_space<vmem_shared>>
      tpu.enqueue_indirect_dma source(%arg5 : memref<128x16xf32, #tpu.memory_space<vmem>>) target(%dma_start3A_146 : memref<10112x16xf32, #tpu.memory_space<vmem_shared>>) offsets(%dma_start3A_143 : memref<128xi32, #tpu.memory_space<vmem>>) semaphore(%arg9 : memref<!tpu.dma_semaphore, #tpu.memory_space<semaphore_mem>>) {add = true}
      %mul3A_147 = arith.constant 8 : i32
      %mul3A_148 = arith.muli %add3A_86, %mul3A_147 : i32
      %add3A_149 = arith.constant 6 : i32
      %add3A_150 = arith.addi %mul3A_148, %add3A_149 : i32
      %dma_start3A_151 = arith.constant 0 : i32
      %dma_start3A_152 = tpu.memref_slice %arg4[%add3A_150, %dma_start3A_151] : memref<80x128xi32, #tpu.memory_space<vmem>> -> memref<1x128xi32, #tpu.memory_space<vmem>>
      %dma_start3A_153 = tpu.memref_squeeze %dma_start3A_152 : memref<1x128xi32, #tpu.memory_space<vmem>> -> memref<128xi32, #tpu.memory_space<vmem>>
      %dma_start3A_154 = arith.constant 0 : i32
      %dma_start3A_155 = arith.constant 0 : i32
      %dma_start3A_156 = tpu.memref_slice %arg7[%dma_start3A_154, %dma_start3A_155] : memref<10112x16xf32, #tpu.memory_space<vmem_shared>> -> memref<10112x16xf32, #tpu.memory_space<vmem_shared>>
      tpu.enqueue_indirect_dma source(%arg5 : memref<128x16xf32, #tpu.memory_space<vmem>>) target(%dma_start3A_156 : memref<10112x16xf32, #tpu.memory_space<vmem_shared>>) offsets(%dma_start3A_153 : memref<128xi32, #tpu.memory_space<vmem>>) semaphore(%arg9 : memref<!tpu.dma_semaphore, #tpu.memory_space<semaphore_mem>>) {add = true}
      %mul3A_157 = arith.constant 8 : i32
      %mul3A_158 = arith.muli %add3A_86, %mul3A_157 : i32
      %add3A_159 = arith.constant 7 : i32
      %add3A_160 = arith.addi %mul3A_158, %add3A_159 : i32
      %dma_start3A_161 = arith.constant 0 : i32
      %dma_start3A_162 = tpu.memref_slice %arg4[%add3A_160, %dma_start3A_161] : memref<80x128xi32, #tpu.memory_space<vmem>> -> memref<1x128xi32, #tpu.memory_space<vmem>>
      %dma_start3A_163 = tpu.memref_squeeze %dma_start3A_162 : memref<1x128xi32, #tpu.memory_space<vmem>> -> memref<128xi32, #tpu.memory_space<vmem>>
      %dma_start3A_164 = arith.constant 0 : i32
      %dma_start3A_165 = arith.constant 0 : i32
      %dma_start3A_166 = tpu.memref_slice %arg7[%dma_start3A_164, %dma_start3A_165] : memref<10112x16xf32, #tpu.memory_space<vmem_shared>> -> memref<10112x16xf32, #tpu.memory_space<vmem_shared>>
      tpu.enqueue_indirect_dma source(%arg5 : memref<128x16xf32, #tpu.memory_space<vmem>>) target(%dma_start3A_166 : memref<10112x16xf32, #tpu.memory_space<vmem_shared>>) offsets(%dma_start3A_163 : memref<128xi32, #tpu.memory_space<vmem>>) semaphore(%arg9 : memref<!tpu.dma_semaphore, #tpu.memory_space<semaphore_mem>>) {add = true}
      %gt3A = arith.constant 0 : i32
      %gt3A_167 = arith.cmpi sgt, %add3A_86, %gt3A : i32
      %convert_element_type3A = arith.extui %gt3A_167 : i1 to i32
      %cond3A = arith.constant 0 : i32
      %cond3A_168 = arith.cmpi ne, %convert_element_type3A, %cond3A : i32
      scf.if %cond3A_168 {
        %dma_wait3A_169 = arith.constant 0 : i32
        %dma_wait3A_170 = arith.constant 0 : i32
        %dma_wait3A_171 = tpu.memref_slice %arg4[%dma_wait3A_169, %dma_wait3A_170] : memref<80x128xi32, #tpu.memory_space<vmem>> -> memref<1x128xi32, #tpu.memory_space<vmem>>
        %dma_wait3A_172 = tpu.memref_squeeze %dma_wait3A_171 : memref<1x128xi32, #tpu.memory_space<vmem>> -> memref<128xi32, #tpu.memory_space<vmem>>
        %dma_wait3A_173 = arith.constant 0 : i32
        %dma_wait3A_174 = arith.constant 0 : i32
        %dma_wait3A_175 = tpu.memref_slice %arg7[%dma_wait3A_173, %dma_wait3A_174] : memref<10112x16xf32, #tpu.memory_space<vmem_shared>> -> memref<10112x16xf32, #tpu.memory_space<vmem_shared>>
        tpu.wait_indirect_dma semaphore(%arg9 : memref<!tpu.dma_semaphore, #tpu.memory_space<semaphore_mem>>) src(%arg5 : memref<128x16xf32, #tpu.memory_space<vmem>>) dst(%dma_wait3A_175 : memref<10112x16xf32, #tpu.memory_space<vmem_shared>>)
        %dma_wait3A_176 = arith.constant 1 : i32
        %dma_wait3A_177 = arith.constant 0 : i32
        %dma_wait3A_178 = tpu.memref_slice %arg4[%dma_wait3A_176, %dma_wait3A_177] : memref<80x128xi32, #tpu.memory_space<vmem>> -> memref<1x128xi32, #tpu.memory_space<vmem>>
        %dma_wait3A_179 = tpu.memref_squeeze %dma_wait3A_178 : memref<1x128xi32, #tpu.memory_space<vmem>> -> memref<128xi32, #tpu.memory_space<vmem>>
        %dma_wait3A_180 = arith.constant 0 : i32
        %dma_wait3A_181 = arith.constant 0 : i32
        %dma_wait3A_182 = tpu.memref_slice %arg7[%dma_wait3A_180, %dma_wait3A_181] : memref<10112x16xf32, #tpu.memory_space<vmem_shared>> -> memref<10112x16xf32, #tpu.memory_space<vmem_shared>>
        tpu.wait_indirect_dma semaphore(%arg9 : memref<!tpu.dma_semaphore, #tpu.memory_space<semaphore_mem>>) src(%arg5 : memref<128x16xf32, #tpu.memory_space<vmem>>) dst(%dma_wait3A_182 : memref<10112x16xf32, #tpu.memory_space<vmem_shared>>)
        %dma_wait3A_183 = arith.constant 2 : i32
        %dma_wait3A_184 = arith.constant 0 : i32
        %dma_wait3A_185 = tpu.memref_slice %arg4[%dma_wait3A_183, %dma_wait3A_184] : memref<80x128xi32, #tpu.memory_space<vmem>> -> memref<1x128xi32, #tpu.memory_space<vmem>>
        %dma_wait3A_186 = tpu.memref_squeeze %dma_wait3A_185 : memref<1x128xi32, #tpu.memory_space<vmem>> -> memref<128xi32, #tpu.memory_space<vmem>>
        %dma_wait3A_187 = arith.constant 0 : i32
        %dma_wait3A_188 = arith.constant 0 : i32
        %dma_wait3A_189 = tpu.memref_slice %arg7[%dma_wait3A_187, %dma_wait3A_188] : memref<10112x16xf32, #tpu.memory_space<vmem_shared>> -> memref<10112x16xf32, #tpu.memory_space<vmem_shared>>
        tpu.wait_indirect_dma semaphore(%arg9 : memref<!tpu.dma_semaphore, #tpu.memory_space<semaphore_mem>>) src(%arg5 : memref<128x16xf32, #tpu.memory_space<vmem>>) dst(%dma_wait3A_189 : memref<10112x16xf32, #tpu.memory_space<vmem_shared>>)
        %dma_wait3A_190 = arith.constant 3 : i32
        %dma_wait3A_191 = arith.constant 0 : i32
        %dma_wait3A_192 = tpu.memref_slice %arg4[%dma_wait3A_190, %dma_wait3A_191] : memref<80x128xi32, #tpu.memory_space<vmem>> -> memref<1x128xi32, #tpu.memory_space<vmem>>
        %dma_wait3A_193 = tpu.memref_squeeze %dma_wait3A_192 : memref<1x128xi32, #tpu.memory_space<vmem>> -> memref<128xi32, #tpu.memory_space<vmem>>
        %dma_wait3A_194 = arith.constant 0 : i32
        %dma_wait3A_195 = arith.constant 0 : i32
        %dma_wait3A_196 = tpu.memref_slice %arg7[%dma_wait3A_194, %dma_wait3A_195] : memref<10112x16xf32, #tpu.memory_space<vmem_shared>> -> memref<10112x16xf32, #tpu.memory_space<vmem_shared>>
        tpu.wait_indirect_dma semaphore(%arg9 : memref<!tpu.dma_semaphore, #tpu.memory_space<semaphore_mem>>) src(%arg5 : memref<128x16xf32, #tpu.memory_space<vmem>>) dst(%dma_wait3A_196 : memref<10112x16xf32, #tpu.memory_space<vmem_shared>>)
        %dma_wait3A_197 = arith.constant 4 : i32
        %dma_wait3A_198 = arith.constant 0 : i32
        %dma_wait3A_199 = tpu.memref_slice %arg4[%dma_wait3A_197, %dma_wait3A_198] : memref<80x128xi32, #tpu.memory_space<vmem>> -> memref<1x128xi32, #tpu.memory_space<vmem>>
        %dma_wait3A_200 = tpu.memref_squeeze %dma_wait3A_199 : memref<1x128xi32, #tpu.memory_space<vmem>> -> memref<128xi32, #tpu.memory_space<vmem>>
        %dma_wait3A_201 = arith.constant 0 : i32
        %dma_wait3A_202 = arith.constant 0 : i32
        %dma_wait3A_203 = tpu.memref_slice %arg7[%dma_wait3A_201, %dma_wait3A_202] : memref<10112x16xf32, #tpu.memory_space<vmem_shared>> -> memref<10112x16xf32, #tpu.memory_space<vmem_shared>>
        tpu.wait_indirect_dma semaphore(%arg9 : memref<!tpu.dma_semaphore, #tpu.memory_space<semaphore_mem>>) src(%arg5 : memref<128x16xf32, #tpu.memory_space<vmem>>) dst(%dma_wait3A_203 : memref<10112x16xf32, #tpu.memory_space<vmem_shared>>)
        %dma_wait3A_204 = arith.constant 5 : i32
        %dma_wait3A_205 = arith.constant 0 : i32
        %dma_wait3A_206 = tpu.memref_slice %arg4[%dma_wait3A_204, %dma_wait3A_205] : memref<80x128xi32, #tpu.memory_space<vmem>> -> memref<1x128xi32, #tpu.memory_space<vmem>>
        %dma_wait3A_207 = tpu.memref_squeeze %dma_wait3A_206 : memref<1x128xi32, #tpu.memory_space<vmem>> -> memref<128xi32, #tpu.memory_space<vmem>>
        %dma_wait3A_208 = arith.constant 0 : i32
        %dma_wait3A_209 = arith.constant 0 : i32
        %dma_wait3A_210 = tpu.memref_slice %arg7[%dma_wait3A_208, %dma_wait3A_209] : memref<10112x16xf32, #tpu.memory_space<vmem_shared>> -> memref<10112x16xf32, #tpu.memory_space<vmem_shared>>
        tpu.wait_indirect_dma semaphore(%arg9 : memref<!tpu.dma_semaphore, #tpu.memory_space<semaphore_mem>>) src(%arg5 : memref<128x16xf32, #tpu.memory_space<vmem>>) dst(%dma_wait3A_210 : memref<10112x16xf32, #tpu.memory_space<vmem_shared>>)
        %dma_wait3A_211 = arith.constant 6 : i32
        %dma_wait3A_212 = arith.constant 0 : i32
        %dma_wait3A_213 = tpu.memref_slice %arg4[%dma_wait3A_211, %dma_wait3A_212] : memref<80x128xi32, #tpu.memory_space<vmem>> -> memref<1x128xi32, #tpu.memory_space<vmem>>
        %dma_wait3A_214 = tpu.memref_squeeze %dma_wait3A_213 : memref<1x128xi32, #tpu.memory_space<vmem>> -> memref<128xi32, #tpu.memory_space<vmem>>
        %dma_wait3A_215 = arith.constant 0 : i32
        %dma_wait3A_216 = arith.constant 0 : i32
        %dma_wait3A_217 = tpu.memref_slice %arg7[%dma_wait3A_215, %dma_wait3A_216] : memref<10112x16xf32, #tpu.memory_space<vmem_shared>> -> memref<10112x16xf32, #tpu.memory_space<vmem_shared>>
        tpu.wait_indirect_dma semaphore(%arg9 : memref<!tpu.dma_semaphore, #tpu.memory_space<semaphore_mem>>) src(%arg5 : memref<128x16xf32, #tpu.memory_space<vmem>>) dst(%dma_wait3A_217 : memref<10112x16xf32, #tpu.memory_space<vmem_shared>>)
        %dma_wait3A_218 = arith.constant 7 : i32
        %dma_wait3A_219 = arith.constant 0 : i32
        %dma_wait3A_220 = tpu.memref_slice %arg4[%dma_wait3A_218, %dma_wait3A_219] : memref<80x128xi32, #tpu.memory_space<vmem>> -> memref<1x128xi32, #tpu.memory_space<vmem>>
        %dma_wait3A_221 = tpu.memref_squeeze %dma_wait3A_220 : memref<1x128xi32, #tpu.memory_space<vmem>> -> memref<128xi32, #tpu.memory_space<vmem>>
        %dma_wait3A_222 = arith.constant 0 : i32
        %dma_wait3A_223 = arith.constant 0 : i32
        %dma_wait3A_224 = tpu.memref_slice %arg7[%dma_wait3A_222, %dma_wait3A_223] : memref<10112x16xf32, #tpu.memory_space<vmem_shared>> -> memref<10112x16xf32, #tpu.memory_space<vmem_shared>>
        tpu.wait_indirect_dma semaphore(%arg9 : memref<!tpu.dma_semaphore, #tpu.memory_space<semaphore_mem>>) src(%arg5 : memref<128x16xf32, #tpu.memory_space<vmem>>) dst(%dma_wait3A_224 : memref<10112x16xf32, #tpu.memory_space<vmem_shared>>)
      } else {
      }
    }
    %scan3A_24 = arith.constant 10 : i32
    %dma_wait3A_25 = arith.constant 0 : i32
    %dma_wait3A_26 = arith.constant 0 : i32
    %dma_wait3A_27 = tpu.memref_slice %arg4[%dma_wait3A_25, %dma_wait3A_26] : memref<80x128xi32, #tpu.memory_space<vmem>> -> memref<1x128xi32, #tpu.memory_space<vmem>>
    %dma_wait3A_28 = tpu.memref_squeeze %dma_wait3A_27 : memref<1x128xi32, #tpu.memory_space<vmem>> -> memref<128xi32, #tpu.memory_space<vmem>>
    %dma_wait3A_29 = arith.constant 0 : i32
    %dma_wait3A_30 = arith.constant 0 : i32
    %dma_wait3A_31 = tpu.memref_slice %arg7[%dma_wait3A_29, %dma_wait3A_30] : memref<10112x16xf32, #tpu.memory_space<vmem_shared>> -> memref<10112x16xf32, #tpu.memory_space<vmem_shared>>
    tpu.wait_indirect_dma semaphore(%arg9 : memref<!tpu.dma_semaphore, #tpu.memory_space<semaphore_mem>>) src(%arg5 : memref<128x16xf32, #tpu.memory_space<vmem>>) dst(%dma_wait3A_31 : memref<10112x16xf32, #tpu.memory_space<vmem_shared>>)
    %dma_wait3A_32 = arith.constant 1 : i32
    %dma_wait3A_33 = arith.constant 0 : i32
    %dma_wait3A_34 = tpu.memref_slice %arg4[%dma_wait3A_32, %dma_wait3A_33] : memref<80x128xi32, #tpu.memory_space<vmem>> -> memref<1x128xi32, #tpu.memory_space<vmem>>
    %dma_wait3A_35 = tpu.memref_squeeze %dma_wait3A_34 : memref<1x128xi32, #tpu.memory_space<vmem>> -> memref<128xi32, #tpu.memory_space<vmem>>
    %dma_wait3A_36 = arith.constant 0 : i32
    %dma_wait3A_37 = arith.constant 0 : i32
    %dma_wait3A_38 = tpu.memref_slice %arg7[%dma_wait3A_36, %dma_wait3A_37] : memref<10112x16xf32, #tpu.memory_space<vmem_shared>> -> memref<10112x16xf32, #tpu.memory_space<vmem_shared>>
    tpu.wait_indirect_dma semaphore(%arg9 : memref<!tpu.dma_semaphore, #tpu.memory_space<semaphore_mem>>) src(%arg5 : memref<128x16xf32, #tpu.memory_space<vmem>>) dst(%dma_wait3A_38 : memref<10112x16xf32, #tpu.memory_space<vmem_shared>>)
    %dma_wait3A_39 = arith.constant 2 : i32
    %dma_wait3A_40 = arith.constant 0 : i32
    %dma_wait3A_41 = tpu.memref_slice %arg4[%dma_wait3A_39, %dma_wait3A_40] : memref<80x128xi32, #tpu.memory_space<vmem>> -> memref<1x128xi32, #tpu.memory_space<vmem>>
    %dma_wait3A_42 = tpu.memref_squeeze %dma_wait3A_41 : memref<1x128xi32, #tpu.memory_space<vmem>> -> memref<128xi32, #tpu.memory_space<vmem>>
    %dma_wait3A_43 = arith.constant 0 : i32
    %dma_wait3A_44 = arith.constant 0 : i32
    %dma_wait3A_45 = tpu.memref_slice %arg7[%dma_wait3A_43, %dma_wait3A_44] : memref<10112x16xf32, #tpu.memory_space<vmem_shared>> -> memref<10112x16xf32, #tpu.memory_space<vmem_shared>>
    tpu.wait_indirect_dma semaphore(%arg9 : memref<!tpu.dma_semaphore, #tpu.memory_space<semaphore_mem>>) src(%arg5 : memref<128x16xf32, #tpu.memory_space<vmem>>) dst(%dma_wait3A_45 : memref<10112x16xf32, #tpu.memory_space<vmem_shared>>)
    %dma_wait3A_46 = arith.constant 3 : i32
    %dma_wait3A_47 = arith.constant 0 : i32
    %dma_wait3A_48 = tpu.memref_slice %arg4[%dma_wait3A_46, %dma_wait3A_47] : memref<80x128xi32, #tpu.memory_space<vmem>> -> memref<1x128xi32, #tpu.memory_space<vmem>>
    %dma_wait3A_49 = tpu.memref_squeeze %dma_wait3A_48 : memref<1x128xi32, #tpu.memory_space<vmem>> -> memref<128xi32, #tpu.memory_space<vmem>>
    %dma_wait3A_50 = arith.constant 0 : i32
    %dma_wait3A_51 = arith.constant 0 : i32
    %dma_wait3A_52 = tpu.memref_slice %arg7[%dma_wait3A_50, %dma_wait3A_51] : memref<10112x16xf32, #tpu.memory_space<vmem_shared>> -> memref<10112x16xf32, #tpu.memory_space<vmem_shared>>
    tpu.wait_indirect_dma semaphore(%arg9 : memref<!tpu.dma_semaphore, #tpu.memory_space<semaphore_mem>>) src(%arg5 : memref<128x16xf32, #tpu.memory_space<vmem>>) dst(%dma_wait3A_52 : memref<10112x16xf32, #tpu.memory_space<vmem_shared>>)
    %dma_wait3A_53 = arith.constant 4 : i32
    %dma_wait3A_54 = arith.constant 0 : i32
    %dma_wait3A_55 = tpu.memref_slice %arg4[%dma_wait3A_53, %dma_wait3A_54] : memref<80x128xi32, #tpu.memory_space<vmem>> -> memref<1x128xi32, #tpu.memory_space<vmem>>
    %dma_wait3A_56 = tpu.memref_squeeze %dma_wait3A_55 : memref<1x128xi32, #tpu.memory_space<vmem>> -> memref<128xi32, #tpu.memory_space<vmem>>
    %dma_wait3A_57 = arith.constant 0 : i32
    %dma_wait3A_58 = arith.constant 0 : i32
    %dma_wait3A_59 = tpu.memref_slice %arg7[%dma_wait3A_57, %dma_wait3A_58] : memref<10112x16xf32, #tpu.memory_space<vmem_shared>> -> memref<10112x16xf32, #tpu.memory_space<vmem_shared>>
    tpu.wait_indirect_dma semaphore(%arg9 : memref<!tpu.dma_semaphore, #tpu.memory_space<semaphore_mem>>) src(%arg5 : memref<128x16xf32, #tpu.memory_space<vmem>>) dst(%dma_wait3A_59 : memref<10112x16xf32, #tpu.memory_space<vmem_shared>>)
    %dma_wait3A_60 = arith.constant 5 : i32
    %dma_wait3A_61 = arith.constant 0 : i32
    %dma_wait3A_62 = tpu.memref_slice %arg4[%dma_wait3A_60, %dma_wait3A_61] : memref<80x128xi32, #tpu.memory_space<vmem>> -> memref<1x128xi32, #tpu.memory_space<vmem>>
    %dma_wait3A_63 = tpu.memref_squeeze %dma_wait3A_62 : memref<1x128xi32, #tpu.memory_space<vmem>> -> memref<128xi32, #tpu.memory_space<vmem>>
    %dma_wait3A_64 = arith.constant 0 : i32
    %dma_wait3A_65 = arith.constant 0 : i32
    %dma_wait3A_66 = tpu.memref_slice %arg7[%dma_wait3A_64, %dma_wait3A_65] : memref<10112x16xf32, #tpu.memory_space<vmem_shared>> -> memref<10112x16xf32, #tpu.memory_space<vmem_shared>>
    tpu.wait_indirect_dma semaphore(%arg9 : memref<!tpu.dma_semaphore, #tpu.memory_space<semaphore_mem>>) src(%arg5 : memref<128x16xf32, #tpu.memory_space<vmem>>) dst(%dma_wait3A_66 : memref<10112x16xf32, #tpu.memory_space<vmem_shared>>)
    %dma_wait3A_67 = arith.constant 6 : i32
    %dma_wait3A_68 = arith.constant 0 : i32
    %dma_wait3A_69 = tpu.memref_slice %arg4[%dma_wait3A_67, %dma_wait3A_68] : memref<80x128xi32, #tpu.memory_space<vmem>> -> memref<1x128xi32, #tpu.memory_space<vmem>>
    %dma_wait3A_70 = tpu.memref_squeeze %dma_wait3A_69 : memref<1x128xi32, #tpu.memory_space<vmem>> -> memref<128xi32, #tpu.memory_space<vmem>>
    %dma_wait3A_71 = arith.constant 0 : i32
    %dma_wait3A_72 = arith.constant 0 : i32
    %dma_wait3A_73 = tpu.memref_slice %arg7[%dma_wait3A_71, %dma_wait3A_72] : memref<10112x16xf32, #tpu.memory_space<vmem_shared>> -> memref<10112x16xf32, #tpu.memory_space<vmem_shared>>
    tpu.wait_indirect_dma semaphore(%arg9 : memref<!tpu.dma_semaphore, #tpu.memory_space<semaphore_mem>>) src(%arg5 : memref<128x16xf32, #tpu.memory_space<vmem>>) dst(%dma_wait3A_73 : memref<10112x16xf32, #tpu.memory_space<vmem_shared>>)
    %dma_wait3A_74 = arith.constant 7 : i32
    %dma_wait3A_75 = arith.constant 0 : i32
    %dma_wait3A_76 = tpu.memref_slice %arg4[%dma_wait3A_74, %dma_wait3A_75] : memref<80x128xi32, #tpu.memory_space<vmem>> -> memref<1x128xi32, #tpu.memory_space<vmem>>
    %dma_wait3A_77 = tpu.memref_squeeze %dma_wait3A_76 : memref<1x128xi32, #tpu.memory_space<vmem>> -> memref<128xi32, #tpu.memory_space<vmem>>
    %dma_wait3A_78 = arith.constant 0 : i32
    %dma_wait3A_79 = arith.constant 0 : i32
    %dma_wait3A_80 = tpu.memref_slice %arg7[%dma_wait3A_78, %dma_wait3A_79] : memref<10112x16xf32, #tpu.memory_space<vmem_shared>> -> memref<10112x16xf32, #tpu.memory_space<vmem_shared>>
    tpu.wait_indirect_dma semaphore(%arg9 : memref<!tpu.dma_semaphore, #tpu.memory_space<semaphore_mem>>) src(%arg5 : memref<128x16xf32, #tpu.memory_space<vmem>>) dst(%dma_wait3A_80 : memref<10112x16xf32, #tpu.memory_space<vmem_shared>>)
    %barrier3A_81 = arith.constant 0 : index
    tpu.barrier barrier_id(%barrier3A_81)
    "tpu.region"() ({
      %run_scoped3A = tpu.sem_alloc : memref<!tpu.dma_semaphore, #tpu.memory_space<semaphore_mem>>
      %dma_start3A_82 = arith.constant 0 : i32
      %dma_start3A_83 = tpu.memref_slice %arg3[%arg0, %mul3A_16, %dma_start3A_82] : memref<2x10112x16xf32, #tpu.memory_space<hbm>> -> memref<1x632x16xf32, #tpu.memory_space<hbm>>
      %dma_start3A_84 = tpu.memref_squeeze %dma_start3A_83 : memref<1x632x16xf32, #tpu.memory_space<hbm>> -> memref<632x16xf32, #tpu.memory_space<hbm>>
      %dma_start3A_85 = arith.constant 0 : i32
      %dma_start3A_86 = tpu.memref_slice %arg7[%mul3A_16, %dma_start3A_85] : memref<10112x16xf32, #tpu.memory_space<vmem_shared>> -> memref<632x16xf32, #tpu.memory_space<vmem_shared>>
      tpu.enqueue_dma source(%dma_start3A_86 : memref<632x16xf32, #tpu.memory_space<vmem_shared>>) target(%dma_start3A_84 : memref<632x16xf32, #tpu.memory_space<hbm>>) target_semaphore(%run_scoped3A : memref<!tpu.dma_semaphore, #tpu.memory_space<semaphore_mem>>)
      %dma_wait3A_87 = arith.constant 0 : i32
      %dma_wait3A_88 = tpu.memref_slice %arg3[%arg0, %mul3A_16, %dma_wait3A_87] : memref<2x10112x16xf32, #tpu.memory_space<hbm>> -> memref<1x632x16xf32, #tpu.memory_space<hbm>>
      %dma_wait3A_89 = tpu.memref_squeeze %dma_wait3A_88 : memref<1x632x16xf32, #tpu.memory_space<hbm>> -> memref<632x16xf32, #tpu.memory_space<hbm>>
      %dma_wait3A_90 = arith.constant 0 : i32
      %dma_wait3A_91 = tpu.memref_slice %arg7[%mul3A_16, %dma_wait3A_90] : memref<10112x16xf32, #tpu.memory_space<vmem_shared>> -> memref<632x16xf32, #tpu.memory_space<vmem_shared>>
      tpu.wait_dma2 semaphore(%run_scoped3A : memref<!tpu.dma_semaphore, #tpu.memory_space<semaphore_mem>>) src(%dma_wait3A_91 : memref<632x16xf32, #tpu.memory_space<vmem_shared>>) dst(%dma_wait3A_89 : memref<632x16xf32, #tpu.memory_space<hbm>>)
      tpu.yield
    }) : () -> ()
    return
  }
}

#map = affine_map<(d0, d1) -> (0, 0)>
#map1 = affine_map<(d0, d1) -> (0, 0, 0)>
module attributes {stable_mosaic.version = 14 : i64} {
  func.func @_sc_propagate(%arg0: i32, %arg1: i32, %arg2: memref<10112x64xf32, #tpu.memory_space<hbm>>, %arg3: memref<2560x128xi32, #tpu.memory_space<hbm>>, %arg4: memref<2560x128xi32, #tpu.memory_space<hbm>>, %arg5: memref<2x10112x64xf32, #tpu.memory_space<hbm>>, %arg6: memref<80x128xi32, #tpu.memory_space<vmem>>, %arg7: memref<80x128xi32, #tpu.memory_space<vmem>>, %arg8: memref<2x512x64xf32, #tpu.memory_space<vmem>>, %arg9: memref<10112x64xf32, #tpu.memory_space<vmem_shared>>, %arg10: memref<!tpu.dma_semaphore, #tpu.memory_space<semaphore_mem>>, %arg11: memref<!tpu.dma_semaphore, #tpu.memory_space<semaphore_mem>>, %arg12: memref<!tpu.dma_semaphore, #tpu.memory_space<semaphore_mem>>) attributes {dimension_semantics = [#tpu.dimension_semantics<core_parallel>, #tpu.dimension_semantics<subcore_parallel>], iteration_bounds = array<i64: 2, 16>, scalar_prefetch = 0 : i64, scratch_operands = 7 : i64, tpu.core_type = #tpu.core_type<sc_vector_subcore>, window_params = [{transform_indices = #map}, {transform_indices = #map}, {transform_indices = #map}, {transform_indices = #map1}]} {
    %mul3A = arith.constant 16 : i32
    %mul3A_0 = arith.muli %arg0, %mul3A : i32
    %add3A = arith.addi %mul3A_0, %arg1 : i32
    %mul3A_1 = arith.constant 632 : i32
    %mul3A_2 = arith.muli %arg1, %mul3A_1 : i32
    %mul3A_3 = arith.constant 80 : i32
    %mul3A_4 = arith.muli %add3A, %mul3A_3 : i32
    %dma_start3A = arith.constant 0 : i32
    %dma_start3A_5 = tpu.memref_slice %arg9[%mul3A_2, %dma_start3A] : memref<10112x64xf32, #tpu.memory_space<vmem_shared>> -> memref<632x64xf32, #tpu.memory_space<vmem_shared>>
    %dma_start3A_6 = arith.constant 0 : i32
    %dma_start3A_7 = tpu.memref_slice %arg2[%mul3A_2, %dma_start3A_6] : memref<10112x64xf32, #tpu.memory_space<hbm>> -> memref<632x64xf32, #tpu.memory_space<hbm>>
    tpu.enqueue_dma source(%dma_start3A_7 : memref<632x64xf32, #tpu.memory_space<hbm>>) target(%dma_start3A_5 : memref<632x64xf32, #tpu.memory_space<vmem_shared>>) target_semaphore(%arg10 : memref<!tpu.dma_semaphore, #tpu.memory_space<semaphore_mem>>)
    %dma_start3A_8 = arith.constant 0 : i32
    %dma_start3A_9 = tpu.memref_slice %arg3[%mul3A_4, %dma_start3A_8] : memref<2560x128xi32, #tpu.memory_space<hbm>> -> memref<80x128xi32, #tpu.memory_space<hbm>>
    %dma_start3A_10 = arith.constant 0 : i32
    %dma_start3A_11 = tpu.memref_slice %arg3[%mul3A_4, %dma_start3A_10] : memref<2560x128xi32, #tpu.memory_space<hbm>> -> memref<80x128xi32, #tpu.memory_space<hbm>>
    tpu.enqueue_dma source(%dma_start3A_11 : memref<80x128xi32, #tpu.memory_space<hbm>>) target(%arg6 : memref<80x128xi32, #tpu.memory_space<vmem>>) target_semaphore(%arg10 : memref<!tpu.dma_semaphore, #tpu.memory_space<semaphore_mem>>)
    %dma_start3A_12 = arith.constant 0 : i32
    %dma_start3A_13 = tpu.memref_slice %arg4[%mul3A_4, %dma_start3A_12] : memref<2560x128xi32, #tpu.memory_space<hbm>> -> memref<80x128xi32, #tpu.memory_space<hbm>>
    %dma_start3A_14 = arith.constant 0 : i32
    %dma_start3A_15 = tpu.memref_slice %arg4[%mul3A_4, %dma_start3A_14] : memref<2560x128xi32, #tpu.memory_space<hbm>> -> memref<80x128xi32, #tpu.memory_space<hbm>>
    tpu.enqueue_dma source(%dma_start3A_15 : memref<80x128xi32, #tpu.memory_space<hbm>>) target(%arg7 : memref<80x128xi32, #tpu.memory_space<vmem>>) target_semaphore(%arg10 : memref<!tpu.dma_semaphore, #tpu.memory_space<semaphore_mem>>)
    %dma_wait3A = arith.constant 0 : i32
    %dma_wait3A_16 = tpu.memref_slice %arg9[%mul3A_2, %dma_wait3A] : memref<10112x64xf32, #tpu.memory_space<vmem_shared>> -> memref<632x64xf32, #tpu.memory_space<vmem_shared>>
    %dma_wait3A_17 = arith.constant 0 : i32
    %dma_wait3A_18 = tpu.memref_slice %arg2[%mul3A_2, %dma_wait3A_17] : memref<10112x64xf32, #tpu.memory_space<hbm>> -> memref<632x64xf32, #tpu.memory_space<hbm>>
    tpu.wait_dma2 semaphore(%arg10 : memref<!tpu.dma_semaphore, #tpu.memory_space<semaphore_mem>>) src(%dma_wait3A_18 : memref<632x64xf32, #tpu.memory_space<hbm>>) dst(%dma_wait3A_16 : memref<632x64xf32, #tpu.memory_space<vmem_shared>>)
    %dma_wait3A_19 = arith.constant 0 : i32
    %dma_wait3A_20 = tpu.memref_slice %arg3[%mul3A_4, %dma_wait3A_19] : memref<2560x128xi32, #tpu.memory_space<hbm>> -> memref<80x128xi32, #tpu.memory_space<hbm>>
    %dma_wait3A_21 = arith.constant 0 : i32
    %dma_wait3A_22 = tpu.memref_slice %arg3[%mul3A_4, %dma_wait3A_21] : memref<2560x128xi32, #tpu.memory_space<hbm>> -> memref<80x128xi32, #tpu.memory_space<hbm>>
    tpu.wait_dma2 semaphore(%arg10 : memref<!tpu.dma_semaphore, #tpu.memory_space<semaphore_mem>>) src(%dma_wait3A_22 : memref<80x128xi32, #tpu.memory_space<hbm>>) dst(%arg6 : memref<80x128xi32, #tpu.memory_space<vmem>>)
    %dma_wait3A_23 = arith.constant 0 : i32
    %dma_wait3A_24 = tpu.memref_slice %arg4[%mul3A_4, %dma_wait3A_23] : memref<2560x128xi32, #tpu.memory_space<hbm>> -> memref<80x128xi32, #tpu.memory_space<hbm>>
    %dma_wait3A_25 = arith.constant 0 : i32
    %dma_wait3A_26 = tpu.memref_slice %arg4[%mul3A_4, %dma_wait3A_25] : memref<2560x128xi32, #tpu.memory_space<hbm>> -> memref<80x128xi32, #tpu.memory_space<hbm>>
    tpu.wait_dma2 semaphore(%arg10 : memref<!tpu.dma_semaphore, #tpu.memory_space<semaphore_mem>>) src(%dma_wait3A_26 : memref<80x128xi32, #tpu.memory_space<hbm>>) dst(%arg7 : memref<80x128xi32, #tpu.memory_space<vmem>>)
    %barrier3A = arith.constant 0 : index
    tpu.barrier barrier_id(%barrier3A)
    %scan3A = arith.constant 0 : i32
    %scan3A_27 = arith.constant 10 : i32
    %scan3A_28 = arith.addi %scan3A, %scan3A_27 : i32
    %scan3A_29 = arith.constant 1 : i32
    scf.for %scan3A_128 = %scan3A to %scan3A_28 step %scan3A_29  : i32 {
      %mul3A_129 = arith.constant 1 : i32
      %mul3A_130 = arith.muli %scan3A_128, %mul3A_129 : i32
      %add3A_131 = arith.constant 0 : i32
      %add3A_132 = arith.addi %add3A_131, %mul3A_130 : i32
      %mul3A_133 = arith.constant 2 : i32
      %mul3A_134 = arith.muli %mul3A_133, %add3A_132 : i32
      %add3A_135 = arith.constant 0 : i32
      %add3A_136 = arith.addi %mul3A_134, %add3A_135 : i32
      %gt3A = arith.constant 0 : i32
      %gt3A_137 = arith.cmpi sgt, %add3A_132, %gt3A : i32
      %convert_element_type3A = arith.extui %gt3A_137 : i1 to i32
      %cond3A = arith.constant 0 : i32
      %cond3A_138 = arith.cmpi ne, %convert_element_type3A, %cond3A : i32
      scf.if %cond3A_138 {
        %mul3A_508 = arith.constant 4 : i32
        %mul3A_509 = arith.muli %add3A_136, %mul3A_508 : i32
        %add3A_510 = arith.constant 0 : i32
        %add3A_511 = arith.addi %mul3A_509, %add3A_510 : i32
        %dma_wait3A_512 = arith.constant 0 : i32
        %dma_wait3A_513 = arith.constant 0 : i32
        %dma_wait3A_514 = arith.constant 0 : i32
        %dma_wait3A_515 = tpu.memref_slice %arg8[%dma_wait3A_512, %dma_wait3A_513, %dma_wait3A_514] : memref<2x512x64xf32, #tpu.memory_space<vmem>> -> memref<1x128x64xf32, #tpu.memory_space<vmem>>
        %dma_wait3A_516 = tpu.memref_squeeze %dma_wait3A_515 : memref<1x128x64xf32, #tpu.memory_space<vmem>> -> memref<128x64xf32, #tpu.memory_space<vmem>>
        %dma_wait3A_517 = arith.constant 0 : i32
        %dma_wait3A_518 = tpu.memref_slice %arg7[%add3A_511, %dma_wait3A_517] : memref<80x128xi32, #tpu.memory_space<vmem>> -> memref<1x128xi32, #tpu.memory_space<vmem>>
        %dma_wait3A_519 = tpu.memref_squeeze %dma_wait3A_518 : memref<1x128xi32, #tpu.memory_space<vmem>> -> memref<128xi32, #tpu.memory_space<vmem>>
        %dma_wait3A_520 = arith.constant 0 : i32
        %dma_wait3A_521 = arith.constant 0 : i32
        %dma_wait3A_522 = tpu.memref_slice %arg9[%dma_wait3A_520, %dma_wait3A_521] : memref<10112x64xf32, #tpu.memory_space<vmem_shared>> -> memref<10112x64xf32, #tpu.memory_space<vmem_shared>>
        tpu.wait_indirect_dma semaphore(%arg11 : memref<!tpu.dma_semaphore, #tpu.memory_space<semaphore_mem>>) src(%dma_wait3A_516 : memref<128x64xf32, #tpu.memory_space<vmem>>) dst(%dma_wait3A_522 : memref<10112x64xf32, #tpu.memory_space<vmem_shared>>)
        %mul3A_523 = arith.constant 4 : i32
        %mul3A_524 = arith.muli %add3A_136, %mul3A_523 : i32
        %add3A_525 = arith.constant 1 : i32
        %add3A_526 = arith.addi %mul3A_524, %add3A_525 : i32
        %dma_wait3A_527 = arith.constant 0 : i32
        %dma_wait3A_528 = arith.constant 128 : i32
        %dma_wait3A_529 = arith.constant 0 : i32
        %dma_wait3A_530 = tpu.memref_slice %arg8[%dma_wait3A_527, %dma_wait3A_528, %dma_wait3A_529] : memref<2x512x64xf32, #tpu.memory_space<vmem>> -> memref<1x128x64xf32, #tpu.memory_space<vmem>>
        %dma_wait3A_531 = tpu.memref_squeeze %dma_wait3A_530 : memref<1x128x64xf32, #tpu.memory_space<vmem>> -> memref<128x64xf32, #tpu.memory_space<vmem>>
        %dma_wait3A_532 = arith.constant 0 : i32
        %dma_wait3A_533 = tpu.memref_slice %arg7[%add3A_526, %dma_wait3A_532] : memref<80x128xi32, #tpu.memory_space<vmem>> -> memref<1x128xi32, #tpu.memory_space<vmem>>
        %dma_wait3A_534 = tpu.memref_squeeze %dma_wait3A_533 : memref<1x128xi32, #tpu.memory_space<vmem>> -> memref<128xi32, #tpu.memory_space<vmem>>
        %dma_wait3A_535 = arith.constant 0 : i32
        %dma_wait3A_536 = arith.constant 0 : i32
        %dma_wait3A_537 = tpu.memref_slice %arg9[%dma_wait3A_535, %dma_wait3A_536] : memref<10112x64xf32, #tpu.memory_space<vmem_shared>> -> memref<10112x64xf32, #tpu.memory_space<vmem_shared>>
        tpu.wait_indirect_dma semaphore(%arg11 : memref<!tpu.dma_semaphore, #tpu.memory_space<semaphore_mem>>) src(%dma_wait3A_531 : memref<128x64xf32, #tpu.memory_space<vmem>>) dst(%dma_wait3A_537 : memref<10112x64xf32, #tpu.memory_space<vmem_shared>>)
        %mul3A_538 = arith.constant 4 : i32
        %mul3A_539 = arith.muli %add3A_136, %mul3A_538 : i32
        %add3A_540 = arith.constant 2 : i32
        %add3A_541 = arith.addi %mul3A_539, %add3A_540 : i32
        %dma_wait3A_542 = arith.constant 0 : i32
        %dma_wait3A_543 = arith.constant 256 : i32
        %dma_wait3A_544 = arith.constant 0 : i32
        %dma_wait3A_545 = tpu.memref_slice %arg8[%dma_wait3A_542, %dma_wait3A_543, %dma_wait3A_544] : memref<2x512x64xf32, #tpu.memory_space<vmem>> -> memref<1x128x64xf32, #tpu.memory_space<vmem>>
        %dma_wait3A_546 = tpu.memref_squeeze %dma_wait3A_545 : memref<1x128x64xf32, #tpu.memory_space<vmem>> -> memref<128x64xf32, #tpu.memory_space<vmem>>
        %dma_wait3A_547 = arith.constant 0 : i32
        %dma_wait3A_548 = tpu.memref_slice %arg7[%add3A_541, %dma_wait3A_547] : memref<80x128xi32, #tpu.memory_space<vmem>> -> memref<1x128xi32, #tpu.memory_space<vmem>>
        %dma_wait3A_549 = tpu.memref_squeeze %dma_wait3A_548 : memref<1x128xi32, #tpu.memory_space<vmem>> -> memref<128xi32, #tpu.memory_space<vmem>>
        %dma_wait3A_550 = arith.constant 0 : i32
        %dma_wait3A_551 = arith.constant 0 : i32
        %dma_wait3A_552 = tpu.memref_slice %arg9[%dma_wait3A_550, %dma_wait3A_551] : memref<10112x64xf32, #tpu.memory_space<vmem_shared>> -> memref<10112x64xf32, #tpu.memory_space<vmem_shared>>
        tpu.wait_indirect_dma semaphore(%arg11 : memref<!tpu.dma_semaphore, #tpu.memory_space<semaphore_mem>>) src(%dma_wait3A_546 : memref<128x64xf32, #tpu.memory_space<vmem>>) dst(%dma_wait3A_552 : memref<10112x64xf32, #tpu.memory_space<vmem_shared>>)
        %mul3A_553 = arith.constant 4 : i32
        %mul3A_554 = arith.muli %add3A_136, %mul3A_553 : i32
        %add3A_555 = arith.constant 3 : i32
        %add3A_556 = arith.addi %mul3A_554, %add3A_555 : i32
        %dma_wait3A_557 = arith.constant 0 : i32
        %dma_wait3A_558 = arith.constant 384 : i32
        %dma_wait3A_559 = arith.constant 0 : i32
        %dma_wait3A_560 = tpu.memref_slice %arg8[%dma_wait3A_557, %dma_wait3A_558, %dma_wait3A_559] : memref<2x512x64xf32, #tpu.memory_space<vmem>> -> memref<1x128x64xf32, #tpu.memory_space<vmem>>
        %dma_wait3A_561 = tpu.memref_squeeze %dma_wait3A_560 : memref<1x128x64xf32, #tpu.memory_space<vmem>> -> memref<128x64xf32, #tpu.memory_space<vmem>>
        %dma_wait3A_562 = arith.constant 0 : i32
        %dma_wait3A_563 = tpu.memref_slice %arg7[%add3A_556, %dma_wait3A_562] : memref<80x128xi32, #tpu.memory_space<vmem>> -> memref<1x128xi32, #tpu.memory_space<vmem>>
        %dma_wait3A_564 = tpu.memref_squeeze %dma_wait3A_563 : memref<1x128xi32, #tpu.memory_space<vmem>> -> memref<128xi32, #tpu.memory_space<vmem>>
        %dma_wait3A_565 = arith.constant 0 : i32
        %dma_wait3A_566 = arith.constant 0 : i32
        %dma_wait3A_567 = tpu.memref_slice %arg9[%dma_wait3A_565, %dma_wait3A_566] : memref<10112x64xf32, #tpu.memory_space<vmem_shared>> -> memref<10112x64xf32, #tpu.memory_space<vmem_shared>>
        tpu.wait_indirect_dma semaphore(%arg11 : memref<!tpu.dma_semaphore, #tpu.memory_space<semaphore_mem>>) src(%dma_wait3A_561 : memref<128x64xf32, #tpu.memory_space<vmem>>) dst(%dma_wait3A_567 : memref<10112x64xf32, #tpu.memory_space<vmem_shared>>)
      } else {
      }
      %mul3A_139 = arith.constant 4 : i32
      %mul3A_140 = arith.muli %add3A_136, %mul3A_139 : i32
      %add3A_141 = arith.constant 0 : i32
      %add3A_142 = arith.addi %mul3A_140, %add3A_141 : i32
      %dma_start3A_143 = arith.constant 0 : i32
      %dma_start3A_144 = arith.constant 0 : i32
      %dma_start3A_145 = arith.constant 0 : i32
      %dma_start3A_146 = tpu.memref_slice %arg8[%dma_start3A_143, %dma_start3A_144, %dma_start3A_145] : memref<2x512x64xf32, #tpu.memory_space<vmem>> -> memref<1x128x64xf32, #tpu.memory_space<vmem>>
      %dma_start3A_147 = tpu.memref_squeeze %dma_start3A_146 : memref<1x128x64xf32, #tpu.memory_space<vmem>> -> memref<128x64xf32, #tpu.memory_space<vmem>>
      %dma_start3A_148 = arith.constant 0 : i32
      %dma_start3A_149 = tpu.memref_slice %arg6[%add3A_142, %dma_start3A_148] : memref<80x128xi32, #tpu.memory_space<vmem>> -> memref<1x128xi32, #tpu.memory_space<vmem>>
      %dma_start3A_150 = tpu.memref_squeeze %dma_start3A_149 : memref<1x128xi32, #tpu.memory_space<vmem>> -> memref<128xi32, #tpu.memory_space<vmem>>
      %dma_start3A_151 = arith.constant 0 : i32
      %dma_start3A_152 = arith.constant 0 : i32
      %dma_start3A_153 = tpu.memref_slice %arg2[%dma_start3A_151, %dma_start3A_152] : memref<10112x64xf32, #tpu.memory_space<hbm>> -> memref<10112x64xf32, #tpu.memory_space<hbm>>
      tpu.enqueue_indirect_dma source(%dma_start3A_153 : memref<10112x64xf32, #tpu.memory_space<hbm>>) target(%dma_start3A_147 : memref<128x64xf32, #tpu.memory_space<vmem>>) offsets(%dma_start3A_150 : memref<128xi32, #tpu.memory_space<vmem>>) semaphore(%arg10 : memref<!tpu.dma_semaphore, #tpu.memory_space<semaphore_mem>>)
      %mul3A_154 = arith.constant 4 : i32
      %mul3A_155 = arith.muli %add3A_136, %mul3A_154 : i32
      %add3A_156 = arith.constant 1 : i32
      %add3A_157 = arith.addi %mul3A_155, %add3A_156 : i32
      %dma_start3A_158 = arith.constant 0 : i32
      %dma_start3A_159 = arith.constant 128 : i32
      %dma_start3A_160 = arith.constant 0 : i32
      %dma_start3A_161 = tpu.memref_slice %arg8[%dma_start3A_158, %dma_start3A_159, %dma_start3A_160] : memref<2x512x64xf32, #tpu.memory_space<vmem>> -> memref<1x128x64xf32, #tpu.memory_space<vmem>>
      %dma_start3A_162 = tpu.memref_squeeze %dma_start3A_161 : memref<1x128x64xf32, #tpu.memory_space<vmem>> -> memref<128x64xf32, #tpu.memory_space<vmem>>
      %dma_start3A_163 = arith.constant 0 : i32
      %dma_start3A_164 = tpu.memref_slice %arg6[%add3A_157, %dma_start3A_163] : memref<80x128xi32, #tpu.memory_space<vmem>> -> memref<1x128xi32, #tpu.memory_space<vmem>>
      %dma_start3A_165 = tpu.memref_squeeze %dma_start3A_164 : memref<1x128xi32, #tpu.memory_space<vmem>> -> memref<128xi32, #tpu.memory_space<vmem>>
      %dma_start3A_166 = arith.constant 0 : i32
      %dma_start3A_167 = arith.constant 0 : i32
      %dma_start3A_168 = tpu.memref_slice %arg2[%dma_start3A_166, %dma_start3A_167] : memref<10112x64xf32, #tpu.memory_space<hbm>> -> memref<10112x64xf32, #tpu.memory_space<hbm>>
      tpu.enqueue_indirect_dma source(%dma_start3A_168 : memref<10112x64xf32, #tpu.memory_space<hbm>>) target(%dma_start3A_162 : memref<128x64xf32, #tpu.memory_space<vmem>>) offsets(%dma_start3A_165 : memref<128xi32, #tpu.memory_space<vmem>>) semaphore(%arg10 : memref<!tpu.dma_semaphore, #tpu.memory_space<semaphore_mem>>)
      %mul3A_169 = arith.constant 4 : i32
      %mul3A_170 = arith.muli %add3A_136, %mul3A_169 : i32
      %add3A_171 = arith.constant 2 : i32
      %add3A_172 = arith.addi %mul3A_170, %add3A_171 : i32
      %dma_start3A_173 = arith.constant 0 : i32
      %dma_start3A_174 = arith.constant 256 : i32
      %dma_start3A_175 = arith.constant 0 : i32
      %dma_start3A_176 = tpu.memref_slice %arg8[%dma_start3A_173, %dma_start3A_174, %dma_start3A_175] : memref<2x512x64xf32, #tpu.memory_space<vmem>> -> memref<1x128x64xf32, #tpu.memory_space<vmem>>
      %dma_start3A_177 = tpu.memref_squeeze %dma_start3A_176 : memref<1x128x64xf32, #tpu.memory_space<vmem>> -> memref<128x64xf32, #tpu.memory_space<vmem>>
      %dma_start3A_178 = arith.constant 0 : i32
      %dma_start3A_179 = tpu.memref_slice %arg6[%add3A_172, %dma_start3A_178] : memref<80x128xi32, #tpu.memory_space<vmem>> -> memref<1x128xi32, #tpu.memory_space<vmem>>
      %dma_start3A_180 = tpu.memref_squeeze %dma_start3A_179 : memref<1x128xi32, #tpu.memory_space<vmem>> -> memref<128xi32, #tpu.memory_space<vmem>>
      %dma_start3A_181 = arith.constant 0 : i32
      %dma_start3A_182 = arith.constant 0 : i32
      %dma_start3A_183 = tpu.memref_slice %arg2[%dma_start3A_181, %dma_start3A_182] : memref<10112x64xf32, #tpu.memory_space<hbm>> -> memref<10112x64xf32, #tpu.memory_space<hbm>>
      tpu.enqueue_indirect_dma source(%dma_start3A_183 : memref<10112x64xf32, #tpu.memory_space<hbm>>) target(%dma_start3A_177 : memref<128x64xf32, #tpu.memory_space<vmem>>) offsets(%dma_start3A_180 : memref<128xi32, #tpu.memory_space<vmem>>) semaphore(%arg10 : memref<!tpu.dma_semaphore, #tpu.memory_space<semaphore_mem>>)
      %mul3A_184 = arith.constant 4 : i32
      %mul3A_185 = arith.muli %add3A_136, %mul3A_184 : i32
      %add3A_186 = arith.constant 3 : i32
      %add3A_187 = arith.addi %mul3A_185, %add3A_186 : i32
      %dma_start3A_188 = arith.constant 0 : i32
      %dma_start3A_189 = arith.constant 384 : i32
      %dma_start3A_190 = arith.constant 0 : i32
      %dma_start3A_191 = tpu.memref_slice %arg8[%dma_start3A_188, %dma_start3A_189, %dma_start3A_190] : memref<2x512x64xf32, #tpu.memory_space<vmem>> -> memref<1x128x64xf32, #tpu.memory_space<vmem>>
      %dma_start3A_192 = tpu.memref_squeeze %dma_start3A_191 : memref<1x128x64xf32, #tpu.memory_space<vmem>> -> memref<128x64xf32, #tpu.memory_space<vmem>>
      %dma_start3A_193 = arith.constant 0 : i32
      %dma_start3A_194 = tpu.memref_slice %arg6[%add3A_187, %dma_start3A_193] : memref<80x128xi32, #tpu.memory_space<vmem>> -> memref<1x128xi32, #tpu.memory_space<vmem>>
      %dma_start3A_195 = tpu.memref_squeeze %dma_start3A_194 : memref<1x128xi32, #tpu.memory_space<vmem>> -> memref<128xi32, #tpu.memory_space<vmem>>
      %dma_start3A_196 = arith.constant 0 : i32
      %dma_start3A_197 = arith.constant 0 : i32
      %dma_start3A_198 = tpu.memref_slice %arg2[%dma_start3A_196, %dma_start3A_197] : memref<10112x64xf32, #tpu.memory_space<hbm>> -> memref<10112x64xf32, #tpu.memory_space<hbm>>
      tpu.enqueue_indirect_dma source(%dma_start3A_198 : memref<10112x64xf32, #tpu.memory_space<hbm>>) target(%dma_start3A_192 : memref<128x64xf32, #tpu.memory_space<vmem>>) offsets(%dma_start3A_195 : memref<128xi32, #tpu.memory_space<vmem>>) semaphore(%arg10 : memref<!tpu.dma_semaphore, #tpu.memory_space<semaphore_mem>>)
      %mul3A_199 = arith.constant 4 : i32
      %mul3A_200 = arith.muli %add3A_136, %mul3A_199 : i32
      %add3A_201 = arith.constant 0 : i32
      %add3A_202 = arith.addi %mul3A_200, %add3A_201 : i32
      %dma_wait3A_203 = arith.constant 0 : i32
      %dma_wait3A_204 = arith.constant 0 : i32
      %dma_wait3A_205 = arith.constant 0 : i32
      %dma_wait3A_206 = tpu.memref_slice %arg8[%dma_wait3A_203, %dma_wait3A_204, %dma_wait3A_205] : memref<2x512x64xf32, #tpu.memory_space<vmem>> -> memref<1x128x64xf32, #tpu.memory_space<vmem>>
      %dma_wait3A_207 = tpu.memref_squeeze %dma_wait3A_206 : memref<1x128x64xf32, #tpu.memory_space<vmem>> -> memref<128x64xf32, #tpu.memory_space<vmem>>
      %dma_wait3A_208 = arith.constant 0 : i32
      %dma_wait3A_209 = tpu.memref_slice %arg6[%add3A_202, %dma_wait3A_208] : memref<80x128xi32, #tpu.memory_space<vmem>> -> memref<1x128xi32, #tpu.memory_space<vmem>>
      %dma_wait3A_210 = tpu.memref_squeeze %dma_wait3A_209 : memref<1x128xi32, #tpu.memory_space<vmem>> -> memref<128xi32, #tpu.memory_space<vmem>>
      %dma_wait3A_211 = arith.constant 0 : i32
      %dma_wait3A_212 = arith.constant 0 : i32
      %dma_wait3A_213 = tpu.memref_slice %arg2[%dma_wait3A_211, %dma_wait3A_212] : memref<10112x64xf32, #tpu.memory_space<hbm>> -> memref<10112x64xf32, #tpu.memory_space<hbm>>
      tpu.wait_indirect_dma semaphore(%arg10 : memref<!tpu.dma_semaphore, #tpu.memory_space<semaphore_mem>>) src(%dma_wait3A_213 : memref<10112x64xf32, #tpu.memory_space<hbm>>) dst(%dma_wait3A_207 : memref<128x64xf32, #tpu.memory_space<vmem>>)
      %mul3A_214 = arith.constant 4 : i32
      %mul3A_215 = arith.muli %add3A_136, %mul3A_214 : i32
      %add3A_216 = arith.constant 1 : i32
      %add3A_217 = arith.addi %mul3A_215, %add3A_216 : i32
      %dma_wait3A_218 = arith.constant 0 : i32
      %dma_wait3A_219 = arith.constant 128 : i32
      %dma_wait3A_220 = arith.constant 0 : i32
      %dma_wait3A_221 = tpu.memref_slice %arg8[%dma_wait3A_218, %dma_wait3A_219, %dma_wait3A_220] : memref<2x512x64xf32, #tpu.memory_space<vmem>> -> memref<1x128x64xf32, #tpu.memory_space<vmem>>
      %dma_wait3A_222 = tpu.memref_squeeze %dma_wait3A_221 : memref<1x128x64xf32, #tpu.memory_space<vmem>> -> memref<128x64xf32, #tpu.memory_space<vmem>>
      %dma_wait3A_223 = arith.constant 0 : i32
      %dma_wait3A_224 = tpu.memref_slice %arg6[%add3A_217, %dma_wait3A_223] : memref<80x128xi32, #tpu.memory_space<vmem>> -> memref<1x128xi32, #tpu.memory_space<vmem>>
      %dma_wait3A_225 = tpu.memref_squeeze %dma_wait3A_224 : memref<1x128xi32, #tpu.memory_space<vmem>> -> memref<128xi32, #tpu.memory_space<vmem>>
      %dma_wait3A_226 = arith.constant 0 : i32
      %dma_wait3A_227 = arith.constant 0 : i32
      %dma_wait3A_228 = tpu.memref_slice %arg2[%dma_wait3A_226, %dma_wait3A_227] : memref<10112x64xf32, #tpu.memory_space<hbm>> -> memref<10112x64xf32, #tpu.memory_space<hbm>>
      tpu.wait_indirect_dma semaphore(%arg10 : memref<!tpu.dma_semaphore, #tpu.memory_space<semaphore_mem>>) src(%dma_wait3A_228 : memref<10112x64xf32, #tpu.memory_space<hbm>>) dst(%dma_wait3A_222 : memref<128x64xf32, #tpu.memory_space<vmem>>)
      %mul3A_229 = arith.constant 4 : i32
      %mul3A_230 = arith.muli %add3A_136, %mul3A_229 : i32
      %add3A_231 = arith.constant 2 : i32
      %add3A_232 = arith.addi %mul3A_230, %add3A_231 : i32
      %dma_wait3A_233 = arith.constant 0 : i32
      %dma_wait3A_234 = arith.constant 256 : i32
      %dma_wait3A_235 = arith.constant 0 : i32
      %dma_wait3A_236 = tpu.memref_slice %arg8[%dma_wait3A_233, %dma_wait3A_234, %dma_wait3A_235] : memref<2x512x64xf32, #tpu.memory_space<vmem>> -> memref<1x128x64xf32, #tpu.memory_space<vmem>>
      %dma_wait3A_237 = tpu.memref_squeeze %dma_wait3A_236 : memref<1x128x64xf32, #tpu.memory_space<vmem>> -> memref<128x64xf32, #tpu.memory_space<vmem>>
      %dma_wait3A_238 = arith.constant 0 : i32
      %dma_wait3A_239 = tpu.memref_slice %arg6[%add3A_232, %dma_wait3A_238] : memref<80x128xi32, #tpu.memory_space<vmem>> -> memref<1x128xi32, #tpu.memory_space<vmem>>
      %dma_wait3A_240 = tpu.memref_squeeze %dma_wait3A_239 : memref<1x128xi32, #tpu.memory_space<vmem>> -> memref<128xi32, #tpu.memory_space<vmem>>
      %dma_wait3A_241 = arith.constant 0 : i32
      %dma_wait3A_242 = arith.constant 0 : i32
      %dma_wait3A_243 = tpu.memref_slice %arg2[%dma_wait3A_241, %dma_wait3A_242] : memref<10112x64xf32, #tpu.memory_space<hbm>> -> memref<10112x64xf32, #tpu.memory_space<hbm>>
      tpu.wait_indirect_dma semaphore(%arg10 : memref<!tpu.dma_semaphore, #tpu.memory_space<semaphore_mem>>) src(%dma_wait3A_243 : memref<10112x64xf32, #tpu.memory_space<hbm>>) dst(%dma_wait3A_237 : memref<128x64xf32, #tpu.memory_space<vmem>>)
      %mul3A_244 = arith.constant 4 : i32
      %mul3A_245 = arith.muli %add3A_136, %mul3A_244 : i32
      %add3A_246 = arith.constant 3 : i32
      %add3A_247 = arith.addi %mul3A_245, %add3A_246 : i32
      %dma_wait3A_248 = arith.constant 0 : i32
      %dma_wait3A_249 = arith.constant 384 : i32
      %dma_wait3A_250 = arith.constant 0 : i32
      %dma_wait3A_251 = tpu.memref_slice %arg8[%dma_wait3A_248, %dma_wait3A_249, %dma_wait3A_250] : memref<2x512x64xf32, #tpu.memory_space<vmem>> -> memref<1x128x64xf32, #tpu.memory_space<vmem>>
      %dma_wait3A_252 = tpu.memref_squeeze %dma_wait3A_251 : memref<1x128x64xf32, #tpu.memory_space<vmem>> -> memref<128x64xf32, #tpu.memory_space<vmem>>
      %dma_wait3A_253 = arith.constant 0 : i32
      %dma_wait3A_254 = tpu.memref_slice %arg6[%add3A_247, %dma_wait3A_253] : memref<80x128xi32, #tpu.memory_space<vmem>> -> memref<1x128xi32, #tpu.memory_space<vmem>>
      %dma_wait3A_255 = tpu.memref_squeeze %dma_wait3A_254 : memref<1x128xi32, #tpu.memory_space<vmem>> -> memref<128xi32, #tpu.memory_space<vmem>>
      %dma_wait3A_256 = arith.constant 0 : i32
      %dma_wait3A_257 = arith.constant 0 : i32
      %dma_wait3A_258 = tpu.memref_slice %arg2[%dma_wait3A_256, %dma_wait3A_257] : memref<10112x64xf32, #tpu.memory_space<hbm>> -> memref<10112x64xf32, #tpu.memory_space<hbm>>
      tpu.wait_indirect_dma semaphore(%arg10 : memref<!tpu.dma_semaphore, #tpu.memory_space<semaphore_mem>>) src(%dma_wait3A_258 : memref<10112x64xf32, #tpu.memory_space<hbm>>) dst(%dma_wait3A_252 : memref<128x64xf32, #tpu.memory_space<vmem>>)
      %mul3A_259 = arith.constant 4 : i32
      %mul3A_260 = arith.muli %add3A_136, %mul3A_259 : i32
      %add3A_261 = arith.constant 0 : i32
      %add3A_262 = arith.addi %mul3A_260, %add3A_261 : i32
      %dma_start3A_263 = arith.constant 0 : i32
      %dma_start3A_264 = arith.constant 0 : i32
      %dma_start3A_265 = arith.constant 0 : i32
      %dma_start3A_266 = tpu.memref_slice %arg8[%dma_start3A_263, %dma_start3A_264, %dma_start3A_265] : memref<2x512x64xf32, #tpu.memory_space<vmem>> -> memref<1x128x64xf32, #tpu.memory_space<vmem>>
      %dma_start3A_267 = tpu.memref_squeeze %dma_start3A_266 : memref<1x128x64xf32, #tpu.memory_space<vmem>> -> memref<128x64xf32, #tpu.memory_space<vmem>>
      %dma_start3A_268 = arith.constant 0 : i32
      %dma_start3A_269 = tpu.memref_slice %arg7[%add3A_262, %dma_start3A_268] : memref<80x128xi32, #tpu.memory_space<vmem>> -> memref<1x128xi32, #tpu.memory_space<vmem>>
      %dma_start3A_270 = tpu.memref_squeeze %dma_start3A_269 : memref<1x128xi32, #tpu.memory_space<vmem>> -> memref<128xi32, #tpu.memory_space<vmem>>
      %dma_start3A_271 = arith.constant 0 : i32
      %dma_start3A_272 = arith.constant 0 : i32
      %dma_start3A_273 = tpu.memref_slice %arg9[%dma_start3A_271, %dma_start3A_272] : memref<10112x64xf32, #tpu.memory_space<vmem_shared>> -> memref<10112x64xf32, #tpu.memory_space<vmem_shared>>
      tpu.enqueue_indirect_dma source(%dma_start3A_267 : memref<128x64xf32, #tpu.memory_space<vmem>>) target(%dma_start3A_273 : memref<10112x64xf32, #tpu.memory_space<vmem_shared>>) offsets(%dma_start3A_270 : memref<128xi32, #tpu.memory_space<vmem>>) semaphore(%arg11 : memref<!tpu.dma_semaphore, #tpu.memory_space<semaphore_mem>>) {add = true}
      %mul3A_274 = arith.constant 4 : i32
      %mul3A_275 = arith.muli %add3A_136, %mul3A_274 : i32
      %add3A_276 = arith.constant 1 : i32
      %add3A_277 = arith.addi %mul3A_275, %add3A_276 : i32
      %dma_start3A_278 = arith.constant 0 : i32
      %dma_start3A_279 = arith.constant 128 : i32
      %dma_start3A_280 = arith.constant 0 : i32
      %dma_start3A_281 = tpu.memref_slice %arg8[%dma_start3A_278, %dma_start3A_279, %dma_start3A_280] : memref<2x512x64xf32, #tpu.memory_space<vmem>> -> memref<1x128x64xf32, #tpu.memory_space<vmem>>
      %dma_start3A_282 = tpu.memref_squeeze %dma_start3A_281 : memref<1x128x64xf32, #tpu.memory_space<vmem>> -> memref<128x64xf32, #tpu.memory_space<vmem>>
      %dma_start3A_283 = arith.constant 0 : i32
      %dma_start3A_284 = tpu.memref_slice %arg7[%add3A_277, %dma_start3A_283] : memref<80x128xi32, #tpu.memory_space<vmem>> -> memref<1x128xi32, #tpu.memory_space<vmem>>
      %dma_start3A_285 = tpu.memref_squeeze %dma_start3A_284 : memref<1x128xi32, #tpu.memory_space<vmem>> -> memref<128xi32, #tpu.memory_space<vmem>>
      %dma_start3A_286 = arith.constant 0 : i32
      %dma_start3A_287 = arith.constant 0 : i32
      %dma_start3A_288 = tpu.memref_slice %arg9[%dma_start3A_286, %dma_start3A_287] : memref<10112x64xf32, #tpu.memory_space<vmem_shared>> -> memref<10112x64xf32, #tpu.memory_space<vmem_shared>>
      tpu.enqueue_indirect_dma source(%dma_start3A_282 : memref<128x64xf32, #tpu.memory_space<vmem>>) target(%dma_start3A_288 : memref<10112x64xf32, #tpu.memory_space<vmem_shared>>) offsets(%dma_start3A_285 : memref<128xi32, #tpu.memory_space<vmem>>) semaphore(%arg11 : memref<!tpu.dma_semaphore, #tpu.memory_space<semaphore_mem>>) {add = true}
      %mul3A_289 = arith.constant 4 : i32
      %mul3A_290 = arith.muli %add3A_136, %mul3A_289 : i32
      %add3A_291 = arith.constant 2 : i32
      %add3A_292 = arith.addi %mul3A_290, %add3A_291 : i32
      %dma_start3A_293 = arith.constant 0 : i32
      %dma_start3A_294 = arith.constant 256 : i32
      %dma_start3A_295 = arith.constant 0 : i32
      %dma_start3A_296 = tpu.memref_slice %arg8[%dma_start3A_293, %dma_start3A_294, %dma_start3A_295] : memref<2x512x64xf32, #tpu.memory_space<vmem>> -> memref<1x128x64xf32, #tpu.memory_space<vmem>>
      %dma_start3A_297 = tpu.memref_squeeze %dma_start3A_296 : memref<1x128x64xf32, #tpu.memory_space<vmem>> -> memref<128x64xf32, #tpu.memory_space<vmem>>
      %dma_start3A_298 = arith.constant 0 : i32
      %dma_start3A_299 = tpu.memref_slice %arg7[%add3A_292, %dma_start3A_298] : memref<80x128xi32, #tpu.memory_space<vmem>> -> memref<1x128xi32, #tpu.memory_space<vmem>>
      %dma_start3A_300 = tpu.memref_squeeze %dma_start3A_299 : memref<1x128xi32, #tpu.memory_space<vmem>> -> memref<128xi32, #tpu.memory_space<vmem>>
      %dma_start3A_301 = arith.constant 0 : i32
      %dma_start3A_302 = arith.constant 0 : i32
      %dma_start3A_303 = tpu.memref_slice %arg9[%dma_start3A_301, %dma_start3A_302] : memref<10112x64xf32, #tpu.memory_space<vmem_shared>> -> memref<10112x64xf32, #tpu.memory_space<vmem_shared>>
      tpu.enqueue_indirect_dma source(%dma_start3A_297 : memref<128x64xf32, #tpu.memory_space<vmem>>) target(%dma_start3A_303 : memref<10112x64xf32, #tpu.memory_space<vmem_shared>>) offsets(%dma_start3A_300 : memref<128xi32, #tpu.memory_space<vmem>>) semaphore(%arg11 : memref<!tpu.dma_semaphore, #tpu.memory_space<semaphore_mem>>) {add = true}
      %mul3A_304 = arith.constant 4 : i32
      %mul3A_305 = arith.muli %add3A_136, %mul3A_304 : i32
      %add3A_306 = arith.constant 3 : i32
      %add3A_307 = arith.addi %mul3A_305, %add3A_306 : i32
      %dma_start3A_308 = arith.constant 0 : i32
      %dma_start3A_309 = arith.constant 384 : i32
      %dma_start3A_310 = arith.constant 0 : i32
      %dma_start3A_311 = tpu.memref_slice %arg8[%dma_start3A_308, %dma_start3A_309, %dma_start3A_310] : memref<2x512x64xf32, #tpu.memory_space<vmem>> -> memref<1x128x64xf32, #tpu.memory_space<vmem>>
      %dma_start3A_312 = tpu.memref_squeeze %dma_start3A_311 : memref<1x128x64xf32, #tpu.memory_space<vmem>> -> memref<128x64xf32, #tpu.memory_space<vmem>>
      %dma_start3A_313 = arith.constant 0 : i32
      %dma_start3A_314 = tpu.memref_slice %arg7[%add3A_307, %dma_start3A_313] : memref<80x128xi32, #tpu.memory_space<vmem>> -> memref<1x128xi32, #tpu.memory_space<vmem>>
      %dma_start3A_315 = tpu.memref_squeeze %dma_start3A_314 : memref<1x128xi32, #tpu.memory_space<vmem>> -> memref<128xi32, #tpu.memory_space<vmem>>
      %dma_start3A_316 = arith.constant 0 : i32
      %dma_start3A_317 = arith.constant 0 : i32
      %dma_start3A_318 = tpu.memref_slice %arg9[%dma_start3A_316, %dma_start3A_317] : memref<10112x64xf32, #tpu.memory_space<vmem_shared>> -> memref<10112x64xf32, #tpu.memory_space<vmem_shared>>
      tpu.enqueue_indirect_dma source(%dma_start3A_312 : memref<128x64xf32, #tpu.memory_space<vmem>>) target(%dma_start3A_318 : memref<10112x64xf32, #tpu.memory_space<vmem_shared>>) offsets(%dma_start3A_315 : memref<128xi32, #tpu.memory_space<vmem>>) semaphore(%arg11 : memref<!tpu.dma_semaphore, #tpu.memory_space<semaphore_mem>>) {add = true}
      %mul3A_319 = arith.constant 2 : i32
      %mul3A_320 = arith.muli %mul3A_319, %add3A_132 : i32
      %add3A_321 = arith.constant 1 : i32
      %add3A_322 = arith.addi %mul3A_320, %add3A_321 : i32
      %gt3A_323 = arith.constant 0 : i32
      %gt3A_324 = arith.cmpi sgt, %add3A_132, %gt3A_323 : i32
      %convert_element_type3A_325 = arith.extui %gt3A_324 : i1 to i32
      %cond3A_326 = arith.constant 0 : i32
      %cond3A_327 = arith.cmpi ne, %convert_element_type3A_325, %cond3A_326 : i32
      scf.if %cond3A_327 {
        %mul3A_508 = arith.constant 4 : i32
        %mul3A_509 = arith.muli %add3A_322, %mul3A_508 : i32
        %add3A_510 = arith.constant 0 : i32
        %add3A_511 = arith.addi %mul3A_509, %add3A_510 : i32
        %dma_wait3A_512 = arith.constant 1 : i32
        %dma_wait3A_513 = arith.constant 0 : i32
        %dma_wait3A_514 = arith.constant 0 : i32
        %dma_wait3A_515 = tpu.memref_slice %arg8[%dma_wait3A_512, %dma_wait3A_513, %dma_wait3A_514] : memref<2x512x64xf32, #tpu.memory_space<vmem>> -> memref<1x128x64xf32, #tpu.memory_space<vmem>>
        %dma_wait3A_516 = tpu.memref_squeeze %dma_wait3A_515 : memref<1x128x64xf32, #tpu.memory_space<vmem>> -> memref<128x64xf32, #tpu.memory_space<vmem>>
        %dma_wait3A_517 = arith.constant 0 : i32
        %dma_wait3A_518 = tpu.memref_slice %arg7[%add3A_511, %dma_wait3A_517] : memref<80x128xi32, #tpu.memory_space<vmem>> -> memref<1x128xi32, #tpu.memory_space<vmem>>
        %dma_wait3A_519 = tpu.memref_squeeze %dma_wait3A_518 : memref<1x128xi32, #tpu.memory_space<vmem>> -> memref<128xi32, #tpu.memory_space<vmem>>
        %dma_wait3A_520 = arith.constant 0 : i32
        %dma_wait3A_521 = arith.constant 0 : i32
        %dma_wait3A_522 = tpu.memref_slice %arg9[%dma_wait3A_520, %dma_wait3A_521] : memref<10112x64xf32, #tpu.memory_space<vmem_shared>> -> memref<10112x64xf32, #tpu.memory_space<vmem_shared>>
        tpu.wait_indirect_dma semaphore(%arg12 : memref<!tpu.dma_semaphore, #tpu.memory_space<semaphore_mem>>) src(%dma_wait3A_516 : memref<128x64xf32, #tpu.memory_space<vmem>>) dst(%dma_wait3A_522 : memref<10112x64xf32, #tpu.memory_space<vmem_shared>>)
        %mul3A_523 = arith.constant 4 : i32
        %mul3A_524 = arith.muli %add3A_322, %mul3A_523 : i32
        %add3A_525 = arith.constant 1 : i32
        %add3A_526 = arith.addi %mul3A_524, %add3A_525 : i32
        %dma_wait3A_527 = arith.constant 1 : i32
        %dma_wait3A_528 = arith.constant 128 : i32
        %dma_wait3A_529 = arith.constant 0 : i32
        %dma_wait3A_530 = tpu.memref_slice %arg8[%dma_wait3A_527, %dma_wait3A_528, %dma_wait3A_529] : memref<2x512x64xf32, #tpu.memory_space<vmem>> -> memref<1x128x64xf32, #tpu.memory_space<vmem>>
        %dma_wait3A_531 = tpu.memref_squeeze %dma_wait3A_530 : memref<1x128x64xf32, #tpu.memory_space<vmem>> -> memref<128x64xf32, #tpu.memory_space<vmem>>
        %dma_wait3A_532 = arith.constant 0 : i32
        %dma_wait3A_533 = tpu.memref_slice %arg7[%add3A_526, %dma_wait3A_532] : memref<80x128xi32, #tpu.memory_space<vmem>> -> memref<1x128xi32, #tpu.memory_space<vmem>>
        %dma_wait3A_534 = tpu.memref_squeeze %dma_wait3A_533 : memref<1x128xi32, #tpu.memory_space<vmem>> -> memref<128xi32, #tpu.memory_space<vmem>>
        %dma_wait3A_535 = arith.constant 0 : i32
        %dma_wait3A_536 = arith.constant 0 : i32
        %dma_wait3A_537 = tpu.memref_slice %arg9[%dma_wait3A_535, %dma_wait3A_536] : memref<10112x64xf32, #tpu.memory_space<vmem_shared>> -> memref<10112x64xf32, #tpu.memory_space<vmem_shared>>
        tpu.wait_indirect_dma semaphore(%arg12 : memref<!tpu.dma_semaphore, #tpu.memory_space<semaphore_mem>>) src(%dma_wait3A_531 : memref<128x64xf32, #tpu.memory_space<vmem>>) dst(%dma_wait3A_537 : memref<10112x64xf32, #tpu.memory_space<vmem_shared>>)
        %mul3A_538 = arith.constant 4 : i32
        %mul3A_539 = arith.muli %add3A_322, %mul3A_538 : i32
        %add3A_540 = arith.constant 2 : i32
        %add3A_541 = arith.addi %mul3A_539, %add3A_540 : i32
        %dma_wait3A_542 = arith.constant 1 : i32
        %dma_wait3A_543 = arith.constant 256 : i32
        %dma_wait3A_544 = arith.constant 0 : i32
        %dma_wait3A_545 = tpu.memref_slice %arg8[%dma_wait3A_542, %dma_wait3A_543, %dma_wait3A_544] : memref<2x512x64xf32, #tpu.memory_space<vmem>> -> memref<1x128x64xf32, #tpu.memory_space<vmem>>
        %dma_wait3A_546 = tpu.memref_squeeze %dma_wait3A_545 : memref<1x128x64xf32, #tpu.memory_space<vmem>> -> memref<128x64xf32, #tpu.memory_space<vmem>>
        %dma_wait3A_547 = arith.constant 0 : i32
        %dma_wait3A_548 = tpu.memref_slice %arg7[%add3A_541, %dma_wait3A_547] : memref<80x128xi32, #tpu.memory_space<vmem>> -> memref<1x128xi32, #tpu.memory_space<vmem>>
        %dma_wait3A_549 = tpu.memref_squeeze %dma_wait3A_548 : memref<1x128xi32, #tpu.memory_space<vmem>> -> memref<128xi32, #tpu.memory_space<vmem>>
        %dma_wait3A_550 = arith.constant 0 : i32
        %dma_wait3A_551 = arith.constant 0 : i32
        %dma_wait3A_552 = tpu.memref_slice %arg9[%dma_wait3A_550, %dma_wait3A_551] : memref<10112x64xf32, #tpu.memory_space<vmem_shared>> -> memref<10112x64xf32, #tpu.memory_space<vmem_shared>>
        tpu.wait_indirect_dma semaphore(%arg12 : memref<!tpu.dma_semaphore, #tpu.memory_space<semaphore_mem>>) src(%dma_wait3A_546 : memref<128x64xf32, #tpu.memory_space<vmem>>) dst(%dma_wait3A_552 : memref<10112x64xf32, #tpu.memory_space<vmem_shared>>)
        %mul3A_553 = arith.constant 4 : i32
        %mul3A_554 = arith.muli %add3A_322, %mul3A_553 : i32
        %add3A_555 = arith.constant 3 : i32
        %add3A_556 = arith.addi %mul3A_554, %add3A_555 : i32
        %dma_wait3A_557 = arith.constant 1 : i32
        %dma_wait3A_558 = arith.constant 384 : i32
        %dma_wait3A_559 = arith.constant 0 : i32
        %dma_wait3A_560 = tpu.memref_slice %arg8[%dma_wait3A_557, %dma_wait3A_558, %dma_wait3A_559] : memref<2x512x64xf32, #tpu.memory_space<vmem>> -> memref<1x128x64xf32, #tpu.memory_space<vmem>>
        %dma_wait3A_561 = tpu.memref_squeeze %dma_wait3A_560 : memref<1x128x64xf32, #tpu.memory_space<vmem>> -> memref<128x64xf32, #tpu.memory_space<vmem>>
        %dma_wait3A_562 = arith.constant 0 : i32
        %dma_wait3A_563 = tpu.memref_slice %arg7[%add3A_556, %dma_wait3A_562] : memref<80x128xi32, #tpu.memory_space<vmem>> -> memref<1x128xi32, #tpu.memory_space<vmem>>
        %dma_wait3A_564 = tpu.memref_squeeze %dma_wait3A_563 : memref<1x128xi32, #tpu.memory_space<vmem>> -> memref<128xi32, #tpu.memory_space<vmem>>
        %dma_wait3A_565 = arith.constant 0 : i32
        %dma_wait3A_566 = arith.constant 0 : i32
        %dma_wait3A_567 = tpu.memref_slice %arg9[%dma_wait3A_565, %dma_wait3A_566] : memref<10112x64xf32, #tpu.memory_space<vmem_shared>> -> memref<10112x64xf32, #tpu.memory_space<vmem_shared>>
        tpu.wait_indirect_dma semaphore(%arg12 : memref<!tpu.dma_semaphore, #tpu.memory_space<semaphore_mem>>) src(%dma_wait3A_561 : memref<128x64xf32, #tpu.memory_space<vmem>>) dst(%dma_wait3A_567 : memref<10112x64xf32, #tpu.memory_space<vmem_shared>>)
      } else {
      }
      %mul3A_328 = arith.constant 4 : i32
      %mul3A_329 = arith.muli %add3A_322, %mul3A_328 : i32
      %add3A_330 = arith.constant 0 : i32
      %add3A_331 = arith.addi %mul3A_329, %add3A_330 : i32
      %dma_start3A_332 = arith.constant 1 : i32
      %dma_start3A_333 = arith.constant 0 : i32
      %dma_start3A_334 = arith.constant 0 : i32
      %dma_start3A_335 = tpu.memref_slice %arg8[%dma_start3A_332, %dma_start3A_333, %dma_start3A_334] : memref<2x512x64xf32, #tpu.memory_space<vmem>> -> memref<1x128x64xf32, #tpu.memory_space<vmem>>
      %dma_start3A_336 = tpu.memref_squeeze %dma_start3A_335 : memref<1x128x64xf32, #tpu.memory_space<vmem>> -> memref<128x64xf32, #tpu.memory_space<vmem>>
      %dma_start3A_337 = arith.constant 0 : i32
      %dma_start3A_338 = tpu.memref_slice %arg6[%add3A_331, %dma_start3A_337] : memref<80x128xi32, #tpu.memory_space<vmem>> -> memref<1x128xi32, #tpu.memory_space<vmem>>
      %dma_start3A_339 = tpu.memref_squeeze %dma_start3A_338 : memref<1x128xi32, #tpu.memory_space<vmem>> -> memref<128xi32, #tpu.memory_space<vmem>>
      %dma_start3A_340 = arith.constant 0 : i32
      %dma_start3A_341 = arith.constant 0 : i32
      %dma_start3A_342 = tpu.memref_slice %arg2[%dma_start3A_340, %dma_start3A_341] : memref<10112x64xf32, #tpu.memory_space<hbm>> -> memref<10112x64xf32, #tpu.memory_space<hbm>>
      tpu.enqueue_indirect_dma source(%dma_start3A_342 : memref<10112x64xf32, #tpu.memory_space<hbm>>) target(%dma_start3A_336 : memref<128x64xf32, #tpu.memory_space<vmem>>) offsets(%dma_start3A_339 : memref<128xi32, #tpu.memory_space<vmem>>) semaphore(%arg10 : memref<!tpu.dma_semaphore, #tpu.memory_space<semaphore_mem>>)
      %mul3A_343 = arith.constant 4 : i32
      %mul3A_344 = arith.muli %add3A_322, %mul3A_343 : i32
      %add3A_345 = arith.constant 1 : i32
      %add3A_346 = arith.addi %mul3A_344, %add3A_345 : i32
      %dma_start3A_347 = arith.constant 1 : i32
      %dma_start3A_348 = arith.constant 128 : i32
      %dma_start3A_349 = arith.constant 0 : i32
      %dma_start3A_350 = tpu.memref_slice %arg8[%dma_start3A_347, %dma_start3A_348, %dma_start3A_349] : memref<2x512x64xf32, #tpu.memory_space<vmem>> -> memref<1x128x64xf32, #tpu.memory_space<vmem>>
      %dma_start3A_351 = tpu.memref_squeeze %dma_start3A_350 : memref<1x128x64xf32, #tpu.memory_space<vmem>> -> memref<128x64xf32, #tpu.memory_space<vmem>>
      %dma_start3A_352 = arith.constant 0 : i32
      %dma_start3A_353 = tpu.memref_slice %arg6[%add3A_346, %dma_start3A_352] : memref<80x128xi32, #tpu.memory_space<vmem>> -> memref<1x128xi32, #tpu.memory_space<vmem>>
      %dma_start3A_354 = tpu.memref_squeeze %dma_start3A_353 : memref<1x128xi32, #tpu.memory_space<vmem>> -> memref<128xi32, #tpu.memory_space<vmem>>
      %dma_start3A_355 = arith.constant 0 : i32
      %dma_start3A_356 = arith.constant 0 : i32
      %dma_start3A_357 = tpu.memref_slice %arg2[%dma_start3A_355, %dma_start3A_356] : memref<10112x64xf32, #tpu.memory_space<hbm>> -> memref<10112x64xf32, #tpu.memory_space<hbm>>
      tpu.enqueue_indirect_dma source(%dma_start3A_357 : memref<10112x64xf32, #tpu.memory_space<hbm>>) target(%dma_start3A_351 : memref<128x64xf32, #tpu.memory_space<vmem>>) offsets(%dma_start3A_354 : memref<128xi32, #tpu.memory_space<vmem>>) semaphore(%arg10 : memref<!tpu.dma_semaphore, #tpu.memory_space<semaphore_mem>>)
      %mul3A_358 = arith.constant 4 : i32
      %mul3A_359 = arith.muli %add3A_322, %mul3A_358 : i32
      %add3A_360 = arith.constant 2 : i32
      %add3A_361 = arith.addi %mul3A_359, %add3A_360 : i32
      %dma_start3A_362 = arith.constant 1 : i32
      %dma_start3A_363 = arith.constant 256 : i32
      %dma_start3A_364 = arith.constant 0 : i32
      %dma_start3A_365 = tpu.memref_slice %arg8[%dma_start3A_362, %dma_start3A_363, %dma_start3A_364] : memref<2x512x64xf32, #tpu.memory_space<vmem>> -> memref<1x128x64xf32, #tpu.memory_space<vmem>>
      %dma_start3A_366 = tpu.memref_squeeze %dma_start3A_365 : memref<1x128x64xf32, #tpu.memory_space<vmem>> -> memref<128x64xf32, #tpu.memory_space<vmem>>
      %dma_start3A_367 = arith.constant 0 : i32
      %dma_start3A_368 = tpu.memref_slice %arg6[%add3A_361, %dma_start3A_367] : memref<80x128xi32, #tpu.memory_space<vmem>> -> memref<1x128xi32, #tpu.memory_space<vmem>>
      %dma_start3A_369 = tpu.memref_squeeze %dma_start3A_368 : memref<1x128xi32, #tpu.memory_space<vmem>> -> memref<128xi32, #tpu.memory_space<vmem>>
      %dma_start3A_370 = arith.constant 0 : i32
      %dma_start3A_371 = arith.constant 0 : i32
      %dma_start3A_372 = tpu.memref_slice %arg2[%dma_start3A_370, %dma_start3A_371] : memref<10112x64xf32, #tpu.memory_space<hbm>> -> memref<10112x64xf32, #tpu.memory_space<hbm>>
      tpu.enqueue_indirect_dma source(%dma_start3A_372 : memref<10112x64xf32, #tpu.memory_space<hbm>>) target(%dma_start3A_366 : memref<128x64xf32, #tpu.memory_space<vmem>>) offsets(%dma_start3A_369 : memref<128xi32, #tpu.memory_space<vmem>>) semaphore(%arg10 : memref<!tpu.dma_semaphore, #tpu.memory_space<semaphore_mem>>)
      %mul3A_373 = arith.constant 4 : i32
      %mul3A_374 = arith.muli %add3A_322, %mul3A_373 : i32
      %add3A_375 = arith.constant 3 : i32
      %add3A_376 = arith.addi %mul3A_374, %add3A_375 : i32
      %dma_start3A_377 = arith.constant 1 : i32
      %dma_start3A_378 = arith.constant 384 : i32
      %dma_start3A_379 = arith.constant 0 : i32
      %dma_start3A_380 = tpu.memref_slice %arg8[%dma_start3A_377, %dma_start3A_378, %dma_start3A_379] : memref<2x512x64xf32, #tpu.memory_space<vmem>> -> memref<1x128x64xf32, #tpu.memory_space<vmem>>
      %dma_start3A_381 = tpu.memref_squeeze %dma_start3A_380 : memref<1x128x64xf32, #tpu.memory_space<vmem>> -> memref<128x64xf32, #tpu.memory_space<vmem>>
      %dma_start3A_382 = arith.constant 0 : i32
      %dma_start3A_383 = tpu.memref_slice %arg6[%add3A_376, %dma_start3A_382] : memref<80x128xi32, #tpu.memory_space<vmem>> -> memref<1x128xi32, #tpu.memory_space<vmem>>
      %dma_start3A_384 = tpu.memref_squeeze %dma_start3A_383 : memref<1x128xi32, #tpu.memory_space<vmem>> -> memref<128xi32, #tpu.memory_space<vmem>>
      %dma_start3A_385 = arith.constant 0 : i32
      %dma_start3A_386 = arith.constant 0 : i32
      %dma_start3A_387 = tpu.memref_slice %arg2[%dma_start3A_385, %dma_start3A_386] : memref<10112x64xf32, #tpu.memory_space<hbm>> -> memref<10112x64xf32, #tpu.memory_space<hbm>>
      tpu.enqueue_indirect_dma source(%dma_start3A_387 : memref<10112x64xf32, #tpu.memory_space<hbm>>) target(%dma_start3A_381 : memref<128x64xf32, #tpu.memory_space<vmem>>) offsets(%dma_start3A_384 : memref<128xi32, #tpu.memory_space<vmem>>) semaphore(%arg10 : memref<!tpu.dma_semaphore, #tpu.memory_space<semaphore_mem>>)
      %mul3A_388 = arith.constant 4 : i32
      %mul3A_389 = arith.muli %add3A_322, %mul3A_388 : i32
      %add3A_390 = arith.constant 0 : i32
      %add3A_391 = arith.addi %mul3A_389, %add3A_390 : i32
      %dma_wait3A_392 = arith.constant 1 : i32
      %dma_wait3A_393 = arith.constant 0 : i32
      %dma_wait3A_394 = arith.constant 0 : i32
      %dma_wait3A_395 = tpu.memref_slice %arg8[%dma_wait3A_392, %dma_wait3A_393, %dma_wait3A_394] : memref<2x512x64xf32, #tpu.memory_space<vmem>> -> memref<1x128x64xf32, #tpu.memory_space<vmem>>
      %dma_wait3A_396 = tpu.memref_squeeze %dma_wait3A_395 : memref<1x128x64xf32, #tpu.memory_space<vmem>> -> memref<128x64xf32, #tpu.memory_space<vmem>>
      %dma_wait3A_397 = arith.constant 0 : i32
      %dma_wait3A_398 = tpu.memref_slice %arg6[%add3A_391, %dma_wait3A_397] : memref<80x128xi32, #tpu.memory_space<vmem>> -> memref<1x128xi32, #tpu.memory_space<vmem>>
      %dma_wait3A_399 = tpu.memref_squeeze %dma_wait3A_398 : memref<1x128xi32, #tpu.memory_space<vmem>> -> memref<128xi32, #tpu.memory_space<vmem>>
      %dma_wait3A_400 = arith.constant 0 : i32
      %dma_wait3A_401 = arith.constant 0 : i32
      %dma_wait3A_402 = tpu.memref_slice %arg2[%dma_wait3A_400, %dma_wait3A_401] : memref<10112x64xf32, #tpu.memory_space<hbm>> -> memref<10112x64xf32, #tpu.memory_space<hbm>>
      tpu.wait_indirect_dma semaphore(%arg10 : memref<!tpu.dma_semaphore, #tpu.memory_space<semaphore_mem>>) src(%dma_wait3A_402 : memref<10112x64xf32, #tpu.memory_space<hbm>>) dst(%dma_wait3A_396 : memref<128x64xf32, #tpu.memory_space<vmem>>)
      %mul3A_403 = arith.constant 4 : i32
      %mul3A_404 = arith.muli %add3A_322, %mul3A_403 : i32
      %add3A_405 = arith.constant 1 : i32
      %add3A_406 = arith.addi %mul3A_404, %add3A_405 : i32
      %dma_wait3A_407 = arith.constant 1 : i32
      %dma_wait3A_408 = arith.constant 128 : i32
      %dma_wait3A_409 = arith.constant 0 : i32
      %dma_wait3A_410 = tpu.memref_slice %arg8[%dma_wait3A_407, %dma_wait3A_408, %dma_wait3A_409] : memref<2x512x64xf32, #tpu.memory_space<vmem>> -> memref<1x128x64xf32, #tpu.memory_space<vmem>>
      %dma_wait3A_411 = tpu.memref_squeeze %dma_wait3A_410 : memref<1x128x64xf32, #tpu.memory_space<vmem>> -> memref<128x64xf32, #tpu.memory_space<vmem>>
      %dma_wait3A_412 = arith.constant 0 : i32
      %dma_wait3A_413 = tpu.memref_slice %arg6[%add3A_406, %dma_wait3A_412] : memref<80x128xi32, #tpu.memory_space<vmem>> -> memref<1x128xi32, #tpu.memory_space<vmem>>
      %dma_wait3A_414 = tpu.memref_squeeze %dma_wait3A_413 : memref<1x128xi32, #tpu.memory_space<vmem>> -> memref<128xi32, #tpu.memory_space<vmem>>
      %dma_wait3A_415 = arith.constant 0 : i32
      %dma_wait3A_416 = arith.constant 0 : i32
      %dma_wait3A_417 = tpu.memref_slice %arg2[%dma_wait3A_415, %dma_wait3A_416] : memref<10112x64xf32, #tpu.memory_space<hbm>> -> memref<10112x64xf32, #tpu.memory_space<hbm>>
      tpu.wait_indirect_dma semaphore(%arg10 : memref<!tpu.dma_semaphore, #tpu.memory_space<semaphore_mem>>) src(%dma_wait3A_417 : memref<10112x64xf32, #tpu.memory_space<hbm>>) dst(%dma_wait3A_411 : memref<128x64xf32, #tpu.memory_space<vmem>>)
      %mul3A_418 = arith.constant 4 : i32
      %mul3A_419 = arith.muli %add3A_322, %mul3A_418 : i32
      %add3A_420 = arith.constant 2 : i32
      %add3A_421 = arith.addi %mul3A_419, %add3A_420 : i32
      %dma_wait3A_422 = arith.constant 1 : i32
      %dma_wait3A_423 = arith.constant 256 : i32
      %dma_wait3A_424 = arith.constant 0 : i32
      %dma_wait3A_425 = tpu.memref_slice %arg8[%dma_wait3A_422, %dma_wait3A_423, %dma_wait3A_424] : memref<2x512x64xf32, #tpu.memory_space<vmem>> -> memref<1x128x64xf32, #tpu.memory_space<vmem>>
      %dma_wait3A_426 = tpu.memref_squeeze %dma_wait3A_425 : memref<1x128x64xf32, #tpu.memory_space<vmem>> -> memref<128x64xf32, #tpu.memory_space<vmem>>
      %dma_wait3A_427 = arith.constant 0 : i32
      %dma_wait3A_428 = tpu.memref_slice %arg6[%add3A_421, %dma_wait3A_427] : memref<80x128xi32, #tpu.memory_space<vmem>> -> memref<1x128xi32, #tpu.memory_space<vmem>>
      %dma_wait3A_429 = tpu.memref_squeeze %dma_wait3A_428 : memref<1x128xi32, #tpu.memory_space<vmem>> -> memref<128xi32, #tpu.memory_space<vmem>>
      %dma_wait3A_430 = arith.constant 0 : i32
      %dma_wait3A_431 = arith.constant 0 : i32
      %dma_wait3A_432 = tpu.memref_slice %arg2[%dma_wait3A_430, %dma_wait3A_431] : memref<10112x64xf32, #tpu.memory_space<hbm>> -> memref<10112x64xf32, #tpu.memory_space<hbm>>
      tpu.wait_indirect_dma semaphore(%arg10 : memref<!tpu.dma_semaphore, #tpu.memory_space<semaphore_mem>>) src(%dma_wait3A_432 : memref<10112x64xf32, #tpu.memory_space<hbm>>) dst(%dma_wait3A_426 : memref<128x64xf32, #tpu.memory_space<vmem>>)
      %mul3A_433 = arith.constant 4 : i32
      %mul3A_434 = arith.muli %add3A_322, %mul3A_433 : i32
      %add3A_435 = arith.constant 3 : i32
      %add3A_436 = arith.addi %mul3A_434, %add3A_435 : i32
      %dma_wait3A_437 = arith.constant 1 : i32
      %dma_wait3A_438 = arith.constant 384 : i32
      %dma_wait3A_439 = arith.constant 0 : i32
      %dma_wait3A_440 = tpu.memref_slice %arg8[%dma_wait3A_437, %dma_wait3A_438, %dma_wait3A_439] : memref<2x512x64xf32, #tpu.memory_space<vmem>> -> memref<1x128x64xf32, #tpu.memory_space<vmem>>
      %dma_wait3A_441 = tpu.memref_squeeze %dma_wait3A_440 : memref<1x128x64xf32, #tpu.memory_space<vmem>> -> memref<128x64xf32, #tpu.memory_space<vmem>>
      %dma_wait3A_442 = arith.constant 0 : i32
      %dma_wait3A_443 = tpu.memref_slice %arg6[%add3A_436, %dma_wait3A_442] : memref<80x128xi32, #tpu.memory_space<vmem>> -> memref<1x128xi32, #tpu.memory_space<vmem>>
      %dma_wait3A_444 = tpu.memref_squeeze %dma_wait3A_443 : memref<1x128xi32, #tpu.memory_space<vmem>> -> memref<128xi32, #tpu.memory_space<vmem>>
      %dma_wait3A_445 = arith.constant 0 : i32
      %dma_wait3A_446 = arith.constant 0 : i32
      %dma_wait3A_447 = tpu.memref_slice %arg2[%dma_wait3A_445, %dma_wait3A_446] : memref<10112x64xf32, #tpu.memory_space<hbm>> -> memref<10112x64xf32, #tpu.memory_space<hbm>>
      tpu.wait_indirect_dma semaphore(%arg10 : memref<!tpu.dma_semaphore, #tpu.memory_space<semaphore_mem>>) src(%dma_wait3A_447 : memref<10112x64xf32, #tpu.memory_space<hbm>>) dst(%dma_wait3A_441 : memref<128x64xf32, #tpu.memory_space<vmem>>)
      %mul3A_448 = arith.constant 4 : i32
      %mul3A_449 = arith.muli %add3A_322, %mul3A_448 : i32
      %add3A_450 = arith.constant 0 : i32
      %add3A_451 = arith.addi %mul3A_449, %add3A_450 : i32
      %dma_start3A_452 = arith.constant 1 : i32
      %dma_start3A_453 = arith.constant 0 : i32
      %dma_start3A_454 = arith.constant 0 : i32
      %dma_start3A_455 = tpu.memref_slice %arg8[%dma_start3A_452, %dma_start3A_453, %dma_start3A_454] : memref<2x512x64xf32, #tpu.memory_space<vmem>> -> memref<1x128x64xf32, #tpu.memory_space<vmem>>
      %dma_start3A_456 = tpu.memref_squeeze %dma_start3A_455 : memref<1x128x64xf32, #tpu.memory_space<vmem>> -> memref<128x64xf32, #tpu.memory_space<vmem>>
      %dma_start3A_457 = arith.constant 0 : i32
      %dma_start3A_458 = tpu.memref_slice %arg7[%add3A_451, %dma_start3A_457] : memref<80x128xi32, #tpu.memory_space<vmem>> -> memref<1x128xi32, #tpu.memory_space<vmem>>
      %dma_start3A_459 = tpu.memref_squeeze %dma_start3A_458 : memref<1x128xi32, #tpu.memory_space<vmem>> -> memref<128xi32, #tpu.memory_space<vmem>>
      %dma_start3A_460 = arith.constant 0 : i32
      %dma_start3A_461 = arith.constant 0 : i32
      %dma_start3A_462 = tpu.memref_slice %arg9[%dma_start3A_460, %dma_start3A_461] : memref<10112x64xf32, #tpu.memory_space<vmem_shared>> -> memref<10112x64xf32, #tpu.memory_space<vmem_shared>>
      tpu.enqueue_indirect_dma source(%dma_start3A_456 : memref<128x64xf32, #tpu.memory_space<vmem>>) target(%dma_start3A_462 : memref<10112x64xf32, #tpu.memory_space<vmem_shared>>) offsets(%dma_start3A_459 : memref<128xi32, #tpu.memory_space<vmem>>) semaphore(%arg12 : memref<!tpu.dma_semaphore, #tpu.memory_space<semaphore_mem>>) {add = true}
      %mul3A_463 = arith.constant 4 : i32
      %mul3A_464 = arith.muli %add3A_322, %mul3A_463 : i32
      %add3A_465 = arith.constant 1 : i32
      %add3A_466 = arith.addi %mul3A_464, %add3A_465 : i32
      %dma_start3A_467 = arith.constant 1 : i32
      %dma_start3A_468 = arith.constant 128 : i32
      %dma_start3A_469 = arith.constant 0 : i32
      %dma_start3A_470 = tpu.memref_slice %arg8[%dma_start3A_467, %dma_start3A_468, %dma_start3A_469] : memref<2x512x64xf32, #tpu.memory_space<vmem>> -> memref<1x128x64xf32, #tpu.memory_space<vmem>>
      %dma_start3A_471 = tpu.memref_squeeze %dma_start3A_470 : memref<1x128x64xf32, #tpu.memory_space<vmem>> -> memref<128x64xf32, #tpu.memory_space<vmem>>
      %dma_start3A_472 = arith.constant 0 : i32
      %dma_start3A_473 = tpu.memref_slice %arg7[%add3A_466, %dma_start3A_472] : memref<80x128xi32, #tpu.memory_space<vmem>> -> memref<1x128xi32, #tpu.memory_space<vmem>>
      %dma_start3A_474 = tpu.memref_squeeze %dma_start3A_473 : memref<1x128xi32, #tpu.memory_space<vmem>> -> memref<128xi32, #tpu.memory_space<vmem>>
      %dma_start3A_475 = arith.constant 0 : i32
      %dma_start3A_476 = arith.constant 0 : i32
      %dma_start3A_477 = tpu.memref_slice %arg9[%dma_start3A_475, %dma_start3A_476] : memref<10112x64xf32, #tpu.memory_space<vmem_shared>> -> memref<10112x64xf32, #tpu.memory_space<vmem_shared>>
      tpu.enqueue_indirect_dma source(%dma_start3A_471 : memref<128x64xf32, #tpu.memory_space<vmem>>) target(%dma_start3A_477 : memref<10112x64xf32, #tpu.memory_space<vmem_shared>>) offsets(%dma_start3A_474 : memref<128xi32, #tpu.memory_space<vmem>>) semaphore(%arg12 : memref<!tpu.dma_semaphore, #tpu.memory_space<semaphore_mem>>) {add = true}
      %mul3A_478 = arith.constant 4 : i32
      %mul3A_479 = arith.muli %add3A_322, %mul3A_478 : i32
      %add3A_480 = arith.constant 2 : i32
      %add3A_481 = arith.addi %mul3A_479, %add3A_480 : i32
      %dma_start3A_482 = arith.constant 1 : i32
      %dma_start3A_483 = arith.constant 256 : i32
      %dma_start3A_484 = arith.constant 0 : i32
      %dma_start3A_485 = tpu.memref_slice %arg8[%dma_start3A_482, %dma_start3A_483, %dma_start3A_484] : memref<2x512x64xf32, #tpu.memory_space<vmem>> -> memref<1x128x64xf32, #tpu.memory_space<vmem>>
      %dma_start3A_486 = tpu.memref_squeeze %dma_start3A_485 : memref<1x128x64xf32, #tpu.memory_space<vmem>> -> memref<128x64xf32, #tpu.memory_space<vmem>>
      %dma_start3A_487 = arith.constant 0 : i32
      %dma_start3A_488 = tpu.memref_slice %arg7[%add3A_481, %dma_start3A_487] : memref<80x128xi32, #tpu.memory_space<vmem>> -> memref<1x128xi32, #tpu.memory_space<vmem>>
      %dma_start3A_489 = tpu.memref_squeeze %dma_start3A_488 : memref<1x128xi32, #tpu.memory_space<vmem>> -> memref<128xi32, #tpu.memory_space<vmem>>
      %dma_start3A_490 = arith.constant 0 : i32
      %dma_start3A_491 = arith.constant 0 : i32
      %dma_start3A_492 = tpu.memref_slice %arg9[%dma_start3A_490, %dma_start3A_491] : memref<10112x64xf32, #tpu.memory_space<vmem_shared>> -> memref<10112x64xf32, #tpu.memory_space<vmem_shared>>
      tpu.enqueue_indirect_dma source(%dma_start3A_486 : memref<128x64xf32, #tpu.memory_space<vmem>>) target(%dma_start3A_492 : memref<10112x64xf32, #tpu.memory_space<vmem_shared>>) offsets(%dma_start3A_489 : memref<128xi32, #tpu.memory_space<vmem>>) semaphore(%arg12 : memref<!tpu.dma_semaphore, #tpu.memory_space<semaphore_mem>>) {add = true}
      %mul3A_493 = arith.constant 4 : i32
      %mul3A_494 = arith.muli %add3A_322, %mul3A_493 : i32
      %add3A_495 = arith.constant 3 : i32
      %add3A_496 = arith.addi %mul3A_494, %add3A_495 : i32
      %dma_start3A_497 = arith.constant 1 : i32
      %dma_start3A_498 = arith.constant 384 : i32
      %dma_start3A_499 = arith.constant 0 : i32
      %dma_start3A_500 = tpu.memref_slice %arg8[%dma_start3A_497, %dma_start3A_498, %dma_start3A_499] : memref<2x512x64xf32, #tpu.memory_space<vmem>> -> memref<1x128x64xf32, #tpu.memory_space<vmem>>
      %dma_start3A_501 = tpu.memref_squeeze %dma_start3A_500 : memref<1x128x64xf32, #tpu.memory_space<vmem>> -> memref<128x64xf32, #tpu.memory_space<vmem>>
      %dma_start3A_502 = arith.constant 0 : i32
      %dma_start3A_503 = tpu.memref_slice %arg7[%add3A_496, %dma_start3A_502] : memref<80x128xi32, #tpu.memory_space<vmem>> -> memref<1x128xi32, #tpu.memory_space<vmem>>
      %dma_start3A_504 = tpu.memref_squeeze %dma_start3A_503 : memref<1x128xi32, #tpu.memory_space<vmem>> -> memref<128xi32, #tpu.memory_space<vmem>>
      %dma_start3A_505 = arith.constant 0 : i32
      %dma_start3A_506 = arith.constant 0 : i32
      %dma_start3A_507 = tpu.memref_slice %arg9[%dma_start3A_505, %dma_start3A_506] : memref<10112x64xf32, #tpu.memory_space<vmem_shared>> -> memref<10112x64xf32, #tpu.memory_space<vmem_shared>>
      tpu.enqueue_indirect_dma source(%dma_start3A_501 : memref<128x64xf32, #tpu.memory_space<vmem>>) target(%dma_start3A_507 : memref<10112x64xf32, #tpu.memory_space<vmem_shared>>) offsets(%dma_start3A_504 : memref<128xi32, #tpu.memory_space<vmem>>) semaphore(%arg12 : memref<!tpu.dma_semaphore, #tpu.memory_space<semaphore_mem>>) {add = true}
    }
    %scan3A_30 = arith.constant 10 : i32
    %dma_wait3A_31 = arith.constant 0 : i32
    %dma_wait3A_32 = arith.constant 72 : i32
    %dma_wait3A_33 = arith.constant 0 : i32
    %dma_wait3A_34 = arith.constant 0 : i32
    %dma_wait3A_35 = tpu.memref_slice %arg8[%dma_wait3A_31, %dma_wait3A_33, %dma_wait3A_34] : memref<2x512x64xf32, #tpu.memory_space<vmem>> -> memref<1x128x64xf32, #tpu.memory_space<vmem>>
    %dma_wait3A_36 = tpu.memref_squeeze %dma_wait3A_35 : memref<1x128x64xf32, #tpu.memory_space<vmem>> -> memref<128x64xf32, #tpu.memory_space<vmem>>
    %dma_wait3A_37 = arith.constant 0 : i32
    %dma_wait3A_38 = tpu.memref_slice %arg7[%dma_wait3A_32, %dma_wait3A_37] : memref<80x128xi32, #tpu.memory_space<vmem>> -> memref<1x128xi32, #tpu.memory_space<vmem>>
    %dma_wait3A_39 = tpu.memref_squeeze %dma_wait3A_38 : memref<1x128xi32, #tpu.memory_space<vmem>> -> memref<128xi32, #tpu.memory_space<vmem>>
    %dma_wait3A_40 = arith.constant 0 : i32
    %dma_wait3A_41 = arith.constant 0 : i32
    %dma_wait3A_42 = tpu.memref_slice %arg9[%dma_wait3A_40, %dma_wait3A_41] : memref<10112x64xf32, #tpu.memory_space<vmem_shared>> -> memref<10112x64xf32, #tpu.memory_space<vmem_shared>>
    tpu.wait_indirect_dma semaphore(%arg11 : memref<!tpu.dma_semaphore, #tpu.memory_space<semaphore_mem>>) src(%dma_wait3A_36 : memref<128x64xf32, #tpu.memory_space<vmem>>) dst(%dma_wait3A_42 : memref<10112x64xf32, #tpu.memory_space<vmem_shared>>)
    %dma_wait3A_43 = arith.constant 0 : i32
    %dma_wait3A_44 = arith.constant 73 : i32
    %dma_wait3A_45 = arith.constant 128 : i32
    %dma_wait3A_46 = arith.constant 0 : i32
    %dma_wait3A_47 = tpu.memref_slice %arg8[%dma_wait3A_43, %dma_wait3A_45, %dma_wait3A_46] : memref<2x512x64xf32, #tpu.memory_space<vmem>> -> memref<1x128x64xf32, #tpu.memory_space<vmem>>
    %dma_wait3A_48 = tpu.memref_squeeze %dma_wait3A_47 : memref<1x128x64xf32, #tpu.memory_space<vmem>> -> memref<128x64xf32, #tpu.memory_space<vmem>>
    %dma_wait3A_49 = arith.constant 0 : i32
    %dma_wait3A_50 = tpu.memref_slice %arg7[%dma_wait3A_44, %dma_wait3A_49] : memref<80x128xi32, #tpu.memory_space<vmem>> -> memref<1x128xi32, #tpu.memory_space<vmem>>
    %dma_wait3A_51 = tpu.memref_squeeze %dma_wait3A_50 : memref<1x128xi32, #tpu.memory_space<vmem>> -> memref<128xi32, #tpu.memory_space<vmem>>
    %dma_wait3A_52 = arith.constant 0 : i32
    %dma_wait3A_53 = arith.constant 0 : i32
    %dma_wait3A_54 = tpu.memref_slice %arg9[%dma_wait3A_52, %dma_wait3A_53] : memref<10112x64xf32, #tpu.memory_space<vmem_shared>> -> memref<10112x64xf32, #tpu.memory_space<vmem_shared>>
    tpu.wait_indirect_dma semaphore(%arg11 : memref<!tpu.dma_semaphore, #tpu.memory_space<semaphore_mem>>) src(%dma_wait3A_48 : memref<128x64xf32, #tpu.memory_space<vmem>>) dst(%dma_wait3A_54 : memref<10112x64xf32, #tpu.memory_space<vmem_shared>>)
    %dma_wait3A_55 = arith.constant 0 : i32
    %dma_wait3A_56 = arith.constant 74 : i32
    %dma_wait3A_57 = arith.constant 256 : i32
    %dma_wait3A_58 = arith.constant 0 : i32
    %dma_wait3A_59 = tpu.memref_slice %arg8[%dma_wait3A_55, %dma_wait3A_57, %dma_wait3A_58] : memref<2x512x64xf32, #tpu.memory_space<vmem>> -> memref<1x128x64xf32, #tpu.memory_space<vmem>>
    %dma_wait3A_60 = tpu.memref_squeeze %dma_wait3A_59 : memref<1x128x64xf32, #tpu.memory_space<vmem>> -> memref<128x64xf32, #tpu.memory_space<vmem>>
    %dma_wait3A_61 = arith.constant 0 : i32
    %dma_wait3A_62 = tpu.memref_slice %arg7[%dma_wait3A_56, %dma_wait3A_61] : memref<80x128xi32, #tpu.memory_space<vmem>> -> memref<1x128xi32, #tpu.memory_space<vmem>>
    %dma_wait3A_63 = tpu.memref_squeeze %dma_wait3A_62 : memref<1x128xi32, #tpu.memory_space<vmem>> -> memref<128xi32, #tpu.memory_space<vmem>>
    %dma_wait3A_64 = arith.constant 0 : i32
    %dma_wait3A_65 = arith.constant 0 : i32
    %dma_wait3A_66 = tpu.memref_slice %arg9[%dma_wait3A_64, %dma_wait3A_65] : memref<10112x64xf32, #tpu.memory_space<vmem_shared>> -> memref<10112x64xf32, #tpu.memory_space<vmem_shared>>
    tpu.wait_indirect_dma semaphore(%arg11 : memref<!tpu.dma_semaphore, #tpu.memory_space<semaphore_mem>>) src(%dma_wait3A_60 : memref<128x64xf32, #tpu.memory_space<vmem>>) dst(%dma_wait3A_66 : memref<10112x64xf32, #tpu.memory_space<vmem_shared>>)
    %dma_wait3A_67 = arith.constant 0 : i32
    %dma_wait3A_68 = arith.constant 75 : i32
    %dma_wait3A_69 = arith.constant 384 : i32
    %dma_wait3A_70 = arith.constant 0 : i32
    %dma_wait3A_71 = tpu.memref_slice %arg8[%dma_wait3A_67, %dma_wait3A_69, %dma_wait3A_70] : memref<2x512x64xf32, #tpu.memory_space<vmem>> -> memref<1x128x64xf32, #tpu.memory_space<vmem>>
    %dma_wait3A_72 = tpu.memref_squeeze %dma_wait3A_71 : memref<1x128x64xf32, #tpu.memory_space<vmem>> -> memref<128x64xf32, #tpu.memory_space<vmem>>
    %dma_wait3A_73 = arith.constant 0 : i32
    %dma_wait3A_74 = tpu.memref_slice %arg7[%dma_wait3A_68, %dma_wait3A_73] : memref<80x128xi32, #tpu.memory_space<vmem>> -> memref<1x128xi32, #tpu.memory_space<vmem>>
    %dma_wait3A_75 = tpu.memref_squeeze %dma_wait3A_74 : memref<1x128xi32, #tpu.memory_space<vmem>> -> memref<128xi32, #tpu.memory_space<vmem>>
    %dma_wait3A_76 = arith.constant 0 : i32
    %dma_wait3A_77 = arith.constant 0 : i32
    %dma_wait3A_78 = tpu.memref_slice %arg9[%dma_wait3A_76, %dma_wait3A_77] : memref<10112x64xf32, #tpu.memory_space<vmem_shared>> -> memref<10112x64xf32, #tpu.memory_space<vmem_shared>>
    tpu.wait_indirect_dma semaphore(%arg11 : memref<!tpu.dma_semaphore, #tpu.memory_space<semaphore_mem>>) src(%dma_wait3A_72 : memref<128x64xf32, #tpu.memory_space<vmem>>) dst(%dma_wait3A_78 : memref<10112x64xf32, #tpu.memory_space<vmem_shared>>)
    %dma_wait3A_79 = arith.constant 1 : i32
    %dma_wait3A_80 = arith.constant 76 : i32
    %dma_wait3A_81 = arith.constant 0 : i32
    %dma_wait3A_82 = arith.constant 0 : i32
    %dma_wait3A_83 = tpu.memref_slice %arg8[%dma_wait3A_79, %dma_wait3A_81, %dma_wait3A_82] : memref<2x512x64xf32, #tpu.memory_space<vmem>> -> memref<1x128x64xf32, #tpu.memory_space<vmem>>
    %dma_wait3A_84 = tpu.memref_squeeze %dma_wait3A_83 : memref<1x128x64xf32, #tpu.memory_space<vmem>> -> memref<128x64xf32, #tpu.memory_space<vmem>>
    %dma_wait3A_85 = arith.constant 0 : i32
    %dma_wait3A_86 = tpu.memref_slice %arg7[%dma_wait3A_80, %dma_wait3A_85] : memref<80x128xi32, #tpu.memory_space<vmem>> -> memref<1x128xi32, #tpu.memory_space<vmem>>
    %dma_wait3A_87 = tpu.memref_squeeze %dma_wait3A_86 : memref<1x128xi32, #tpu.memory_space<vmem>> -> memref<128xi32, #tpu.memory_space<vmem>>
    %dma_wait3A_88 = arith.constant 0 : i32
    %dma_wait3A_89 = arith.constant 0 : i32
    %dma_wait3A_90 = tpu.memref_slice %arg9[%dma_wait3A_88, %dma_wait3A_89] : memref<10112x64xf32, #tpu.memory_space<vmem_shared>> -> memref<10112x64xf32, #tpu.memory_space<vmem_shared>>
    tpu.wait_indirect_dma semaphore(%arg12 : memref<!tpu.dma_semaphore, #tpu.memory_space<semaphore_mem>>) src(%dma_wait3A_84 : memref<128x64xf32, #tpu.memory_space<vmem>>) dst(%dma_wait3A_90 : memref<10112x64xf32, #tpu.memory_space<vmem_shared>>)
    %dma_wait3A_91 = arith.constant 1 : i32
    %dma_wait3A_92 = arith.constant 77 : i32
    %dma_wait3A_93 = arith.constant 128 : i32
    %dma_wait3A_94 = arith.constant 0 : i32
    %dma_wait3A_95 = tpu.memref_slice %arg8[%dma_wait3A_91, %dma_wait3A_93, %dma_wait3A_94] : memref<2x512x64xf32, #tpu.memory_space<vmem>> -> memref<1x128x64xf32, #tpu.memory_space<vmem>>
    %dma_wait3A_96 = tpu.memref_squeeze %dma_wait3A_95 : memref<1x128x64xf32, #tpu.memory_space<vmem>> -> memref<128x64xf32, #tpu.memory_space<vmem>>
    %dma_wait3A_97 = arith.constant 0 : i32
    %dma_wait3A_98 = tpu.memref_slice %arg7[%dma_wait3A_92, %dma_wait3A_97] : memref<80x128xi32, #tpu.memory_space<vmem>> -> memref<1x128xi32, #tpu.memory_space<vmem>>
    %dma_wait3A_99 = tpu.memref_squeeze %dma_wait3A_98 : memref<1x128xi32, #tpu.memory_space<vmem>> -> memref<128xi32, #tpu.memory_space<vmem>>
    %dma_wait3A_100 = arith.constant 0 : i32
    %dma_wait3A_101 = arith.constant 0 : i32
    %dma_wait3A_102 = tpu.memref_slice %arg9[%dma_wait3A_100, %dma_wait3A_101] : memref<10112x64xf32, #tpu.memory_space<vmem_shared>> -> memref<10112x64xf32, #tpu.memory_space<vmem_shared>>
    tpu.wait_indirect_dma semaphore(%arg12 : memref<!tpu.dma_semaphore, #tpu.memory_space<semaphore_mem>>) src(%dma_wait3A_96 : memref<128x64xf32, #tpu.memory_space<vmem>>) dst(%dma_wait3A_102 : memref<10112x64xf32, #tpu.memory_space<vmem_shared>>)
    %dma_wait3A_103 = arith.constant 1 : i32
    %dma_wait3A_104 = arith.constant 78 : i32
    %dma_wait3A_105 = arith.constant 256 : i32
    %dma_wait3A_106 = arith.constant 0 : i32
    %dma_wait3A_107 = tpu.memref_slice %arg8[%dma_wait3A_103, %dma_wait3A_105, %dma_wait3A_106] : memref<2x512x64xf32, #tpu.memory_space<vmem>> -> memref<1x128x64xf32, #tpu.memory_space<vmem>>
    %dma_wait3A_108 = tpu.memref_squeeze %dma_wait3A_107 : memref<1x128x64xf32, #tpu.memory_space<vmem>> -> memref<128x64xf32, #tpu.memory_space<vmem>>
    %dma_wait3A_109 = arith.constant 0 : i32
    %dma_wait3A_110 = tpu.memref_slice %arg7[%dma_wait3A_104, %dma_wait3A_109] : memref<80x128xi32, #tpu.memory_space<vmem>> -> memref<1x128xi32, #tpu.memory_space<vmem>>
    %dma_wait3A_111 = tpu.memref_squeeze %dma_wait3A_110 : memref<1x128xi32, #tpu.memory_space<vmem>> -> memref<128xi32, #tpu.memory_space<vmem>>
    %dma_wait3A_112 = arith.constant 0 : i32
    %dma_wait3A_113 = arith.constant 0 : i32
    %dma_wait3A_114 = tpu.memref_slice %arg9[%dma_wait3A_112, %dma_wait3A_113] : memref<10112x64xf32, #tpu.memory_space<vmem_shared>> -> memref<10112x64xf32, #tpu.memory_space<vmem_shared>>
    tpu.wait_indirect_dma semaphore(%arg12 : memref<!tpu.dma_semaphore, #tpu.memory_space<semaphore_mem>>) src(%dma_wait3A_108 : memref<128x64xf32, #tpu.memory_space<vmem>>) dst(%dma_wait3A_114 : memref<10112x64xf32, #tpu.memory_space<vmem_shared>>)
    %dma_wait3A_115 = arith.constant 1 : i32
    %dma_wait3A_116 = arith.constant 79 : i32
    %dma_wait3A_117 = arith.constant 384 : i32
    %dma_wait3A_118 = arith.constant 0 : i32
    %dma_wait3A_119 = tpu.memref_slice %arg8[%dma_wait3A_115, %dma_wait3A_117, %dma_wait3A_118] : memref<2x512x64xf32, #tpu.memory_space<vmem>> -> memref<1x128x64xf32, #tpu.memory_space<vmem>>
    %dma_wait3A_120 = tpu.memref_squeeze %dma_wait3A_119 : memref<1x128x64xf32, #tpu.memory_space<vmem>> -> memref<128x64xf32, #tpu.memory_space<vmem>>
    %dma_wait3A_121 = arith.constant 0 : i32
    %dma_wait3A_122 = tpu.memref_slice %arg7[%dma_wait3A_116, %dma_wait3A_121] : memref<80x128xi32, #tpu.memory_space<vmem>> -> memref<1x128xi32, #tpu.memory_space<vmem>>
    %dma_wait3A_123 = tpu.memref_squeeze %dma_wait3A_122 : memref<1x128xi32, #tpu.memory_space<vmem>> -> memref<128xi32, #tpu.memory_space<vmem>>
    %dma_wait3A_124 = arith.constant 0 : i32
    %dma_wait3A_125 = arith.constant 0 : i32
    %dma_wait3A_126 = tpu.memref_slice %arg9[%dma_wait3A_124, %dma_wait3A_125] : memref<10112x64xf32, #tpu.memory_space<vmem_shared>> -> memref<10112x64xf32, #tpu.memory_space<vmem_shared>>
    tpu.wait_indirect_dma semaphore(%arg12 : memref<!tpu.dma_semaphore, #tpu.memory_space<semaphore_mem>>) src(%dma_wait3A_120 : memref<128x64xf32, #tpu.memory_space<vmem>>) dst(%dma_wait3A_126 : memref<10112x64xf32, #tpu.memory_space<vmem_shared>>)
    %barrier3A_127 = arith.constant 0 : index
    tpu.barrier barrier_id(%barrier3A_127)
    "tpu.region"() ({
      %run_scoped3A = tpu.sem_alloc : memref<!tpu.dma_semaphore, #tpu.memory_space<semaphore_mem>>
      %dma_start3A_128 = arith.constant 0 : i32
      %dma_start3A_129 = tpu.memref_slice %arg5[%arg0, %mul3A_2, %dma_start3A_128] : memref<2x10112x64xf32, #tpu.memory_space<hbm>> -> memref<1x632x64xf32, #tpu.memory_space<hbm>>
      %dma_start3A_130 = tpu.memref_squeeze %dma_start3A_129 : memref<1x632x64xf32, #tpu.memory_space<hbm>> -> memref<632x64xf32, #tpu.memory_space<hbm>>
      %dma_start3A_131 = arith.constant 0 : i32
      %dma_start3A_132 = tpu.memref_slice %arg9[%mul3A_2, %dma_start3A_131] : memref<10112x64xf32, #tpu.memory_space<vmem_shared>> -> memref<632x64xf32, #tpu.memory_space<vmem_shared>>
      tpu.enqueue_dma source(%dma_start3A_132 : memref<632x64xf32, #tpu.memory_space<vmem_shared>>) target(%dma_start3A_130 : memref<632x64xf32, #tpu.memory_space<hbm>>) target_semaphore(%run_scoped3A : memref<!tpu.dma_semaphore, #tpu.memory_space<semaphore_mem>>)
      %dma_wait3A_133 = arith.constant 0 : i32
      %dma_wait3A_134 = tpu.memref_slice %arg5[%arg0, %mul3A_2, %dma_wait3A_133] : memref<2x10112x64xf32, #tpu.memory_space<hbm>> -> memref<1x632x64xf32, #tpu.memory_space<hbm>>
      %dma_wait3A_135 = tpu.memref_squeeze %dma_wait3A_134 : memref<1x632x64xf32, #tpu.memory_space<hbm>> -> memref<632x64xf32, #tpu.memory_space<hbm>>
      %dma_wait3A_136 = arith.constant 0 : i32
      %dma_wait3A_137 = tpu.memref_slice %arg9[%mul3A_2, %dma_wait3A_136] : memref<10112x64xf32, #tpu.memory_space<vmem_shared>> -> memref<632x64xf32, #tpu.memory_space<vmem_shared>>
      tpu.wait_dma2 semaphore(%run_scoped3A : memref<!tpu.dma_semaphore, #tpu.memory_space<semaphore_mem>>) src(%dma_wait3A_137 : memref<632x64xf32, #tpu.memory_space<vmem_shared>>) dst(%dma_wait3A_135 : memref<632x64xf32, #tpu.memory_space<hbm>>)
      tpu.yield
    }) : () -> ()
    return
  }
}

module attributes {stable_mosaic.version = 14 : i64} {
  func.func @body(%arg0: memref<10000x128xf32, #tpu.memory_space<vmem>>, %arg1: memref<128x64xf32, #tpu.memory_space<vmem>>, %arg2: memref<2x10112x16xf32, #tpu.memory_space<vmem>>, %arg3: memref<10112x64xf32, #tpu.memory_space<vmem>>) attributes {dimension_semantics = [], scalar_prefetch = 0 : i64, scratch_operands = 0 : i64, tpu.core_type = #tpu.core_type<tc>} {
    %get3A = arith.constant 0 : index
    %get3A_0 = arith.constant 0 : index
    %get3A_1 = arith.constant 0 : index
    %get3A_2 = vector.load %arg2[%get3A, %get3A_0, %get3A_1] : memref<2x10112x16xf32, #tpu.memory_space<vmem>>, vector<1x10112x1xf32>
    %get3A_3 = vector.shape_cast %get3A_2 : vector<1x10112x1xf32> to vector<10112x1xf32>
    %get3A_4 = arith.constant 1 : index
    %get3A_5 = arith.constant 0 : index
    %get3A_6 = arith.constant 0 : index
    %get3A_7 = vector.load %arg2[%get3A_4, %get3A_5, %get3A_6] : memref<2x10112x16xf32, #tpu.memory_space<vmem>>, vector<1x10112x1xf32>
    %get3A_8 = vector.shape_cast %get3A_7 : vector<1x10112x1xf32> to vector<10112x1xf32>
    %add3A = arith.addf %get3A_3, %get3A_8 : vector<10112x1xf32>
    %add3A_9 = arith.constant 1.000000e+00 : f32
    %add3A_10 = vector.broadcast %add3A_9 : f32 to vector<10112x1xf32>
    %add3A_11 = arith.addf %add3A, %add3A_10 : vector<10112x1xf32>
    %max3A = arith.constant 9.99999996E-13 : f32
    %max3A_12 = vector.broadcast %max3A : f32 to vector<10112x1xf32>
    %max3A_13 = arith.maximumf %add3A_11, %max3A_12 : vector<10112x1xf32>
    %rsqrt3A = math.rsqrt %max3A_13 : vector<10112x1xf32>
    %get3A_14 = arith.constant 0 : index
    %get3A_15 = arith.constant 0 : index
    %get3A_16 = vector.load %arg0[%get3A_14, %get3A_15] : memref<10000x128xf32, #tpu.memory_space<vmem>>, vector<10000x128xf32>
    %get3A_17 = arith.constant 0 : index
    %get3A_18 = arith.constant 0 : index
    %get3A_19 = vector.load %arg1[%get3A_17, %get3A_18] : memref<128x64xf32, #tpu.memory_space<vmem>>, vector<128x64xf32>
    %dot_general3A = arith.constant dense<0.000000e+00> : vector<10000x64xf32>
    %dot_general3A_20 = tpu.matmul %get3A_16, %get3A_19, %dot_general3A {dimension_numbers = #tpu.dot_dimension_numbers<[1], [0], [0], [1], [0, 0, 1, 1], [], []>, transpose_lhs_hint = false} : vector<10000x128xf32>, vector<128x64xf32>, vector<10000x64xf32> -> vector<10000x64xf32>
    %slice3A = vector.extract_strided_slice %rsqrt3A {offsets = [0, 0], sizes = [10000, 1], strides = [1, 1]} : vector<10112x1xf32> to vector<10000x1xf32>
    %mul3A = vector.broadcast %slice3A : vector<10000x1xf32> to vector<10000x64xf32>
    %mul3A_21 = arith.mulf %dot_general3A_20, %mul3A : vector<10000x64xf32>
    %swap3A = arith.constant 0 : index
    %swap3A_22 = arith.constant 0 : index
    %swap3A_23 = vector.load %arg3[%swap3A, %swap3A_22] : memref<10112x64xf32, #tpu.memory_space<vmem>>, vector<10000x64xf32>
    tpu.vector_store %arg3[%swap3A, %swap3A_22], %mul3A_21 {strides = array<i32>} : memref<10112x64xf32, #tpu.memory_space<vmem>>, vector<10000x64xf32>,
    %broadcast_in_dim3A = arith.constant 0.000000e+00 : f32
    %broadcast_in_dim3A_24 = vector.broadcast %broadcast_in_dim3A : f32 to vector<112x64xf32>
    %swap3A_25 = arith.constant 10000 : index
    %swap3A_26 = arith.constant 0 : index
    %swap3A_27 = vector.load %arg3[%swap3A_25, %swap3A_26] : memref<10112x64xf32, #tpu.memory_space<vmem>>, vector<112x64xf32>
    tpu.vector_store %arg3[%swap3A_25, %swap3A_26], %broadcast_in_dim3A_24 {strides = array<i32>} : memref<10112x64xf32, #tpu.memory_space<vmem>>, vector<112x64xf32>,
    return
  }
}

module attributes {stable_mosaic.version = 14 : i64} {
  func.func @body(%arg0: memref<2x10112x64xf32, #tpu.memory_space<vmem>>, %arg1: memref<10112x64xf32, #tpu.memory_space<vmem>>, %arg2: memref<2x10112x16xf32, #tpu.memory_space<vmem>>, %arg3: memref<1x64xf32, #tpu.memory_space<vmem>>, %arg4: memref<10112x64xf32, #tpu.memory_space<vmem>>) attributes {dimension_semantics = [], scalar_prefetch = 0 : i64, scratch_operands = 0 : i64, tpu.core_type = #tpu.core_type<tc>} {
    %get3A = arith.constant 0 : index
    %get3A_0 = arith.constant 0 : index
    %get3A_1 = arith.constant 0 : index
    %get3A_2 = vector.load %arg2[%get3A, %get3A_0, %get3A_1] : memref<2x10112x16xf32, #tpu.memory_space<vmem>>, vector<1x10112x1xf32>
    %get3A_3 = vector.shape_cast %get3A_2 : vector<1x10112x1xf32> to vector<10112x1xf32>
    %get3A_4 = arith.constant 1 : index
    %get3A_5 = arith.constant 0 : index
    %get3A_6 = arith.constant 0 : index
    %get3A_7 = vector.load %arg2[%get3A_4, %get3A_5, %get3A_6] : memref<2x10112x16xf32, #tpu.memory_space<vmem>>, vector<1x10112x1xf32>
    %get3A_8 = vector.shape_cast %get3A_7 : vector<1x10112x1xf32> to vector<10112x1xf32>
    %add3A = arith.addf %get3A_3, %get3A_8 : vector<10112x1xf32>
    %add3A_9 = arith.constant 1.000000e+00 : f32
    %add3A_10 = vector.broadcast %add3A_9 : f32 to vector<10112x1xf32>
    %add3A_11 = arith.addf %add3A, %add3A_10 : vector<10112x1xf32>
    %max3A = arith.constant 9.99999996E-13 : f32
    %max3A_12 = vector.broadcast %max3A : f32 to vector<10112x1xf32>
    %max3A_13 = arith.maximumf %add3A_11, %max3A_12 : vector<10112x1xf32>
    %rsqrt3A = math.rsqrt %max3A_13 : vector<10112x1xf32>
    %get3A_14 = arith.constant 0 : index
    %get3A_15 = arith.constant 0 : index
    %get3A_16 = arith.constant 0 : index
    %get3A_17 = vector.load %arg0[%get3A_14, %get3A_15, %get3A_16] : memref<2x10112x64xf32, #tpu.memory_space<vmem>>, vector<1x10112x64xf32>
    %get3A_18 = vector.shape_cast %get3A_17 : vector<1x10112x64xf32> to vector<10112x64xf32>
    %get3A_19 = arith.constant 1 : index
    %get3A_20 = arith.constant 0 : index
    %get3A_21 = arith.constant 0 : index
    %get3A_22 = vector.load %arg0[%get3A_19, %get3A_20, %get3A_21] : memref<2x10112x64xf32, #tpu.memory_space<vmem>>, vector<1x10112x64xf32>
    %get3A_23 = vector.shape_cast %get3A_22 : vector<1x10112x64xf32> to vector<10112x64xf32>
    %add3A_24 = arith.addf %get3A_18, %get3A_23 : vector<10112x64xf32>
    %get3A_25 = arith.constant 0 : index
    %get3A_26 = arith.constant 0 : index
    %get3A_27 = vector.load %arg1[%get3A_25, %get3A_26] : memref<10112x64xf32, #tpu.memory_space<vmem>>, vector<10112x64xf32>
    %sub3A = arith.subf %add3A_24, %get3A_27 : vector<10112x64xf32>
    %mul3A = vector.broadcast %rsqrt3A : vector<10112x1xf32> to vector<10112x64xf32>
    %mul3A_28 = arith.mulf %sub3A, %mul3A : vector<10112x64xf32>
    %get3A_29 = arith.constant 0 : index
    %get3A_30 = arith.constant 0 : index
    %get3A_31 = vector.load %arg3[%get3A_29, %get3A_30] : memref<1x64xf32, #tpu.memory_space<vmem>>, vector<1x64xf32>
    %add3A_32 = vector.broadcast %get3A_31 : vector<1x64xf32> to vector<10112x64xf32>
    %add3A_33 = arith.addf %mul3A_28, %add3A_32 : vector<10112x64xf32>
    %max3A_34 = arith.constant 0.000000e+00 : f32
    %max3A_35 = vector.broadcast %max3A_34 : f32 to vector<10112x64xf32>
    %max3A_36 = arith.maximumf %add3A_33, %max3A_35 : vector<10112x64xf32>
    %mul3A_37 = vector.broadcast %rsqrt3A : vector<10112x1xf32> to vector<10112x64xf32>
    %mul3A_38 = arith.mulf %max3A_36, %mul3A_37 : vector<10112x64xf32>
    %slice3A = vector.extract_strided_slice %mul3A_38 {offsets = [0, 0], sizes = [10000, 64], strides = [1, 1]} : vector<10112x64xf32> to vector<10000x64xf32>
    %swap3A = arith.constant 0 : index
    %swap3A_39 = arith.constant 0 : index
    %swap3A_40 = vector.load %arg4[%swap3A, %swap3A_39] : memref<10112x64xf32, #tpu.memory_space<vmem>>, vector<10000x64xf32>
    tpu.vector_store %arg4[%swap3A, %swap3A_39], %slice3A {strides = array<i32>} : memref<10112x64xf32, #tpu.memory_space<vmem>>, vector<10000x64xf32>,
    %broadcast_in_dim3A = arith.constant 0.000000e+00 : f32
    %broadcast_in_dim3A_41 = vector.broadcast %broadcast_in_dim3A : f32 to vector<112x64xf32>
    %swap3A_42 = arith.constant 10000 : index
    %swap3A_43 = arith.constant 0 : index
    %swap3A_44 = vector.load %arg4[%swap3A_42, %swap3A_43] : memref<10112x64xf32, #tpu.memory_space<vmem>>, vector<112x64xf32>
    tpu.vector_store %arg4[%swap3A_42, %swap3A_43], %broadcast_in_dim3A_41 {strides = array<i32>} : memref<10112x64xf32, #tpu.memory_space<vmem>>, vector<112x64xf32>,
    return
  }
}

module attributes {stable_mosaic.version = 14 : i64} {
  func.func @body(%arg0: memref<2x10112x64xf32, #tpu.memory_space<vmem>>, %arg1: memref<10112x64xf32, #tpu.memory_space<vmem>>, %arg2: memref<2x10112x16xf32, #tpu.memory_space<vmem>>, %arg3: memref<64x128xf32, #tpu.memory_space<vmem>>, %arg4: memref<1x128xf32, #tpu.memory_space<vmem>>, %arg5: memref<10000x128xf32, #tpu.memory_space<vmem>>) attributes {dimension_semantics = [], scalar_prefetch = 0 : i64, scratch_operands = 0 : i64, tpu.core_type = #tpu.core_type<tc>} {
    %get3A = arith.constant 0 : index
    %get3A_0 = arith.constant 0 : index
    %get3A_1 = arith.constant 0 : index
    %get3A_2 = vector.load %arg2[%get3A, %get3A_0, %get3A_1] : memref<2x10112x16xf32, #tpu.memory_space<vmem>>, vector<1x10000x1xf32>
    %get3A_3 = vector.shape_cast %get3A_2 : vector<1x10000x1xf32> to vector<10000x1xf32>
    %get3A_4 = arith.constant 1 : index
    %get3A_5 = arith.constant 0 : index
    %get3A_6 = arith.constant 0 : index
    %get3A_7 = vector.load %arg2[%get3A_4, %get3A_5, %get3A_6] : memref<2x10112x16xf32, #tpu.memory_space<vmem>>, vector<1x10000x1xf32>
    %get3A_8 = vector.shape_cast %get3A_7 : vector<1x10000x1xf32> to vector<10000x1xf32>
    %add3A = arith.addf %get3A_3, %get3A_8 : vector<10000x1xf32>
    %add3A_9 = arith.constant 1.000000e+00 : f32
    %add3A_10 = vector.broadcast %add3A_9 : f32 to vector<10000x1xf32>
    %add3A_11 = arith.addf %add3A, %add3A_10 : vector<10000x1xf32>
    %max3A = arith.constant 9.99999996E-13 : f32
    %max3A_12 = vector.broadcast %max3A : f32 to vector<10000x1xf32>
    %max3A_13 = arith.maximumf %add3A_11, %max3A_12 : vector<10000x1xf32>
    %rsqrt3A = math.rsqrt %max3A_13 : vector<10000x1xf32>
    %get3A_14 = arith.constant 0 : index
    %get3A_15 = arith.constant 0 : index
    %get3A_16 = arith.constant 0 : index
    %get3A_17 = vector.load %arg0[%get3A_14, %get3A_15, %get3A_16] : memref<2x10112x64xf32, #tpu.memory_space<vmem>>, vector<1x10000x64xf32>
    %get3A_18 = vector.shape_cast %get3A_17 : vector<1x10000x64xf32> to vector<10000x64xf32>
    %get3A_19 = arith.constant 1 : index
    %get3A_20 = arith.constant 0 : index
    %get3A_21 = arith.constant 0 : index
    %get3A_22 = vector.load %arg0[%get3A_19, %get3A_20, %get3A_21] : memref<2x10112x64xf32, #tpu.memory_space<vmem>>, vector<1x10000x64xf32>
    %get3A_23 = vector.shape_cast %get3A_22 : vector<1x10000x64xf32> to vector<10000x64xf32>
    %add3A_24 = arith.addf %get3A_18, %get3A_23 : vector<10000x64xf32>
    %get3A_25 = arith.constant 0 : index
    %get3A_26 = arith.constant 0 : index
    %get3A_27 = vector.load %arg1[%get3A_25, %get3A_26] : memref<10112x64xf32, #tpu.memory_space<vmem>>, vector<10000x64xf32>
    %sub3A = arith.subf %add3A_24, %get3A_27 : vector<10000x64xf32>
    %mul3A = vector.broadcast %rsqrt3A : vector<10000x1xf32> to vector<10000x64xf32>
    %mul3A_28 = arith.mulf %sub3A, %mul3A : vector<10000x64xf32>
    %get3A_29 = arith.constant 0 : index
    %get3A_30 = arith.constant 0 : index
    %get3A_31 = vector.load %arg3[%get3A_29, %get3A_30] : memref<64x128xf32, #tpu.memory_space<vmem>>, vector<64x128xf32>
    %dot_general3A = arith.constant dense<0.000000e+00> : vector<10000x128xf32>
    %dot_general3A_32 = tpu.matmul %mul3A_28, %get3A_31, %dot_general3A {dimension_numbers = #tpu.dot_dimension_numbers<[1], [0], [0], [1], [0, 0, 1, 1], [], []>, transpose_lhs_hint = false} : vector<10000x64xf32>, vector<64x128xf32>, vector<10000x128xf32> -> vector<10000x128xf32>
    %get3A_33 = arith.constant 0 : index
    %get3A_34 = arith.constant 0 : index
    %get3A_35 = vector.load %arg4[%get3A_33, %get3A_34] : memref<1x128xf32, #tpu.memory_space<vmem>>, vector<1x128xf32>
    %add3A_36 = vector.broadcast %get3A_35 : vector<1x128xf32> to vector<10000x128xf32>
    %add3A_37 = arith.addf %dot_general3A_32, %add3A_36 : vector<10000x128xf32>
    %reduce_max3A = arith.constant dense<0xFF800000> : vector<10000xf32>
    %reduce_max3A_38 = vector.multi_reduction <maximumf>, %add3A_37, %reduce_max3A [1] : vector<10000x128xf32> to vector<10000xf32>
    %broadcast_in_dim3A = vector.shape_cast %reduce_max3A_38 : vector<10000xf32> to vector<10000x1xf32>
    %sub3A_39 = vector.broadcast %broadcast_in_dim3A : vector<10000x1xf32> to vector<10000x128xf32>
    %sub3A_40 = arith.subf %add3A_37, %sub3A_39 : vector<10000x128xf32>
    %exp3A = math.exp %sub3A_40 : vector<10000x128xf32>
    %reduce_sum3A = arith.constant dense<0.000000e+00> : vector<10000xf32>
    %reduce_sum3A_41 = vector.multi_reduction <add>, %exp3A, %reduce_sum3A [1] : vector<10000x128xf32> to vector<10000xf32>
    %broadcast_in_dim3A_42 = vector.shape_cast %reduce_sum3A_41 : vector<10000xf32> to vector<10000x1xf32>
    %log3A = math.log %broadcast_in_dim3A_42 : vector<10000x1xf32>
    %sub3A_43 = vector.broadcast %log3A : vector<10000x1xf32> to vector<10000x128xf32>
    %sub3A_44 = arith.subf %sub3A_40, %sub3A_43 : vector<10000x128xf32>
    %swap3A = arith.constant 0 : index
    %swap3A_45 = arith.constant 0 : index
    %swap3A_46 = vector.load %arg5[%swap3A, %swap3A_45] : memref<10000x128xf32, #tpu.memory_space<vmem>>, vector<10000x128xf32>
    tpu.vector_store %arg5[%swap3A, %swap3A_45], %sub3A_44 {strides = array<i32>} : memref<10000x128xf32, #tpu.memory_space<vmem>>, vector<10000x128xf32>,
    return
  }
}

</mosaic_0001>

<sc_bundles>
// kernel: kernel.11.cloned.1.call-start
scs
__scs_entry_jumppad:
0x0: {  	(pc) =	sbr.rel $0x88, $3  }
0x1: {  	(tag) =	ssettag $0x0;
	lr =	simm.s32 $0x1  }
0x2: {  	[smem:$0x3F9B] =	sst lr;
	_ =	strace $0xD0000000  }
0x3: {  	_ = 	snop  }
0x4: {  	_ = 	snop  }
0x5: {  	_ = 	snop  }
0x6: {  	_ = 	snop  }
0x7: {  	_ = 	snop  }
__scs_overlays_trampoline_lowered:
0x8: {  	[smem:$0x3FAA] =	sst s0  }
0x9: {  	[smem:$0x3FAB] =	sst s1  }
0xa: {  	[smem:$0x3FAC] =	sst s2  }
0xb: {  	[smem:$0x3FAD] =	sst s3  }
0xc: {  	[smem:$0x3FAE] =	sst s4  }
0xd: {  	[smem:$0x3FAF] =	sst s5  }
0xe: {  	[smem:$0x3FB0] =	sst s6  }
0xf: {  	[smem:$0x3FB1] =	sst s7  }
0x10: {  	[smem:$0x3FB2] =	sst s8  }
0x11: {  	[smem:$0x3FB3] =	sst s9;
	s0 =	simm.s32 @!p0 $0x0  }
0x12: {  	s1 =	sld [smem:$0x3F99];
	s0 =	simm.s32 @p0 $0x1  }
0x13: {  	[smem:$0x3FB4] =	sst s0;
	s0 =	simm.s32 @!p1 $0x0  }
0x14: {  	s2 =	sld [smem:$0x3F98];
	s0 =	simm.s32 @p1 $0x1  }
0x15: {  	[smem:$0x3FB5] =	sst s0;
	s0 =	simm.s32 @!p2 $0x0  }
0x16: {  	s3 =	sld [smem:$0x3FDB];
	s0 =	simm.s32 @p2 $0x1  }
0x17: {  	s4 =	simm.s32 $0x1BF5;
	[smem:$0x3FB7] =	sst s0  }
0x18: {  	s0 =	sld [smem:$0x3F9A];
	_ =	swait.ge [sflag:s4], $0x0  }
0x19: {  	s7 =	sld [smem:$0x3F9B]  }
0x1a: {  	s8 =	sadd.s32 $0xFFFFE003, lr  }
0x1b: {  	s9 =	sadd.s32 $0xFFFFFEF7, lr;
	s5 =	simm.s32 $0xFFFFFFFF;
	p2 =	slt.u32 s8, $0xFFFFF086  }
0x1c: {  	p1 =	slt.u32 s9, $0xF7A;
	s5 =	simm.s32 @!p2 $0x0  }
0x1d: {  	s5 =	simm.s32 @p1 $0x1;
	p0 =	seq.s32 s7, s2  }
0x1e: {  	s7 =	smul.u32 @!p0 $0xF7A, s2;
	p2 =	seq.s32 @!p0 s5, $0x0  }
0x1f: {  	s9 =	smul.u32 $0xF7A, s1;
	s8 =	simm.s32 @!p0 $0x1BF5;
	p2 =	por !p2, p0  }
0x20: {  	[sflag:s8] =	ssyncset.s32 @!p0 $0xFFFFF086;
	s6 =	sadd.s32 @!p0 s3, s7;
	s7 =	simm.s32 @!p0 $0x108  }
0x21: {  	s3 =	sadd.s32 s3, s9;
	s6 =	sadd.s32 @!p0 $0x88, s6;
	s7 =	simm.s32 @p2 $0x1082  }
0x22: {  	[simem:s7], [sflag:s8] =	dma.local @!p0 [hbm:s6], $0xF7A  }
0x23: {  	s9 =	sor.u32 $0xD0000000, s2;
	s6 =	simm.s32 $0x108;
	_ =	swait.ge @!p0 [sflag:s8], $0x0  }
0x24: {  	s3 =	sadd.s32 $0x88, s3;
	s6 =	simm.s32 @!p1 $0x1082;
	[sflag:s4] =	ssyncset.s32 $0xFFFFF086  }
0x25: {  	[simem:s6], [sflag:s4] =	dma.local [hbm:s3], $0xF7A  }
0x26: {  	[smem:$0x3F9B] =	sst s1;
	(tag) =	ssettag s2;
	_ =	strace s9  }
0x27: {  	s1 =	sld [smem:$0x3FAB]  }
0x28: {  	s2 =	sld [smem:$0x3FAC]  }
0x29: {  	s4 =	sld [smem:$0x3FAE]  }
0x2a: {  	p0 =	seq.s32 s5, $0x0;
	s5 =	sld [smem:$0x3FAF]  }
0x2b: {  	s6 =	sld [smem:$0x3FB0]  }
0x2c: {  	s7 =	sld [smem:$0x3FB1]  }
0x2d: {  	s3 =	simm.s32 $0x108;
	s8 =	sld [smem:$0x3FB2]  }
0x2e: {  	s3 =	simm.s32 @!p0 $0x1082;
	s9 =	sld [smem:$0x3FB3]  }
0x2f: {  	lr =	sadd.s32 s0, s3;
	s0 =	sld [smem:$0x3FAA]  }
0x30: {  	s3 =	sld [smem:$0x3FAD]  }
0x31: {  	[smem:$0x3FB6] =	sst s10  }
0x32: {  	s10 =	sld [smem:$0x3FB4];
	_ =	sdelay $0x3  }
0x33: {  	p0 =	seq.s32 s10, $0x1;
	s10 =	sld [smem:$0x3FB6];
	_ =	sdelay $0x3  }
0x34: {  	[smem:$0x3FB6] =	sst s10  }
0x35: {  	s10 =	sld [smem:$0x3FB5];
	_ =	sdelay $0x3  }
0x36: {  	p1 =	seq.s32 s10, $0x1;
	s10 =	sld [smem:$0x3FB6];
	_ =	sdelay $0x3  }
0x37: {  	[smem:$0x3FB6] =	sst s10  }
0x38: {  	s10 =	sld [smem:$0x3FB7]  }
0x39: {  	_ = 	snop;
	(pc) =	sbr.ind lr, $3  }
0x3a: {  	_ = 	snop  }
0x3b: {  	_ = 	snop  }
0x3c: {  	p2 =	seq.s32 s10, $0x1;
	s10 =	sld [smem:$0x3FB6]  }
0x3d: {  	_ =	shalt  }
0x3e: {  	_ =	shalt  }
0x3f: {  	_ =	shalt  }
0x40: {  	_ =	shalt  }
0x41: {  	_ =	shalt  }
0x42: {  	_ =	shalt  }
0x43: {  	_ =	shalt  }
0x44: {  	_ =	shalt  }
0x45: {  	_ =	shalt  }
0x46: {  	_ =	shalt  }
0x47: {  	_ =	shalt  }
0x48: {  	_ =	shalt  }
0x49: {  	_ =	shalt  }
0x4a: {  	_ =	shalt  }
0x4b: {  	_ =	shalt  }
0x4c: {  	_ =	shalt  }
0x4d: {  	_ =	shalt  }
0x4e: {  	_ =	shalt  }
0x4f: {  	_ =	shalt  }
0x50: {  	_ =	shalt  }
0x51: {  	_ =	shalt  }
0x52: {  	_ =	shalt  }
0x53: {  	_ =	shalt  }
0x54: {  	_ =	shalt  }
0x55: {  	_ =	shalt  }
0x56: {  	_ =	shalt  }
0x57: {  	_ =	shalt  }
0x58: {  	_ =	shalt  }
0x59: {  	_ =	shalt  }
0x5a: {  	_ =	shalt  }
0x5b: {  	_ =	shalt  }
0x5c: {  	_ =	shalt  }
0x5d: {  	_ =	shalt  }
0x5e: {  	_ =	shalt  }
0x5f: {  	_ =	shalt  }
0x60: {  	_ =	shalt  }
0x61: {  	_ =	shalt  }
0x62: {  	_ =	shalt  }
0x63: {  	_ =	shalt  }
0x64: {  	_ =	shalt  }
0x65: {  	_ =	shalt  }
0x66: {  	_ =	shalt  }
0x67: {  	_ =	shalt  }
0x68: {  	_ =	shalt  }
0x69: {  	_ =	shalt  }
0x6a: {  	_ =	shalt  }
0x6b: {  	_ =	shalt  }
0x6c: {  	_ =	shalt  }
0x6d: {  	_ =	shalt  }
0x6e: {  	_ =	shalt  }
0x6f: {  	_ =	shalt  }
0x70: {  	_ =	shalt  }
0x71: {  	_ =	shalt  }
0x72: {  	_ =	shalt  }
0x73: {  	_ =	shalt  }
0x74: {  	_ =	shalt  }
0x75: {  	_ =	shalt  }
0x76: {  	_ =	shalt  }
0x77: {  	_ =	shalt  }
0x78: {  	_ =	shalt  }
0x79: {  	_ =	shalt  }
0x7a: {  	_ =	shalt  }
0x7b: {  	_ =	shalt  }
0x7c: {  	_ =	shalt  }
0x7d: {  	_ =	shalt  }
0x7e: {  	_ =	shalt  }
0x7f: {  	_ =	shalt  }
0x80: {  	_ =	shalt  }
0x81: {  	_ =	shalt  }
0x82: {  	_ =	shalt  }
0x83: {  	_ =	shalt  }
0x84: {  	_ =	shalt  }
0x85: {  	_ =	shalt  }
0x86: {  	_ =	shalt  }
0x87: {  	_ =	shalt  }
.Lfunc_end0:
.L_simem_size_0:
called_computation.1_lowered:
.L_overlay_start_0:
0x88: {  	s2 =	sld [smem:$0x3FD9]  }
0x89: {  	s3 =	sld [smem:$0x3FFE];
	_ =	sdelay $0x1  }
0x8a: {  	s1 =	srdreg.scid  }
0x8b: {  	s0 =	sand.u32 $0x1, s1  }
0x8c: {  	s17 =	sshll.u32 s0, $0xA;
	s2 =	sadd.s32 s3, s2  }
0x8d: {  	s2 =	sadd.s32 s2, s17  }
0x8e: {  	[smem:$0x3FC2] =	sst s2  }
0x8f: {  	_ = 	snop  }
0x90: {  	s2 =	sld [smem:$0x3FD0];
	(tm) =	ssettm $0x1  }
0x91: {  	s18 =	sld [smem:$0x3FFB];
	_ =	sdelay $0x3  }
0x92: {  	_ =	strace s18  }
0x93: {  	s3 =	sld [smem:$0x3FFC];
	_ =	sdelay $0x3  }
0x94: {  	_ =	strace s3  }
0x95: {  	s3 =	sld [smem:$0x3FFD];
	_ =	sdelay $0x3  }
0x96: {  	_ =	strace s3  }
0x97: {  	_ =	strace $0x8FFFFFFF  }
0x98: {  	s19 =	sld [smem:$0x3FDB];
	_ =	sdelay $0x1  }
0x99: {  	s4 =	simm.s32 $_scs_section_size  }
0x9a: {  	s5 =	simm.s32 $_size__tile_overlayer_lowered;
	s6 =	simm.s32 $_tile_overlayer_lowered  }
0x9b: {  	s22 =	simm.s32 $0x1BFF;
	s21 =	sshll.u32 s6, $0x1;
	s3 =	sadd.s32 s4, s19  }
0x9c: {  	s7 =	simm.s32 $0x0;
	s20 =	sshll.u32 s5, $0x1;
	s5 =	sadd.s32 s21, s3  }
0x9d: {  	[timem:s7], [sflag:s22] =	dma.local [hbm:s5], s20  }
0x9e: {  	_ =	swait.ge [sflag:s22], s20  }
0x9f: {  	s4 =	ssub.s32 $0x0, s20;
	[sflag:s22] =	ssyncset.done $0x0  }
0xa0: {  	[sflag:s22] =	ssyncadd.s32 s4;
	_ =	sdelay $0x1  }
0xa1: {  	s23 =	simm.s32 $0x1B8B  }
0xa2: {  	_ =	swait.ge [sflag:s23], $0x1  }
0xa3: {  	[sflag:s23] =	ssyncset.done $0x0  }
0xa4: {  	s25 =	simm.s32 $0x1B8E;
	s24 =	sld [smem:$0x3FFE];
	[sflag:s23] =	ssyncadd.s32 $0xFFFFFFFF  }
0xa5: {  	s26 =	simm.s32 $execute0_lowered;
	[smem:$0x3FD2] =	sst s25  }
0xa6: {  	s5 =	sshll.u32 s26, $0x1;
	_ =	strace $0x80000049;
	[dreg:$0x1] =	wrdreg $0xFFFFFFFF  }
0xa7: {  	s28 =	simm.s32 $_size_execute0_lowered;
	s3 =	sadd.s32 s3, s5;
	[dreg:$0x0] =	wrdreg $0x0  }
0xa8: {  	s5 =	sshll.u32 s28, $0x1;
	[dreg:$0x2] =	wrdreg s3  }
0xa9: {  	[dreg:$0x3] =	wrdreg s5  }
0xaa: {  	[dreg:$0x4] =	wrdreg $0xC0  }
0xab: {  	_ =	task [dreg:s7], $0x5FFFF  }
0xac: {  	[dreg:$0x1] =	wrdreg $0xFFFFFFFF  }
0xad: {  	[dreg:$0x0] =	wrdreg $0x60  }
0xae: {  	[dreg:$0x2] =	wrdreg s2  }
0xaf: {  	[dreg:$0x3] =	wrdreg s24  }
0xb0: {  	[dreg:$0x4] =	wrdreg $0x150000  }
0xb1: {  	[dreg:$0x5] =	wrdreg $0x9  }
0xb2: {  	_ =	task.clear_ibuf [dreg:s7], $0x6FFFF;
	_ =	strace $0x90000049  }
0xb3: {  	s29 =	simm.s32 $0x9;
	_ =	strace $0x8000004B  }
0xb4: {  	_ =	swait.ge [sflag:s29], $0x1  }
0xb5: {  	[sflag:s29] =	ssyncadd.s32 $0xFFFFFFFF  }
0xb6: {  	_ =	strace $0x9000004B  }
0xb7: {  	_ =	sfence  }
0xb8: {  	s30 =	sld [smem:$0x0];
	_ =	sdelay $0x2  }
0xb9: {  	s31 =	sshll.u32 s1, $0xD;
	s1 =	sshrl.u32 s1, $0x2  }
0xba: {  	s3 =	sand.u32 $0x4000, s31;
	s1 =	sadd.s32 s1, s30  }
0xbb: {  	s0 =	sor.u32 s3, s0;
	s1 =	sshll.u32 s1, $0x11  }
0xbc: {  	s0 =	sor.u32 s1, s0  }
0xbd: {  	s0 =	sadd.s32 $0x8F2B, s0  }
0xbe: {  	[sflag:s0] =	ssyncadd.remote.s32 $0x1  }
0xbf: {  	_ =	sfence.sel $0xFFFF  }
0xc0: {  	[dreg:$0x0] =	wrdreg $0xFFFFFFFF;
	(pc) =	sbr.abs _section_cstart, $3  }
0xc1: {  	[dreg:$0x1] =	wrdreg $0xFFFFFFFF  }
0xc2: {  	_ =	task.clear_ibuf [dreg:s7], $0x2FFFF;
	_ =	strace $0x9FFFFFFF  }
0xc3: {  	(tm) =	ssettm $0x7FFFFFFF  }
tec
execute0_lowered:
.L_overlay_start_1:
0x0: {  	(tag) =	ssettag $0x1  }
0x1: {  	s2 =	rddreg [dreg:$0x0]  }
0x2: {  	s5 =	rddreg [dreg:$0x1]  }
0x3: {  	s0 =	srdreg.scid;
	s3 =	rddreg [dreg:$0x2]  }
0x4: {  	s1 =	stileid.u32;
	s4 =	simm.s32 $0x0;
	s14 =	simm.s32 $0x1  }
0x5: {  	s15 =	simm.s32 $0x80;
	s16 =	simm.s32 $0x5000;
	s17 =	simm.s32 $0x7000  }
0x6: {  	s18 =	simm.s32 $0x9000;
	s19 =	simm.s32 $0xB000;
	s20 =	simm.s32 $0xD000  }
0x7: {  	s21 =	simm.s32 $0xF000;
	s22 =	simm.s32 $0x11000;
	s23 =	simm.s32 $0x13000  }
0x8: {  	s24 =	simm.s32 $0x2;
	s25 =	simm.s32 $0x3;
	s26 =	simm.s32 $0x4  }
0x9: {  	s28 =	simm.s32 $0x0;
	s6 =	sand.u32 $0x1, s0;
	s8 =	smul.u32 $0x9E00, s1  }
0xa: {  	[smem:$0x7FF] =	sst s4;
	s7 =	sshll.u32 s6, $0x4;
	s9 =	smul.u32 $0x9E000, s6  }
0xb: {  	_ =	strace $0x8000004A;
	s6 =	ssub.s32 $0x2, s6;
	s7 =	sor.u32 s1, s7  }
0xc: {  	s30 =	sshrl.u32 s6, $0x1;
	s31 =	sshrl.u32 s8, $0x3;
	s7 =	smul.u32 $0x500, s7  }
0xd: {  	s13 =	sadd.s32 s8, s3;
	s9 =	sadd.s32 s8, s9;
	s12 =	ssub.s32 s6, s30  }
0xe: {  	s6 =	sshll.u32 s1, $0x6;
	s29 =	sshrl.u32 s9, $0x3;
	s10 =	sadd.s32 s7, s5  }
0xf: {  	s11 =	sadd.s32 s29, s5;
	s5 =	sadd.s32 s2, s31;
	s7 =	sor.u32 $0x1C01, s6  }
0x10: {  	s8 =	sadd.s32 $0xBC00, s10;
	s9 =	sadd.s32 $0x1C00, s10;
	s10 =	sadd.s32 $0x8C400, s11  }
0x11: {  	s11 =	smax.u32 s12, $0x1;
	s12 =	sshrl.u32 s13, $0x3;
	s13 =	simm.s32 $0x2800  }
.LBB2_1:
0x12: {  	[spmem:s12], [sflag:s7] =	dma.local [hbm:s5], $0x13C0  }
0x13: {  	[tilespmem:s4], [sflag:$0x1] =	stream.linear.gather [hbm4b:s8+s4], $0x2800, $0x38;
	[tilespmem:$0x1EE00] =	vst v63  }
0x14: {  	_ = 	snop  }
0x15: {  	[tilespmem:s13], [sflag:$0x1] =	stream.linear.gather [hbm4b:s9+s4], $0x2800, $0x38;
	[tilespmem:$0x1EE00] =	vst v63  }
0x16: {  	_ =	swait.ge [sflag:s14], $0x13C0  }
0x17: {  	[sflag:s14] =	ssyncset.done $0x0  }
0x18: {  	[sflag:s14] =	ssyncadd.s32 $0xFFFFEC40  }
0x19: {  	_ =	swait.ge [sflag:s14], $0x2800  }
0x1a: {  	[sflag:s14] =	ssyncset.done $0x0  }
0x1b: {  	[sflag:s14] =	ssyncadd.s32 $0xFFFFD800  }
0x1c: {  	_ =	swait.ge [sflag:s14], $0x2800  }
0x1d: {  	p0 =	por $0x1, $0x1;
	[sflag:s14] =	ssyncset.done $0x0  }
0x1e: {  	p0 =	por p0, p0;
	[sflag:s14] =	ssyncadd.s32 $0xFFFFD800  }
0x1f: {  	s29 =	simm.s32 @!p0 $0x2;
	[bflag:$0x0] =	sbarrier.arrive $0xFFFF  }
0x20: {  	_ =	swait.ge @!p0 [sflag:s29], $0x2000  }
0x21: {  	[sflag:s29] =	ssyncset.done @!p0 $0x0  }
0x22: {  	[sflag:s29] =	ssyncadd.s32 @!p0 $0xFFFFE000  }
0x23: {  	_ =	swait.ge @!p0 [sflag:s29], $0x2000  }
0x24: {  	[sflag:s29] =	ssyncset.done @!p0 $0x0  }
0x25: {  	[sflag:s29] =	ssyncadd.s32 @!p0 $0xFFFFE000  }
0x26: {  	_ =	swait.ge @!p0 [sflag:s29], $0x2000  }
0x27: {  	[sflag:s29] =	ssyncset.done @!p0 $0x0  }
0x28: {  	[sflag:s29] =	ssyncadd.s32 @!p0 $0xFFFFE000  }
0x29: {  	_ =	swait.ge @!p0 [sflag:s29], $0x2000  }
0x2a: {  	[sflag:s29] =	ssyncset.done @!p0 $0x0  }
0x2b: {  	[sflag:s29] =	ssyncadd.s32 @!p0 $0xFFFFE000;
	s29 =	simm.s32 $0x0  }
0x2c: {  	[tilespmem:s16], [sflag:$0x1] =	stream.indirect.gather [hbm4b:s2+s15], $0x40, s29, s15, $0xb8;
	[tilespmem:$0x1EE00] =	vst v63  }
0x2d: {  	s29 =	simm.s32 $0x80  }
0x2e: {  	[tilespmem:s17], [sflag:$0x1] =	stream.indirect.gather [hbm4b:s2+s15], $0x40, s29, s15, $0xb8;
	[tilespmem:$0x1EE00] =	vst v63  }
0x2f: {  	s29 =	simm.s32 $0x100  }
0x30: {  	[tilespmem:s18], [sflag:$0x1] =	stream.indirect.gather [hbm4b:s2+s15], $0x40, s29, s15, $0xb8;
	[tilespmem:$0x1EE00] =	vst v63  }
0x31: {  	s29 =	simm.s32 $0x180  }
0x32: {  	[tilespmem:s19], [sflag:$0x1] =	stream.indirect.gather [hbm4b:s2+s15], $0x40, s29, s15, $0xb8;
	[tilespmem:$0x1EE00] =	vst v63  }
0x33: {  	_ =	swait.ge [sflag:s14], $0x2000  }
0x34: {  	[sflag:s14] =	ssyncset.done $0x0  }
0x35: {  	[sflag:s14] =	ssyncadd.s32 $0xFFFFE000  }
0x36: {  	_ =	swait.ge [sflag:s14], $0x2000  }
0x37: {  	[sflag:s14] =	ssyncset.done $0x0  }
0x38: {  	[sflag:s14] =	ssyncadd.s32 $0xFFFFE000  }
0x39: {  	_ =	swait.ge [sflag:s14], $0x2000  }
0x3a: {  	[sflag:s14] =	ssyncset.done $0x0  }
0x3b: {  	[sflag:s14] =	ssyncadd.s32 $0xFFFFE000  }
0x3c: {  	_ =	swait.ge [sflag:s14], $0x2000  }
0x3d: {  	[sflag:s14] =	ssyncset.done $0x0  }
0x3e: {  	s29 =	simm.s32 $0x2800;
	[sflag:s14] =	ssyncadd.s32 $0xFFFFE000  }
0x3f: {  	[spmem:s3] =	stream.indirect.scatter.add.f32 [tilespmem:s16], [sflag:$0x2], $0x40, s29, s15, $0xb8;
	[tilespmem:$0x1EE00] =	vst v63  }
0x40: {  	s29 =	simm.s32 $0x2880  }
0x41: {  	[spmem:s3] =	stream.indirect.scatter.add.f32 [tilespmem:s17], [sflag:$0x2], $0x40, s29, s15, $0xb8;
	[tilespmem:$0x1EE00] =	vst v63  }
0x42: {  	s29 =	simm.s32 $0x2900  }
0x43: {  	[spmem:s3] =	stream.indirect.scatter.add.f32 [tilespmem:s18], [sflag:$0x2], $0x40, s29, s15, $0xb8;
	[tilespmem:$0x1EE00] =	vst v63  }
0x44: {  	s30 =	simm.s32 @!p0 $0x3;
	s29 =	simm.s32 $0x2980  }
0x45: {  	[spmem:s3] =	stream.indirect.scatter.add.f32 [tilespmem:s19], [sflag:$0x2], $0x40, s29, s15, $0xb8;
	[tilespmem:$0x1EE00] =	vst v63  }
0x46: {  	_ =	swait.ge @!p0 [sflag:s30], $0x2000  }
0x47: {  	[sflag:s30] =	ssyncset.done @!p0 $0x0  }
0x48: {  	[sflag:s30] =	ssyncadd.s32 @!p0 $0xFFFFE000  }
0x49: {  	_ =	swait.ge @!p0 [sflag:s30], $0x2000  }
0x4a: {  	[sflag:s30] =	ssyncset.done @!p0 $0x0  }
0x4b: {  	[sflag:s30] =	ssyncadd.s32 @!p0 $0xFFFFE000  }
0x4c: {  	_ =	swait.ge @!p0 [sflag:s30], $0x2000  }
0x4d: {  	[sflag:s30] =	ssyncset.done @!p0 $0x0  }
0x4e: {  	[sflag:s30] =	ssyncadd.s32 @!p0 $0xFFFFE000  }
0x4f: {  	_ =	swait.ge @!p0 [sflag:s30], $0x2000  }
0x50: {  	[sflag:s30] =	ssyncset.done @!p0 $0x0  }
0x51: {  	s29 =	simm.s32 $0x200;
	[sflag:s30] =	ssyncadd.s32 @!p0 $0xFFFFE000  }
0x52: {  	[tilespmem:s20], [sflag:$0x1] =	stream.indirect.gather [hbm4b:s2+s15], $0x40, s29, s15, $0xb8;
	[tilespmem:$0x1EE00] =	vst v63  }
0x53: {  	s29 =	simm.s32 $0x280  }
0x54: {  	[tilespmem:s21], [sflag:$0x1] =	stream.indirect.gather [hbm4b:s2+s15], $0x40, s29, s15, $0xb8;
	[tilespmem:$0x1EE00] =	vst v63  }
0x55: {  	s29 =	simm.s32 $0x300  }
0x56: {  	[tilespmem:s22], [sflag:$0x1] =	stream.indirect.gather [hbm4b:s2+s15], $0x40, s29, s15, $0xb8;
	[tilespmem:$0x1EE00] =	vst v63  }
0x57: {  	s29 =	simm.s32 $0x380  }
0x58: {  	[tilespmem:s23], [sflag:$0x1] =	stream.indirect.gather [hbm4b:s2+s15], $0x40, s29, s15, $0xb8;
	[tilespmem:$0x1EE00] =	vst v63  }
0x59: {  	_ =	swait.ge [sflag:s14], $0x2000  }
0x5a: {  	[sflag:s14] =	ssyncset.done $0x0  }
0x5b: {  	[sflag:s14] =	ssyncadd.s32 $0xFFFFE000  }
0x5c: {  	_ =	swait.ge [sflag:s14], $0x2000  }
0x5d: {  	[sflag:s14] =	ssyncset.done $0x0  }
0x5e: {  	[sflag:s14] =	ssyncadd.s32 $0xFFFFE000  }
0x5f: {  	_ =	swait.ge [sflag:s14], $0x2000  }
0x60: {  	[sflag:s14] =	ssyncset.done $0x0  }
0x61: {  	[sflag:s14] =	ssyncadd.s32 $0xFFFFE000  }
0x62: {  	_ =	swait.ge [sflag:s14], $0x2000  }
0x63: {  	[sflag:s14] =	ssyncset.done $0x0  }
0x64: {  	s29 =	simm.s32 $0x2A00;
	[sflag:s14] =	ssyncadd.s32 $0xFFFFE000  }
0x65: {  	[spmem:s3] =	stream.indirect.scatter.add.f32 [tilespmem:s20], [sflag:$0x3], $0x40, s29, s15, $0xb8;
	[tilespmem:$0x1EE00] =	vst v63  }
0x66: {  	s29 =	simm.s32 $0x2A80  }
0x67: {  	[spmem:s3] =	stream.indirect.scatter.add.f32 [tilespmem:s21], [sflag:$0x3], $0x40, s29, s15, $0xb8;
	[tilespmem:$0x1EE00] =	vst v63  }
0x68: {  	p6 =	por $0x0, $0x0;
	s31 =	simm.s32 $0x2B80;
	s29 =	simm.s32 $0x2B00  }
0x69: {  	[spmem:s3] =	stream.indirect.scatter.add.f32 [tilespmem:s22], [sflag:$0x3], $0x40, s29, s15, $0xb8;
	[tilespmem:$0x1EE00] =	vst v63  }
0x6a: {  	s30 =	simm.s32 $0x2000;
	p0 =	por p6, p6;
	s29 =	simm.s32 $0x1000  }
.LBB2_2:
0x6b: {  	[spmem:s3] =	stream.indirect.scatter.add.f32 [tilespmem:s23], [sflag:$0x3], $0x40, s31, s15, $0xb8;
	[tilespmem:$0x1EE00] =	vst v63  }
0x6c: {  	s0 =	smov.u32 s30  }
0x6d: {  	s30 =	sadd.s32 $0x1000, s30;
	s31 =	simm.s32 @!p0 $0x2;
	p2 =	seq.s32 s0, $0x0  }
0x6e: {  	p1 =	sne.s32 s30, $0xA000;
	_ =	swait.ge @!p0 [sflag:s31], $0x2000  }
0x6f: {  	[sflag:s31] =	ssyncset.done @!p0 $0x0  }
0x70: {  	[sflag:s31] =	ssyncadd.s32 @!p0 $0xFFFFE000  }
0x71: {  	_ =	swait.ge @!p0 [sflag:s31], $0x2000  }
0x72: {  	[sflag:s31] =	ssyncset.done @!p0 $0x0  }
0x73: {  	[sflag:s31] =	ssyncadd.s32 @!p0 $0xFFFFE000  }
0x74: {  	_ =	swait.ge @!p0 [sflag:s31], $0x2000  }
0x75: {  	[sflag:s31] =	ssyncset.done @!p0 $0x0  }
0x76: {  	[sflag:s31] =	ssyncadd.s32 @!p0 $0xFFFFE000  }
0x77: {  	_ =	swait.ge @!p0 [sflag:s31], $0x2000  }
0x78: {  	[sflag:s31] =	ssyncset.done @!p0 $0x0  }
0x79: {  	[sflag:s31] =	ssyncadd.s32 @!p0 $0xFFFFE000;
	s31 =	sshra.s32 s29, $0x2;
	s29 =	smov.u32 s0  }
0x7a: {  	[tilespmem:s16], [sflag:$0x1] =	stream.indirect.gather [hbm4b:s2+s15], $0x40, s31, s15, $0xb8;
	[tilespmem:$0x1EE00] =	vst v63  }
0x7b: {  	s0 =	sadd.s32 $0x80, s31  }
0x7c: {  	[tilespmem:s17], [sflag:$0x1] =	stream.indirect.gather [hbm4b:s2+s15], $0x40, s0, s15, $0xb8;
	[tilespmem:$0x1EE00] =	vst v63  }
0x7d: {  	s0 =	sadd.s32 $0x100, s31  }
0x7e: {  	[tilespmem:s18], [sflag:$0x1] =	stream.indirect.gather [hbm4b:s2+s15], $0x40, s0, s15, $0xb8;
	[tilespmem:$0x1EE00] =	vst v63  }
0x7f: {  	s0 =	sadd.s32 $0x180, s31  }
0x80: {  	[tilespmem:s19], [sflag:$0x1] =	stream.indirect.gather [hbm4b:s2+s15], $0x40, s0, s15, $0xb8;
	[tilespmem:$0x1EE00] =	vst v63  }
0x81: {  	_ =	swait.ge [sflag:s14], $0x2000  }
0x82: {  	[sflag:s14] =	ssyncset.done $0x0  }
0x83: {  	[sflag:s14] =	ssyncadd.s32 $0xFFFFE000  }
0x84: {  	_ =	swait.ge [sflag:s14], $0x2000  }
0x85: {  	[sflag:s14] =	ssyncset.done $0x0  }
0x86: {  	[sflag:s14] =	ssyncadd.s32 $0xFFFFE000  }
0x87: {  	_ =	swait.ge [sflag:s14], $0x2000  }
0x88: {  	[sflag:s14] =	ssyncset.done $0x0  }
0x89: {  	[sflag:s14] =	ssyncadd.s32 $0xFFFFE000  }
0x8a: {  	_ =	swait.ge [sflag:s14], $0x2000  }
0x8b: {  	[sflag:s14] =	ssyncset.done $0x0  }
0x8c: {  	s0 =	sadd.s32 $0x2800, s31;
	[sflag:s14] =	ssyncadd.s32 $0xFFFFE000  }
0x8d: {  	[spmem:s3] =	stream.indirect.scatter.add.f32 [tilespmem:s16], [sflag:$0x2], $0x40, s0, s15, $0xb8;
	[tilespmem:$0x1EE00] =	vst v63  }
0x8e: {  	s0 =	sadd.s32 $0x2880, s31  }
0x8f: {  	[spmem:s3] =	stream.indirect.scatter.add.f32 [tilespmem:s17], [sflag:$0x2], $0x40, s0, s15, $0xb8;
	[tilespmem:$0x1EE00] =	vst v63  }
0x90: {  	s0 =	sadd.s32 $0x2900, s31  }
0x91: {  	[spmem:s3] =	stream.indirect.scatter.add.f32 [tilespmem:s18], [sflag:$0x2], $0x40, s0, s15, $0xb8;
	[tilespmem:$0x1EE00] =	vst v63  }
0x92: {  	s1 =	simm.s32 @!p0 $0x3;
	s0 =	sadd.s32 $0x2980, s31  }
0x93: {  	[spmem:s3] =	stream.indirect.scatter.add.f32 [tilespmem:s19], [sflag:$0x2], $0x40, s0, s15, $0xb8;
	[tilespmem:$0x1EE00] =	vst v63  }
0x94: {  	_ =	swait.ge @!p0 [sflag:s1], $0x2000  }
0x95: {  	[sflag:s1] =	ssyncset.done @!p0 $0x0  }
0x96: {  	[sflag:s1] =	ssyncadd.s32 @!p0 $0xFFFFE000  }
0x97: {  	_ =	swait.ge @!p0 [sflag:s1], $0x2000  }
0x98: {  	[sflag:s1] =	ssyncset.done @!p0 $0x0  }
0x99: {  	[sflag:s1] =	ssyncadd.s32 @!p0 $0xFFFFE000  }
0x9a: {  	_ =	swait.ge @!p0 [sflag:s1], $0x2000  }
0x9b: {  	[sflag:s1] =	ssyncset.done @!p0 $0x0  }
0x9c: {  	[sflag:s1] =	ssyncadd.s32 @!p0 $0xFFFFE000  }
0x9d: {  	_ =	swait.ge @!p0 [sflag:s1], $0x2000  }
0x9e: {  	[sflag:s1] =	ssyncset.done @!p0 $0x0  }
0x9f: {  	s0 =	sadd.s32 $0x200, s31;
	[sflag:s1] =	ssyncadd.s32 @!p0 $0xFFFFE000;
	p0 =	por p2, p2  }
0xa0: {  	[tilespmem:s20], [sflag:$0x1] =	stream.indirect.gather [hbm4b:s2+s15], $0x40, s0, s15, $0xb8;
	[tilespmem:$0x1EE00] =	vst v63  }
0xa1: {  	s0 =	sadd.s32 $0x280, s31  }
0xa2: {  	[tilespmem:s21], [sflag:$0x1] =	stream.indirect.gather [hbm4b:s2+s15], $0x40, s0, s15, $0xb8;
	[tilespmem:$0x1EE00] =	vst v63  }
0xa3: {  	s0 =	sadd.s32 $0x300, s31  }
0xa4: {  	[tilespmem:s22], [sflag:$0x1] =	stream.indirect.gather [hbm4b:s2+s15], $0x40, s0, s15, $0xb8;
	[tilespmem:$0x1EE00] =	vst v63  }
0xa5: {  	s0 =	sadd.s32 $0x380, s31  }
0xa6: {  	[tilespmem:s23], [sflag:$0x1] =	stream.indirect.gather [hbm4b:s2+s15], $0x40, s0, s15, $0xb8;
	[tilespmem:$0x1EE00] =	vst v63  }
0xa7: {  	_ =	swait.ge [sflag:s14], $0x2000  }
0xa8: {  	[sflag:s14] =	ssyncset.done $0x0  }
0xa9: {  	[sflag:s14] =	ssyncadd.s32 $0xFFFFE000  }
0xaa: {  	_ =	swait.ge [sflag:s14], $0x2000  }
0xab: {  	[sflag:s14] =	ssyncset.done $0x0  }
0xac: {  	[sflag:s14] =	ssyncadd.s32 $0xFFFFE000  }
0xad: {  	_ =	swait.ge [sflag:s14], $0x2000  }
0xae: {  	[sflag:s14] =	ssyncset.done $0x0  }
0xaf: {  	[sflag:s14] =	ssyncadd.s32 $0xFFFFE000  }
0xb0: {  	_ =	swait.ge [sflag:s14], $0x2000  }
0xb1: {  	[sflag:s14] =	ssyncset.done $0x0  }
0xb2: {  	s0 =	sadd.s32 $0x2A00, s31;
	[sflag:s14] =	ssyncadd.s32 $0xFFFFE000  }
0xb3: {  	[spmem:s3] =	stream.indirect.scatter.add.f32 [tilespmem:s20], [sflag:$0x3], $0x40, s0, s15, $0xb8;
	[tilespmem:$0x1EE00] =	vst v63  }
.Ltmp0:
0xb4: {  	s0 =	sadd.s32 $0x2A80, s31;
	(pc) =	sbr.rel @p1 .LBB2_2-.Ltmp0, $4  }
0xb5: {  	[spmem:s3] =	stream.indirect.scatter.add.f32 [tilespmem:s21], [sflag:$0x3], $0x40, s0, s15, $0xb8;
	[tilespmem:$0x1EE00] =	vst v63  }
0xb6: {  	s0 =	sadd.s32 $0x2B00, s31  }
0xb7: {  	[spmem:s3] =	stream.indirect.scatter.add.f32 [tilespmem:s22], [sflag:$0x3], $0x40, s0, s15, $0xb8;
	[tilespmem:$0x1EE00] =	vst v63  }
0xb8: {  	s31 =	sadd.s32 $0x2B80, s31  }
0xb9: {  	[spmem:s3] =	stream.indirect.scatter.add.f32 [tilespmem:s23], [sflag:$0x3], $0x40, s31, s15, $0xb8;
	[tilespmem:$0x1EE00] =	vst v63  }
0xba: {  	s0 =	simm.s32 @!p0 $0x2  }
0xbb: {  	_ =	swait.ge @!p0 [sflag:s0], $0x2000  }
0xbc: {  	[sflag:s0] =	ssyncset.done @!p0 $0x0  }
0xbd: {  	[sflag:s0] =	ssyncadd.s32 @!p0 $0xFFFFE000  }
0xbe: {  	_ =	swait.ge @!p0 [sflag:s0], $0x2000  }
0xbf: {  	[sflag:s0] =	ssyncset.done @!p0 $0x0  }
0xc0: {  	[sflag:s0] =	ssyncadd.s32 @!p0 $0xFFFFE000  }
0xc1: {  	_ =	swait.ge @!p0 [sflag:s0], $0x2000  }
0xc2: {  	[sflag:s0] =	ssyncset.done @!p0 $0x0  }
0xc3: {  	[sflag:s0] =	ssyncadd.s32 @!p0 $0xFFFFE000  }
0xc4: {  	_ =	swait.ge @!p0 [sflag:s0], $0x2000  }
0xc5: {  	[sflag:s0] =	ssyncset.done @!p0 $0x0  }
0xc6: {  	s29 =	sshra.s32 s29, $0x2;
	[sflag:s0] =	ssyncadd.s32 @!p0 $0xFFFFE000  }
0xc7: {  	[tilespmem:s16], [sflag:$0x1] =	stream.indirect.gather [hbm4b:s2+s15], $0x40, s29, s15, $0xb8;
	[tilespmem:$0x1EE00] =	vst v63  }
0xc8: {  	s31 =	sadd.s32 $0x80, s29  }
0xc9: {  	[tilespmem:s17], [sflag:$0x1] =	stream.indirect.gather [hbm4b:s2+s15], $0x40, s31, s15, $0xb8;
	[tilespmem:$0x1EE00] =	vst v63  }
0xca: {  	s1 =	sadd.s32 $0x100, s29  }
0xcb: {  	[tilespmem:s18], [sflag:$0x1] =	stream.indirect.gather [hbm4b:s2+s15], $0x40, s1, s15, $0xb8;
	[tilespmem:$0x1EE00] =	vst v63  }
0xcc: {  	s30 =	sadd.s32 $0x180, s29  }
0xcd: {  	[tilespmem:s19], [sflag:$0x1] =	stream.indirect.gather [hbm4b:s2+s15], $0x40, s30, s15, $0xb8;
	[tilespmem:$0x1EE00] =	vst v63  }
0xce: {  	_ =	swait.ge [sflag:s14], $0x2000  }
0xcf: {  	[sflag:s14] =	ssyncset.done $0x0  }
0xd0: {  	[sflag:s14] =	ssyncadd.s32 $0xFFFFE000  }
0xd1: {  	_ =	swait.ge [sflag:s14], $0x2000  }
0xd2: {  	[sflag:s14] =	ssyncset.done $0x0  }
0xd3: {  	[sflag:s14] =	ssyncadd.s32 $0xFFFFE000  }
0xd4: {  	_ =	swait.ge [sflag:s14], $0x2000  }
0xd5: {  	[sflag:s14] =	ssyncset.done $0x0  }
0xd6: {  	[sflag:s14] =	ssyncadd.s32 $0xFFFFE000  }
0xd7: {  	_ =	swait.ge [sflag:s14], $0x2000  }
0xd8: {  	[sflag:s14] =	ssyncset.done $0x0  }
0xd9: {  	s31 =	sadd.s32 $0x2800, s29;
	[sflag:s14] =	ssyncadd.s32 $0xFFFFE000  }
0xda: {  	[spmem:s3] =	stream.indirect.scatter.add.f32 [tilespmem:s16], [sflag:$0x2], $0x40, s31, s15, $0xb8;
	[tilespmem:$0x1EE00] =	vst v63  }
0xdb: {  	s1 =	sadd.s32 $0x2880, s29  }
0xdc: {  	[spmem:s3] =	stream.indirect.scatter.add.f32 [tilespmem:s17], [sflag:$0x2], $0x40, s1, s15, $0xb8;
	[tilespmem:$0x1EE00] =	vst v63  }
0xdd: {  	s30 =	sadd.s32 $0x2900, s29  }
0xde: {  	[spmem:s3] =	stream.indirect.scatter.add.f32 [tilespmem:s18], [sflag:$0x2], $0x40, s30, s15, $0xb8;
	[tilespmem:$0x1EE00] =	vst v63  }
0xdf: {  	s31 =	sadd.s32 $0x2980, s29;
	s1 =	simm.s32 @!p0 $0x3  }
0xe0: {  	[spmem:s3] =	stream.indirect.scatter.add.f32 [tilespmem:s19], [sflag:$0x2], $0x40, s31, s15, $0xb8;
	[tilespmem:$0x1EE00] =	vst v63  }
0xe1: {  	_ =	swait.ge @!p0 [sflag:s1], $0x2000  }
0xe2: {  	[sflag:s1] =	ssyncset.done @!p0 $0x0  }
0xe3: {  	[sflag:s1] =	ssyncadd.s32 @!p0 $0xFFFFE000  }
0xe4: {  	_ =	swait.ge @!p0 [sflag:s1], $0x2000  }
0xe5: {  	[sflag:s1] =	ssyncset.done @!p0 $0x0  }
0xe6: {  	[sflag:s1] =	ssyncadd.s32 @!p0 $0xFFFFE000  }
0xe7: {  	_ =	swait.ge @!p0 [sflag:s1], $0x2000  }
0xe8: {  	[sflag:s1] =	ssyncset.done @!p0 $0x0  }
0xe9: {  	[sflag:s1] =	ssyncadd.s32 @!p0 $0xFFFFE000  }
0xea: {  	_ =	swait.ge @!p0 [sflag:s1], $0x2000  }
0xeb: {  	[sflag:s1] =	ssyncset.done @!p0 $0x0  }
0xec: {  	[sflag:s1] =	ssyncadd.s32 @!p0 $0xFFFFE000;
	s1 =	sadd.s32 $0x200, s29  }
0xed: {  	[tilespmem:s20], [sflag:$0x1] =	stream.indirect.gather [hbm4b:s2+s15], $0x40, s1, s15, $0xb8;
	[tilespmem:$0x1EE00] =	vst v63  }
0xee: {  	s30 =	sadd.s32 $0x280, s29  }
0xef: {  	[tilespmem:s21], [sflag:$0x1] =	stream.indirect.gather [hbm4b:s2+s15], $0x40, s30, s15, $0xb8;
	[tilespmem:$0x1EE00] =	vst v63  }
0xf0: {  	s31 =	sadd.s32 $0x300, s29  }
0xf1: {  	[tilespmem:s22], [sflag:$0x1] =	stream.indirect.gather [hbm4b:s2+s15], $0x40, s31, s15, $0xb8;
	[tilespmem:$0x1EE00] =	vst v63  }
0xf2: {  	s1 =	sadd.s32 $0x380, s29  }
0xf3: {  	[tilespmem:s23], [sflag:$0x1] =	stream.indirect.gather [hbm4b:s2+s15], $0x40, s1, s15, $0xb8;
	[tilespmem:$0x1EE00] =	vst v63  }
0xf4: {  	_ =	swait.ge [sflag:s14], $0x2000  }
0xf5: {  	[sflag:s14] =	ssyncset.done $0x0  }
0xf6: {  	[sflag:s14] =	ssyncadd.s32 $0xFFFFE000  }
0xf7: {  	_ =	swait.ge [sflag:s14], $0x2000  }
0xf8: {  	[sflag:s14] =	ssyncset.done $0x0  }
0xf9: {  	[sflag:s14] =	ssyncadd.s32 $0xFFFFE000  }
0xfa: {  	_ =	swait.ge [sflag:s14], $0x2000  }
0xfb: {  	[sflag:s14] =	ssyncset.done $0x0  }
0xfc: {  	[sflag:s14] =	ssyncadd.s32 $0xFFFFE000  }
0xfd: {  	_ =	swait.ge [sflag:s14], $0x2000  }
0xfe: {  	[sflag:s14] =	ssyncset.done $0x0  }
0xff: {  	s30 =	sadd.s32 $0x2A00, s29;
	[sflag:s14] =	ssyncadd.s32 $0xFFFFE000  }
0x100: {  	[spmem:s3] =	stream.indirect.scatter.add.f32 [tilespmem:s20], [sflag:$0x3], $0x40, s30, s15, $0xb8;
	[tilespmem:$0x1EE00] =	vst v63  }
0x101: {  	s31 =	sadd.s32 $0x2A80, s29  }
0x102: {  	[spmem:s3] =	stream.indirect.scatter.add.f32 [tilespmem:s21], [sflag:$0x3], $0x40, s31, s15, $0xb8;
	[tilespmem:$0x1EE00] =	vst v63  }
0x103: {  	s1 =	sadd.s32 $0x2B00, s29  }
0x104: {  	[spmem:s3] =	stream.indirect.scatter.add.f32 [tilespmem:s22], [sflag:$0x3], $0x40, s1, s15, $0xb8;
	[tilespmem:$0x1EE00] =	vst v63  }
0x105: {  	s30 =	sadd.s32 $0x2B80, s29  }
0x106: {  	[spmem:s3] =	stream.indirect.scatter.add.f32 [tilespmem:s23], [sflag:$0x3], $0x40, s30, s15, $0xb8;
	[tilespmem:$0x1EE00] =	vst v63  }
0x107: {  	_ =	swait.ge [sflag:s24], $0x2000  }
0x108: {  	[sflag:s24] =	ssyncset.done $0x0  }
0x109: {  	[sflag:s24] =	ssyncadd.s32 $0xFFFFE000  }
0x10a: {  	_ =	swait.ge [sflag:s24], $0x2000  }
0x10b: {  	[sflag:s24] =	ssyncset.done $0x0  }
0x10c: {  	[sflag:s24] =	ssyncadd.s32 $0xFFFFE000  }
0x10d: {  	_ =	swait.ge [sflag:s24], $0x2000  }
0x10e: {  	[sflag:s24] =	ssyncset.done $0x0  }
0x10f: {  	[sflag:s24] =	ssyncadd.s32 $0xFFFFE000  }
0x110: {  	_ =	swait.ge [sflag:s24], $0x2000  }
0x111: {  	[sflag:s24] =	ssyncset.done $0x0  }
0x112: {  	[sflag:s24] =	ssyncadd.s32 $0xFFFFE000  }
0x113: {  	_ =	swait.ge [sflag:s25], $0x2000  }
0x114: {  	[sflag:s25] =	ssyncset.done $0x0  }
0x115: {  	[sflag:s25] =	ssyncadd.s32 $0xFFFFE000  }
0x116: {  	_ =	swait.ge [sflag:s25], $0x2000  }
0x117: {  	[sflag:s25] =	ssyncset.done $0x0  }
0x118: {  	[sflag:s25] =	ssyncadd.s32 $0xFFFFE000  }
0x119: {  	_ =	swait.ge [sflag:s25], $0x2000  }
0x11a: {  	[sflag:s25] =	ssyncset.done $0x0  }
0x11b: {  	[sflag:s25] =	ssyncadd.s32 $0xFFFFE000  }
0x11c: {  	_ =	swait.ge [sflag:s25], $0x2000  }
0x11d: {  	s28 =	sadd.s32 $0x1, s28;
	[sflag:s25] =	ssyncset.done $0x0  }
0x11e: {  	p0 =	sne.s32 s28, s11;
	[sflag:s25] =	ssyncadd.s32 $0xFFFFE000  }
.Ltmp1:
0x11f: {  	s31 =	sor.u32 $0x1C04, s6;
	[bflag:$0x0] =	sbarrier.arrive $0xFFFF;
	(pc) =	sbr.rel @p0 .LBB2_1-.Ltmp1, $4  }
0x120: {  	[hbm:s10], [sflag:s31] =	dma.local [spmem:s12], $0x13C0  }
0x121: {  	_ =	swait.ge [sflag:s26], $0x13C0  }
0x122: {  	[sflag:s26] =	ssyncset.done $0x0  }
0x123: {  	[sflag:s26] =	ssyncadd.s32 $0xFFFFEC40  }
0x124: {  	_ =	sfence.sel $0x180000  }
0x125: {  	[bflag:$0x0] =	sbarrier.arrive $0xFFFF  }
0x126: {  	_ =	strace $0x9000004A  }
0x127: {  	s0 =	stileid.u32;
	[bflag:$0x2] =	sbarrier.arrive $0xFFFF  }
0x128: {  	p0 =	sne.s32 s0, $0x0;
	s0 =	rddreg [dreg:$0x3]  }
0x129: {  	s0 =	sadd.s32 @!p0 $0x100000, s0  }
0x12a: {  	[sflag:s0] =	ssyncadd.tile.s32 @!p0 $0x1;
	_ =	shalt  }
.Lfunc_end2:
_tile_overlayer_lowered:
.L_overlay_start_2:
0x12b: {  	(tag) =	ssettag $0x2  }
0x12c: {  	s0 =	rddreg [dreg:$0x0];
	s2 =	stileid.u32  }
0x12d: {  	s1 =	rddreg [dreg:$0x1];
	p0 =	sne.s32 s2, $0x0  }
0x12e: {  	s3 =	rddreg [dreg:$0x2];
	[bflag:$0x3] =	sbarrier.arrive $0xFFFF;
	s2 =	simm.s32 @!p0 $0x1C04  }
0x12f: {  	[timem:s3], [sflag:s2] =	dma.local @!p0 [hbm:s0], s1  }
0x130: {  	s0 =	simm.s32 @!p0 $0x4  }
0x131: {  	_ =	swait.ge @!p0 [sflag:s0], s1  }
0x132: {  	s1 =	ssub.s32 @!p0 $0x0, s1;
	[sflag:s0] =	ssyncset.done @!p0 $0x0  }
0x133: {  	[sflag:s0] =	ssyncadd.s32 @!p0 s1  }
0x134: {  	[bflag:$0x3] =	sbarrier.arrive $0xFFFF  }
0x135: {  	_ =	shalt  }

// kernel: kernel.14.cloned.1.call-start
scs
__scs_entry_jumppad:
0x0: {  	(pc) =	sbr.rel $0x88, $3  }
0x1: {  	(tag) =	ssettag $0x0;
	lr =	simm.s32 $0x1  }
0x2: {  	[smem:$0x3F9B] =	sst lr;
	_ =	strace $0xD0000000  }
0x3: {  	_ = 	snop  }
0x4: {  	_ = 	snop  }
0x5: {  	_ = 	snop  }
0x6: {  	_ = 	snop  }
0x7: {  	_ = 	snop  }
__scs_overlays_trampoline_lowered:
0x8: {  	[smem:$0x3FAA] =	sst s0  }
0x9: {  	[smem:$0x3FAB] =	sst s1  }
0xa: {  	[smem:$0x3FAC] =	sst s2  }
0xb: {  	[smem:$0x3FAD] =	sst s3  }
0xc: {  	[smem:$0x3FAE] =	sst s4  }
0xd: {  	[smem:$0x3FAF] =	sst s5  }
0xe: {  	[smem:$0x3FB0] =	sst s6  }
0xf: {  	[smem:$0x3FB1] =	sst s7  }
0x10: {  	[smem:$0x3FB2] =	sst s8  }
0x11: {  	[smem:$0x3FB3] =	sst s9;
	s0 =	simm.s32 @!p0 $0x0  }
0x12: {  	s1 =	sld [smem:$0x3F99];
	s0 =	simm.s32 @p0 $0x1  }
0x13: {  	[smem:$0x3FB4] =	sst s0;
	s0 =	simm.s32 @!p1 $0x0  }
0x14: {  	s2 =	sld [smem:$0x3F98];
	s0 =	simm.s32 @p1 $0x1  }
0x15: {  	[smem:$0x3FB5] =	sst s0;
	s0 =	simm.s32 @!p2 $0x0  }
0x16: {  	s3 =	sld [smem:$0x3FDB];
	s0 =	simm.s32 @p2 $0x1  }
0x17: {  	s4 =	simm.s32 $0x1BF5;
	[smem:$0x3FB7] =	sst s0  }
0x18: {  	s0 =	sld [smem:$0x3F9A];
	_ =	swait.ge [sflag:s4], $0x0  }
0x19: {  	s7 =	sld [smem:$0x3F9B]  }
0x1a: {  	s8 =	sadd.s32 $0xFFFFE003, lr  }
0x1b: {  	s9 =	sadd.s32 $0xFFFFFEF7, lr;
	s5 =	simm.s32 $0xFFFFFFFF;
	p2 =	slt.u32 s8, $0xFFFFF086  }
0x1c: {  	p1 =	slt.u32 s9, $0xF7A;
	s5 =	simm.s32 @!p2 $0x0  }
0x1d: {  	s5 =	simm.s32 @p1 $0x1;
	p0 =	seq.s32 s7, s2  }
0x1e: {  	s7 =	smul.u32 @!p0 $0xF7A, s2;
	p2 =	seq.s32 @!p0 s5, $0x0  }
0x1f: {  	s9 =	smul.u32 $0xF7A, s1;
	s8 =	simm.s32 @!p0 $0x1BF5;
	p2 =	por !p2, p0  }
0x20: {  	[sflag:s8] =	ssyncset.s32 @!p0 $0xFFFFF086;
	s6 =	sadd.s32 @!p0 s3, s7;
	s7 =	simm.s32 @!p0 $0x108  }
0x21: {  	s3 =	sadd.s32 s3, s9;
	s6 =	sadd.s32 @!p0 $0x88, s6;
	s7 =	simm.s32 @p2 $0x1082  }
0x22: {  	[simem:s7], [sflag:s8] =	dma.local @!p0 [hbm:s6], $0xF7A  }
0x23: {  	s9 =	sor.u32 $0xD0000000, s2;
	s6 =	simm.s32 $0x108;
	_ =	swait.ge @!p0 [sflag:s8], $0x0  }
0x24: {  	s3 =	sadd.s32 $0x88, s3;
	s6 =	simm.s32 @!p1 $0x1082;
	[sflag:s4] =	ssyncset.s32 $0xFFFFF086  }
0x25: {  	[simem:s6], [sflag:s4] =	dma.local [hbm:s3], $0xF7A  }
0x26: {  	[smem:$0x3F9B] =	sst s1;
	(tag) =	ssettag s2;
	_ =	strace s9  }
0x27: {  	s1 =	sld [smem:$0x3FAB]  }
0x28: {  	s2 =	sld [smem:$0x3FAC]  }
0x29: {  	s4 =	sld [smem:$0x3FAE]  }
0x2a: {  	p0 =	seq.s32 s5, $0x0;
	s5 =	sld [smem:$0x3FAF]  }
0x2b: {  	s6 =	sld [smem:$0x3FB0]  }
0x2c: {  	s7 =	sld [smem:$0x3FB1]  }
0x2d: {  	s3 =	simm.s32 $0x108;
	s8 =	sld [smem:$0x3FB2]  }
0x2e: {  	s3 =	simm.s32 @!p0 $0x1082;
	s9 =	sld [smem:$0x3FB3]  }
0x2f: {  	lr =	sadd.s32 s0, s3;
	s0 =	sld [smem:$0x3FAA]  }
0x30: {  	s3 =	sld [smem:$0x3FAD]  }
0x31: {  	[smem:$0x3FB6] =	sst s10  }
0x32: {  	s10 =	sld [smem:$0x3FB4];
	_ =	sdelay $0x3  }
0x33: {  	p0 =	seq.s32 s10, $0x1;
	s10 =	sld [smem:$0x3FB6];
	_ =	sdelay $0x3  }
0x34: {  	[smem:$0x3FB6] =	sst s10  }
0x35: {  	s10 =	sld [smem:$0x3FB5];
	_ =	sdelay $0x3  }
0x36: {  	p1 =	seq.s32 s10, $0x1;
	s10 =	sld [smem:$0x3FB6];
	_ =	sdelay $0x3  }
0x37: {  	[smem:$0x3FB6] =	sst s10  }
0x38: {  	s10 =	sld [smem:$0x3FB7]  }
0x39: {  	_ = 	snop;
	(pc) =	sbr.ind lr, $3  }
0x3a: {  	_ = 	snop  }
0x3b: {  	_ = 	snop  }
0x3c: {  	p2 =	seq.s32 s10, $0x1;
	s10 =	sld [smem:$0x3FB6]  }
0x3d: {  	_ =	shalt  }
0x3e: {  	_ =	shalt  }
0x3f: {  	_ =	shalt  }
0x40: {  	_ =	shalt  }
0x41: {  	_ =	shalt  }
0x42: {  	_ =	shalt  }
0x43: {  	_ =	shalt  }
0x44: {  	_ =	shalt  }
0x45: {  	_ =	shalt  }
0x46: {  	_ =	shalt  }
0x47: {  	_ =	shalt  }
0x48: {  	_ =	shalt  }
0x49: {  	_ =	shalt  }
0x4a: {  	_ =	shalt  }
0x4b: {  	_ =	shalt  }
0x4c: {  	_ =	shalt  }
0x4d: {  	_ =	shalt  }
0x4e: {  	_ =	shalt  }
0x4f: {  	_ =	shalt  }
0x50: {  	_ =	shalt  }
0x51: {  	_ =	shalt  }
0x52: {  	_ =	shalt  }
0x53: {  	_ =	shalt  }
0x54: {  	_ =	shalt  }
0x55: {  	_ =	shalt  }
0x56: {  	_ =	shalt  }
0x57: {  	_ =	shalt  }
0x58: {  	_ =	shalt  }
0x59: {  	_ =	shalt  }
0x5a: {  	_ =	shalt  }
0x5b: {  	_ =	shalt  }
0x5c: {  	_ =	shalt  }
0x5d: {  	_ =	shalt  }
0x5e: {  	_ =	shalt  }
0x5f: {  	_ =	shalt  }
0x60: {  	_ =	shalt  }
0x61: {  	_ =	shalt  }
0x62: {  	_ =	shalt  }
0x63: {  	_ =	shalt  }
0x64: {  	_ =	shalt  }
0x65: {  	_ =	shalt  }
0x66: {  	_ =	shalt  }
0x67: {  	_ =	shalt  }
0x68: {  	_ =	shalt  }
0x69: {  	_ =	shalt  }
0x6a: {  	_ =	shalt  }
0x6b: {  	_ =	shalt  }
0x6c: {  	_ =	shalt  }
0x6d: {  	_ =	shalt  }
0x6e: {  	_ =	shalt  }
0x6f: {  	_ =	shalt  }
0x70: {  	_ =	shalt  }
0x71: {  	_ =	shalt  }
0x72: {  	_ =	shalt  }
0x73: {  	_ =	shalt  }
0x74: {  	_ =	shalt  }
0x75: {  	_ =	shalt  }
0x76: {  	_ =	shalt  }
0x77: {  	_ =	shalt  }
0x78: {  	_ =	shalt  }
0x79: {  	_ =	shalt  }
0x7a: {  	_ =	shalt  }
0x7b: {  	_ =	shalt  }
0x7c: {  	_ =	shalt  }
0x7d: {  	_ =	shalt  }
0x7e: {  	_ =	shalt  }
0x7f: {  	_ =	shalt  }
0x80: {  	_ =	shalt  }
0x81: {  	_ =	shalt  }
0x82: {  	_ =	shalt  }
0x83: {  	_ =	shalt  }
0x84: {  	_ =	shalt  }
0x85: {  	_ =	shalt  }
0x86: {  	_ =	shalt  }
0x87: {  	_ =	shalt  }
.Lfunc_end0:
.L_simem_size_0:
called_computation.2_lowered:
.L_overlay_start_0:
0x88: {  	s2 =	sld [smem:$0x3FD9]  }
0x89: {  	s3 =	sld [smem:$0x3FFE];
	_ =	sdelay $0x1  }
0x8a: {  	s1 =	srdreg.scid  }
0x8b: {  	s0 =	sand.u32 $0x1, s1  }
0x8c: {  	s17 =	sshll.u32 s0, $0xA;
	s2 =	sadd.s32 s3, s2  }
0x8d: {  	s2 =	sadd.s32 s2, s17  }
0x8e: {  	[smem:$0x3FC2] =	sst s2  }
0x8f: {  	_ = 	snop  }
0x90: {  	s2 =	sld [smem:$0x3FD0];
	(tm) =	ssettm $0x1  }
0x91: {  	s18 =	sld [smem:$0x3FFB];
	_ =	sdelay $0x3  }
0x92: {  	_ =	strace s18  }
0x93: {  	s3 =	sld [smem:$0x3FFC];
	_ =	sdelay $0x3  }
0x94: {  	_ =	strace s3  }
0x95: {  	s3 =	sld [smem:$0x3FFD];
	_ =	sdelay $0x3  }
0x96: {  	_ =	strace s3  }
0x97: {  	_ =	strace $0x8FFFFFFF  }
0x98: {  	s19 =	sld [smem:$0x3FDB];
	_ =	sdelay $0x1  }
0x99: {  	s4 =	simm.s32 $_scs_section_size  }
0x9a: {  	s5 =	simm.s32 $_size__tile_overlayer_lowered;
	s6 =	simm.s32 $_tile_overlayer_lowered  }
0x9b: {  	s22 =	simm.s32 $0x1BFF;
	s21 =	sshll.u32 s6, $0x1;
	s3 =	sadd.s32 s4, s19  }
0x9c: {  	s7 =	simm.s32 $0x0;
	s20 =	sshll.u32 s5, $0x1;
	s5 =	sadd.s32 s21, s3  }
0x9d: {  	[timem:s7], [sflag:s22] =	dma.local [hbm:s5], s20  }
0x9e: {  	_ =	swait.ge [sflag:s22], s20  }
0x9f: {  	s4 =	ssub.s32 $0x0, s20;
	[sflag:s22] =	ssyncset.done $0x0  }
0xa0: {  	[sflag:s22] =	ssyncadd.s32 s4;
	_ =	sdelay $0x1  }
0xa1: {  	s23 =	simm.s32 $0x1B8B  }
0xa2: {  	_ =	swait.ge [sflag:s23], $0x1  }
0xa3: {  	[sflag:s23] =	ssyncset.done $0x0  }
0xa4: {  	s25 =	simm.s32 $0x1B8E;
	s24 =	sld [smem:$0x3FFE];
	[sflag:s23] =	ssyncadd.s32 $0xFFFFFFFF  }
0xa5: {  	s26 =	simm.s32 $execute0_lowered;
	[smem:$0x3FD2] =	sst s25  }
0xa6: {  	s5 =	sshll.u32 s26, $0x1;
	_ =	strace $0x8000004C;
	[dreg:$0x1] =	wrdreg $0xFFFFFFFF  }
0xa7: {  	s28 =	simm.s32 $_size_execute0_lowered;
	s3 =	sadd.s32 s3, s5;
	[dreg:$0x0] =	wrdreg $0x0  }
0xa8: {  	s5 =	sshll.u32 s28, $0x1;
	[dreg:$0x2] =	wrdreg s3  }
0xa9: {  	[dreg:$0x3] =	wrdreg s5  }
0xaa: {  	[dreg:$0x4] =	wrdreg $0xC0  }
0xab: {  	_ =	task [dreg:s7], $0x5FFFF  }
0xac: {  	[dreg:$0x1] =	wrdreg $0xFFFFFFFF  }
0xad: {  	[dreg:$0x0] =	wrdreg $0x60  }
0xae: {  	[dreg:$0x2] =	wrdreg s2  }
0xaf: {  	[dreg:$0x3] =	wrdreg s24  }
0xb0: {  	[dreg:$0x4] =	wrdreg $0x150000  }
0xb1: {  	[dreg:$0x5] =	wrdreg $0x9  }
0xb2: {  	_ =	task.clear_ibuf [dreg:s7], $0x6FFFF;
	_ =	strace $0x9000004C  }
0xb3: {  	s29 =	simm.s32 $0x9;
	_ =	strace $0x8000004E  }
0xb4: {  	_ =	swait.ge [sflag:s29], $0x1  }
0xb5: {  	[sflag:s29] =	ssyncadd.s32 $0xFFFFFFFF  }
0xb6: {  	_ =	strace $0x9000004E  }
0xb7: {  	_ =	sfence  }
0xb8: {  	s30 =	sld [smem:$0x0];
	_ =	sdelay $0x2  }
0xb9: {  	s31 =	sshll.u32 s1, $0xD;
	s1 =	sshrl.u32 s1, $0x2  }
0xba: {  	s3 =	sand.u32 $0x4000, s31;
	s1 =	sadd.s32 s1, s30  }
0xbb: {  	s0 =	sor.u32 s3, s0;
	s1 =	sshll.u32 s1, $0x11  }
0xbc: {  	s0 =	sor.u32 s1, s0  }
0xbd: {  	s0 =	sadd.s32 $0x8F2B, s0  }
0xbe: {  	[sflag:s0] =	ssyncadd.remote.s32 $0x1  }
0xbf: {  	_ =	sfence.sel $0xFFFF  }
0xc0: {  	[dreg:$0x0] =	wrdreg $0xFFFFFFFF;
	(pc) =	sbr.abs _section_cstart, $3  }
0xc1: {  	[dreg:$0x1] =	wrdreg $0xFFFFFFFF  }
0xc2: {  	_ =	task.clear_ibuf [dreg:s7], $0x2FFFF;
	_ =	strace $0x9FFFFFFF  }
0xc3: {  	(tm) =	ssettm $0x7FFFFFFF  }
tec
execute0_lowered:
.L_overlay_start_1:
0x0: {  	(tag) =	ssettag $0x1  }
0x1: {  	s2 =	rddreg [dreg:$0x0]  }
0x2: {  	s5 =	rddreg [dreg:$0x1]  }
0x3: {  	s0 =	srdreg.scid;
	s3 =	rddreg [dreg:$0x2]  }
0x4: {  	s1 =	stileid.u32;
	s4 =	simm.s32 $0x0;
	s14 =	simm.s32 $0x1  }
0x5: {  	s15 =	simm.s32 $0x80;
	s16 =	simm.s32 $0x5000;
	s17 =	simm.s32 $0x7000  }
0x6: {  	s18 =	simm.s32 $0x9000;
	s19 =	simm.s32 $0xB000;
	s20 =	simm.s32 $0xD000  }
0x7: {  	s21 =	simm.s32 $0xF000;
	s22 =	simm.s32 $0x11000;
	s23 =	simm.s32 $0x13000  }
0x8: {  	s24 =	simm.s32 $0x2;
	s25 =	simm.s32 $0x3;
	s26 =	simm.s32 $0x4  }
0x9: {  	s28 =	simm.s32 $0x0;
	s6 =	sand.u32 $0x1, s0;
	s8 =	smul.u32 $0x9E00, s1  }
0xa: {  	[smem:$0x7FF] =	sst s4;
	s7 =	sshll.u32 s6, $0x4;
	s9 =	smul.u32 $0x9E000, s6  }
0xb: {  	_ =	strace $0x8000004D;
	s6 =	ssub.s32 $0x2, s6;
	s7 =	sor.u32 s1, s7  }
0xc: {  	s30 =	sshrl.u32 s6, $0x1;
	s31 =	sshrl.u32 s8, $0x3;
	s7 =	smul.u32 $0x500, s7  }
0xd: {  	s13 =	sadd.s32 s8, s3;
	s9 =	sadd.s32 s8, s9;
	s12 =	ssub.s32 s6, s30  }
0xe: {  	s6 =	sshll.u32 s1, $0x6;
	s29 =	sshrl.u32 s9, $0x3;
	s10 =	sadd.s32 s7, s5  }
0xf: {  	s11 =	sadd.s32 s29, s5;
	s5 =	sadd.s32 s2, s31;
	s7 =	sor.u32 $0x1C01, s6  }
0x10: {  	s8 =	sadd.s32 $0xBC00, s10;
	s9 =	sadd.s32 $0x1C00, s10;
	s10 =	sadd.s32 $0x64C00, s11  }
0x11: {  	s11 =	smax.u32 s12, $0x1;
	s12 =	sshrl.u32 s13, $0x3;
	s13 =	simm.s32 $0x2800  }
.LBB2_1:
0x12: {  	[spmem:s12], [sflag:s7] =	dma.local [hbm:s5], $0x13C0  }
0x13: {  	[tilespmem:s4], [sflag:$0x1] =	stream.linear.gather [hbm4b:s8+s4], $0x2800, $0x38;
	[tilespmem:$0x1EE00] =	vst v63  }
0x14: {  	_ = 	snop  }
0x15: {  	[tilespmem:s13], [sflag:$0x1] =	stream.linear.gather [hbm4b:s9+s4], $0x2800, $0x38;
	[tilespmem:$0x1EE00] =	vst v63  }
0x16: {  	_ =	swait.ge [sflag:s14], $0x13C0  }
0x17: {  	[sflag:s14] =	ssyncset.done $0x0  }
0x18: {  	[sflag:s14] =	ssyncadd.s32 $0xFFFFEC40  }
0x19: {  	_ =	swait.ge [sflag:s14], $0x2800  }
0x1a: {  	[sflag:s14] =	ssyncset.done $0x0  }
0x1b: {  	[sflag:s14] =	ssyncadd.s32 $0xFFFFD800  }
0x1c: {  	_ =	swait.ge [sflag:s14], $0x2800  }
0x1d: {  	p0 =	por $0x1, $0x1;
	[sflag:s14] =	ssyncset.done $0x0  }
0x1e: {  	p0 =	por p0, p0;
	[sflag:s14] =	ssyncadd.s32 $0xFFFFD800  }
0x1f: {  	s29 =	simm.s32 @!p0 $0x2;
	[bflag:$0x0] =	sbarrier.arrive $0xFFFF  }
0x20: {  	_ =	swait.ge @!p0 [sflag:s29], $0x2000  }
0x21: {  	[sflag:s29] =	ssyncset.done @!p0 $0x0  }
0x22: {  	[sflag:s29] =	ssyncadd.s32 @!p0 $0xFFFFE000  }
0x23: {  	_ =	swait.ge @!p0 [sflag:s29], $0x2000  }
0x24: {  	[sflag:s29] =	ssyncset.done @!p0 $0x0  }
0x25: {  	[sflag:s29] =	ssyncadd.s32 @!p0 $0xFFFFE000  }
0x26: {  	_ =	swait.ge @!p0 [sflag:s29], $0x2000  }
0x27: {  	[sflag:s29] =	ssyncset.done @!p0 $0x0  }
0x28: {  	[sflag:s29] =	ssyncadd.s32 @!p0 $0xFFFFE000  }
0x29: {  	_ =	swait.ge @!p0 [sflag:s29], $0x2000  }
0x2a: {  	[sflag:s29] =	ssyncset.done @!p0 $0x0  }
0x2b: {  	[sflag:s29] =	ssyncadd.s32 @!p0 $0xFFFFE000;
	s29 =	simm.s32 $0x0  }
0x2c: {  	[tilespmem:s16], [sflag:$0x1] =	stream.indirect.gather [hbm4b:s2+s15], $0x40, s29, s15, $0xb8;
	[tilespmem:$0x1EE00] =	vst v63  }
0x2d: {  	s29 =	simm.s32 $0x80  }
0x2e: {  	[tilespmem:s17], [sflag:$0x1] =	stream.indirect.gather [hbm4b:s2+s15], $0x40, s29, s15, $0xb8;
	[tilespmem:$0x1EE00] =	vst v63  }
0x2f: {  	s29 =	simm.s32 $0x100  }
0x30: {  	[tilespmem:s18], [sflag:$0x1] =	stream.indirect.gather [hbm4b:s2+s15], $0x40, s29, s15, $0xb8;
	[tilespmem:$0x1EE00] =	vst v63  }
0x31: {  	s29 =	simm.s32 $0x180  }
0x32: {  	[tilespmem:s19], [sflag:$0x1] =	stream.indirect.gather [hbm4b:s2+s15], $0x40, s29, s15, $0xb8;
	[tilespmem:$0x1EE00] =	vst v63  }
0x33: {  	_ =	swait.ge [sflag:s14], $0x2000  }
0x34: {  	[sflag:s14] =	ssyncset.done $0x0  }
0x35: {  	[sflag:s14] =	ssyncadd.s32 $0xFFFFE000  }
0x36: {  	_ =	swait.ge [sflag:s14], $0x2000  }
0x37: {  	[sflag:s14] =	ssyncset.done $0x0  }
0x38: {  	[sflag:s14] =	ssyncadd.s32 $0xFFFFE000  }
0x39: {  	_ =	swait.ge [sflag:s14], $0x2000  }
0x3a: {  	[sflag:s14] =	ssyncset.done $0x0  }
0x3b: {  	[sflag:s14] =	ssyncadd.s32 $0xFFFFE000  }
0x3c: {  	_ =	swait.ge [sflag:s14], $0x2000  }
0x3d: {  	[sflag:s14] =	ssyncset.done $0x0  }
0x3e: {  	s29 =	simm.s32 $0x2800;
	[sflag:s14] =	ssyncadd.s32 $0xFFFFE000  }
0x3f: {  	[spmem:s3] =	stream.indirect.scatter.add.f32 [tilespmem:s16], [sflag:$0x2], $0x40, s29, s15, $0xb8;
	[tilespmem:$0x1EE00] =	vst v63  }
0x40: {  	s29 =	simm.s32 $0x2880  }
0x41: {  	[spmem:s3] =	stream.indirect.scatter.add.f32 [tilespmem:s17], [sflag:$0x2], $0x40, s29, s15, $0xb8;
	[tilespmem:$0x1EE00] =	vst v63  }
0x42: {  	s29 =	simm.s32 $0x2900  }
0x43: {  	[spmem:s3] =	stream.indirect.scatter.add.f32 [tilespmem:s18], [sflag:$0x2], $0x40, s29, s15, $0xb8;
	[tilespmem:$0x1EE00] =	vst v63  }
0x44: {  	s30 =	simm.s32 @!p0 $0x3;
	s29 =	simm.s32 $0x2980  }
0x45: {  	[spmem:s3] =	stream.indirect.scatter.add.f32 [tilespmem:s19], [sflag:$0x2], $0x40, s29, s15, $0xb8;
	[tilespmem:$0x1EE00] =	vst v63  }
0x46: {  	_ =	swait.ge @!p0 [sflag:s30], $0x2000  }
0x47: {  	[sflag:s30] =	ssyncset.done @!p0 $0x0  }
0x48: {  	[sflag:s30] =	ssyncadd.s32 @!p0 $0xFFFFE000  }
0x49: {  	_ =	swait.ge @!p0 [sflag:s30], $0x2000  }
0x4a: {  	[sflag:s30] =	ssyncset.done @!p0 $0x0  }
0x4b: {  	[sflag:s30] =	ssyncadd.s32 @!p0 $0xFFFFE000  }
0x4c: {  	_ =	swait.ge @!p0 [sflag:s30], $0x2000  }
0x4d: {  	[sflag:s30] =	ssyncset.done @!p0 $0x0  }
0x4e: {  	[sflag:s30] =	ssyncadd.s32 @!p0 $0xFFFFE000  }
0x4f: {  	_ =	swait.ge @!p0 [sflag:s30], $0x2000  }
0x50: {  	[sflag:s30] =	ssyncset.done @!p0 $0x0  }
0x51: {  	s29 =	simm.s32 $0x200;
	[sflag:s30] =	ssyncadd.s32 @!p0 $0xFFFFE000  }
0x52: {  	[tilespmem:s20], [sflag:$0x1] =	stream.indirect.gather [hbm4b:s2+s15], $0x40, s29, s15, $0xb8;
	[tilespmem:$0x1EE00] =	vst v63  }
0x53: {  	s29 =	simm.s32 $0x280  }
0x54: {  	[tilespmem:s21], [sflag:$0x1] =	stream.indirect.gather [hbm4b:s2+s15], $0x40, s29, s15, $0xb8;
	[tilespmem:$0x1EE00] =	vst v63  }
0x55: {  	s29 =	simm.s32 $0x300  }
0x56: {  	[tilespmem:s22], [sflag:$0x1] =	stream.indirect.gather [hbm4b:s2+s15], $0x40, s29, s15, $0xb8;
	[tilespmem:$0x1EE00] =	vst v63  }
0x57: {  	s29 =	simm.s32 $0x380  }
0x58: {  	[tilespmem:s23], [sflag:$0x1] =	stream.indirect.gather [hbm4b:s2+s15], $0x40, s29, s15, $0xb8;
	[tilespmem:$0x1EE00] =	vst v63  }
0x59: {  	_ =	swait.ge [sflag:s14], $0x2000  }
0x5a: {  	[sflag:s14] =	ssyncset.done $0x0  }
0x5b: {  	[sflag:s14] =	ssyncadd.s32 $0xFFFFE000  }
0x5c: {  	_ =	swait.ge [sflag:s14], $0x2000  }
0x5d: {  	[sflag:s14] =	ssyncset.done $0x0  }
0x5e: {  	[sflag:s14] =	ssyncadd.s32 $0xFFFFE000  }
0x5f: {  	_ =	swait.ge [sflag:s14], $0x2000  }
0x60: {  	[sflag:s14] =	ssyncset.done $0x0  }
0x61: {  	[sflag:s14] =	ssyncadd.s32 $0xFFFFE000  }
0x62: {  	_ =	swait.ge [sflag:s14], $0x2000  }
0x63: {  	[sflag:s14] =	ssyncset.done $0x0  }
0x64: {  	s29 =	simm.s32 $0x2A00;
	[sflag:s14] =	ssyncadd.s32 $0xFFFFE000  }
0x65: {  	[spmem:s3] =	stream.indirect.scatter.add.f32 [tilespmem:s20], [sflag:$0x3], $0x40, s29, s15, $0xb8;
	[tilespmem:$0x1EE00] =	vst v63  }
0x66: {  	s29 =	simm.s32 $0x2A80  }
0x67: {  	[spmem:s3] =	stream.indirect.scatter.add.f32 [tilespmem:s21], [sflag:$0x3], $0x40, s29, s15, $0xb8;
	[tilespmem:$0x1EE00] =	vst v63  }
0x68: {  	p6 =	por $0x0, $0x0;
	s31 =	simm.s32 $0x2B80;
	s29 =	simm.s32 $0x2B00  }
0x69: {  	[spmem:s3] =	stream.indirect.scatter.add.f32 [tilespmem:s22], [sflag:$0x3], $0x40, s29, s15, $0xb8;
	[tilespmem:$0x1EE00] =	vst v63  }
0x6a: {  	s30 =	simm.s32 $0x2000;
	p0 =	por p6, p6;
	s29 =	simm.s32 $0x1000  }
.LBB2_2:
0x6b: {  	[spmem:s3] =	stream.indirect.scatter.add.f32 [tilespmem:s23], [sflag:$0x3], $0x40, s31, s15, $0xb8;
	[tilespmem:$0x1EE00] =	vst v63  }
0x6c: {  	s0 =	smov.u32 s30  }
0x6d: {  	s30 =	sadd.s32 $0x1000, s30;
	s31 =	simm.s32 @!p0 $0x2;
	p2 =	seq.s32 s0, $0x0  }
0x6e: {  	p1 =	sne.s32 s30, $0xA000;
	_ =	swait.ge @!p0 [sflag:s31], $0x2000  }
0x6f: {  	[sflag:s31] =	ssyncset.done @!p0 $0x0  }
0x70: {  	[sflag:s31] =	ssyncadd.s32 @!p0 $0xFFFFE000  }
0x71: {  	_ =	swait.ge @!p0 [sflag:s31], $0x2000  }
0x72: {  	[sflag:s31] =	ssyncset.done @!p0 $0x0  }
0x73: {  	[sflag:s31] =	ssyncadd.s32 @!p0 $0xFFFFE000  }
0x74: {  	_ =	swait.ge @!p0 [sflag:s31], $0x2000  }
0x75: {  	[sflag:s31] =	ssyncset.done @!p0 $0x0  }
0x76: {  	[sflag:s31] =	ssyncadd.s32 @!p0 $0xFFFFE000  }
0x77: {  	_ =	swait.ge @!p0 [sflag:s31], $0x2000  }
0x78: {  	[sflag:s31] =	ssyncset.done @!p0 $0x0  }
0x79: {  	[sflag:s31] =	ssyncadd.s32 @!p0 $0xFFFFE000;
	s31 =	sshra.s32 s29, $0x2;
	s29 =	smov.u32 s0  }
0x7a: {  	[tilespmem:s16], [sflag:$0x1] =	stream.indirect.gather [hbm4b:s2+s15], $0x40, s31, s15, $0xb8;
	[tilespmem:$0x1EE00] =	vst v63  }
0x7b: {  	s0 =	sadd.s32 $0x80, s31  }
0x7c: {  	[tilespmem:s17], [sflag:$0x1] =	stream.indirect.gather [hbm4b:s2+s15], $0x40, s0, s15, $0xb8;
	[tilespmem:$0x1EE00] =	vst v63  }
0x7d: {  	s0 =	sadd.s32 $0x100, s31  }
0x7e: {  	[tilespmem:s18], [sflag:$0x1] =	stream.indirect.gather [hbm4b:s2+s15], $0x40, s0, s15, $0xb8;
	[tilespmem:$0x1EE00] =	vst v63  }
0x7f: {  	s0 =	sadd.s32 $0x180, s31  }
0x80: {  	[tilespmem:s19], [sflag:$0x1] =	stream.indirect.gather [hbm4b:s2+s15], $0x40, s0, s15, $0xb8;
	[tilespmem:$0x1EE00] =	vst v63  }
0x81: {  	_ =	swait.ge [sflag:s14], $0x2000  }
0x82: {  	[sflag:s14] =	ssyncset.done $0x0  }
0x83: {  	[sflag:s14] =	ssyncadd.s32 $0xFFFFE000  }
0x84: {  	_ =	swait.ge [sflag:s14], $0x2000  }
0x85: {  	[sflag:s14] =	ssyncset.done $0x0  }
0x86: {  	[sflag:s14] =	ssyncadd.s32 $0xFFFFE000  }
0x87: {  	_ =	swait.ge [sflag:s14], $0x2000  }
0x88: {  	[sflag:s14] =	ssyncset.done $0x0  }
0x89: {  	[sflag:s14] =	ssyncadd.s32 $0xFFFFE000  }
0x8a: {  	_ =	swait.ge [sflag:s14], $0x2000  }
0x8b: {  	[sflag:s14] =	ssyncset.done $0x0  }
0x8c: {  	s0 =	sadd.s32 $0x2800, s31;
	[sflag:s14] =	ssyncadd.s32 $0xFFFFE000  }
0x8d: {  	[spmem:s3] =	stream.indirect.scatter.add.f32 [tilespmem:s16], [sflag:$0x2], $0x40, s0, s15, $0xb8;
	[tilespmem:$0x1EE00] =	vst v63  }
0x8e: {  	s0 =	sadd.s32 $0x2880, s31  }
0x8f: {  	[spmem:s3] =	stream.indirect.scatter.add.f32 [tilespmem:s17], [sflag:$0x2], $0x40, s0, s15, $0xb8;
	[tilespmem:$0x1EE00] =	vst v63  }
0x90: {  	s0 =	sadd.s32 $0x2900, s31  }
0x91: {  	[spmem:s3] =	stream.indirect.scatter.add.f32 [tilespmem:s18], [sflag:$0x2], $0x40, s0, s15, $0xb8;
	[tilespmem:$0x1EE00] =	vst v63  }
0x92: {  	s1 =	simm.s32 @!p0 $0x3;
	s0 =	sadd.s32 $0x2980, s31  }
0x93: {  	[spmem:s3] =	stream.indirect.scatter.add.f32 [tilespmem:s19], [sflag:$0x2], $0x40, s0, s15, $0xb8;
	[tilespmem:$0x1EE00] =	vst v63  }
0x94: {  	_ =	swait.ge @!p0 [sflag:s1], $0x2000  }
0x95: {  	[sflag:s1] =	ssyncset.done @!p0 $0x0  }
0x96: {  	[sflag:s1] =	ssyncadd.s32 @!p0 $0xFFFFE000  }
0x97: {  	_ =	swait.ge @!p0 [sflag:s1], $0x2000  }
0x98: {  	[sflag:s1] =	ssyncset.done @!p0 $0x0  }
0x99: {  	[sflag:s1] =	ssyncadd.s32 @!p0 $0xFFFFE000  }
0x9a: {  	_ =	swait.ge @!p0 [sflag:s1], $0x2000  }
0x9b: {  	[sflag:s1] =	ssyncset.done @!p0 $0x0  }
0x9c: {  	[sflag:s1] =	ssyncadd.s32 @!p0 $0xFFFFE000  }
0x9d: {  	_ =	swait.ge @!p0 [sflag:s1], $0x2000  }
0x9e: {  	[sflag:s1] =	ssyncset.done @!p0 $0x0  }
0x9f: {  	s0 =	sadd.s32 $0x200, s31;
	[sflag:s1] =	ssyncadd.s32 @!p0 $0xFFFFE000;
	p0 =	por p2, p2  }
0xa0: {  	[tilespmem:s20], [sflag:$0x1] =	stream.indirect.gather [hbm4b:s2+s15], $0x40, s0, s15, $0xb8;
	[tilespmem:$0x1EE00] =	vst v63  }
0xa1: {  	s0 =	sadd.s32 $0x280, s31  }
0xa2: {  	[tilespmem:s21], [sflag:$0x1] =	stream.indirect.gather [hbm4b:s2+s15], $0x40, s0, s15, $0xb8;
	[tilespmem:$0x1EE00] =	vst v63  }
0xa3: {  	s0 =	sadd.s32 $0x300, s31  }
0xa4: {  	[tilespmem:s22], [sflag:$0x1] =	stream.indirect.gather [hbm4b:s2+s15], $0x40, s0, s15, $0xb8;
	[tilespmem:$0x1EE00] =	vst v63  }
0xa5: {  	s0 =	sadd.s32 $0x380, s31  }
0xa6: {  	[tilespmem:s23], [sflag:$0x1] =	stream.indirect.gather [hbm4b:s2+s15], $0x40, s0, s15, $0xb8;
	[tilespmem:$0x1EE00] =	vst v63  }
0xa7: {  	_ =	swait.ge [sflag:s14], $0x2000  }
0xa8: {  	[sflag:s14] =	ssyncset.done $0x0  }
0xa9: {  	[sflag:s14] =	ssyncadd.s32 $0xFFFFE000  }
0xaa: {  	_ =	swait.ge [sflag:s14], $0x2000  }
0xab: {  	[sflag:s14] =	ssyncset.done $0x0  }
0xac: {  	[sflag:s14] =	ssyncadd.s32 $0xFFFFE000  }
0xad: {  	_ =	swait.ge [sflag:s14], $0x2000  }
0xae: {  	[sflag:s14] =	ssyncset.done $0x0  }
0xaf: {  	[sflag:s14] =	ssyncadd.s32 $0xFFFFE000  }
0xb0: {  	_ =	swait.ge [sflag:s14], $0x2000  }
0xb1: {  	[sflag:s14] =	ssyncset.done $0x0  }
0xb2: {  	s0 =	sadd.s32 $0x2A00, s31;
	[sflag:s14] =	ssyncadd.s32 $0xFFFFE000  }
0xb3: {  	[spmem:s3] =	stream.indirect.scatter.add.f32 [tilespmem:s20], [sflag:$0x3], $0x40, s0, s15, $0xb8;
	[tilespmem:$0x1EE00] =	vst v63  }
.Ltmp0:
0xb4: {  	s0 =	sadd.s32 $0x2A80, s31;
	(pc) =	sbr.rel @p1 .LBB2_2-.Ltmp0, $4  }
0xb5: {  	[spmem:s3] =	stream.indirect.scatter.add.f32 [tilespmem:s21], [sflag:$0x3], $0x40, s0, s15, $0xb8;
	[tilespmem:$0x1EE00] =	vst v63  }
0xb6: {  	s0 =	sadd.s32 $0x2B00, s31  }
0xb7: {  	[spmem:s3] =	stream.indirect.scatter.add.f32 [tilespmem:s22], [sflag:$0x3], $0x40, s0, s15, $0xb8;
	[tilespmem:$0x1EE00] =	vst v63  }
0xb8: {  	s31 =	sadd.s32 $0x2B80, s31  }
0xb9: {  	[spmem:s3] =	stream.indirect.scatter.add.f32 [tilespmem:s23], [sflag:$0x3], $0x40, s31, s15, $0xb8;
	[tilespmem:$0x1EE00] =	vst v63  }
0xba: {  	s0 =	simm.s32 @!p0 $0x2  }
0xbb: {  	_ =	swait.ge @!p0 [sflag:s0], $0x2000  }
0xbc: {  	[sflag:s0] =	ssyncset.done @!p0 $0x0  }
0xbd: {  	[sflag:s0] =	ssyncadd.s32 @!p0 $0xFFFFE000  }
0xbe: {  	_ =	swait.ge @!p0 [sflag:s0], $0x2000  }
0xbf: {  	[sflag:s0] =	ssyncset.done @!p0 $0x0  }
0xc0: {  	[sflag:s0] =	ssyncadd.s32 @!p0 $0xFFFFE000  }
0xc1: {  	_ =	swait.ge @!p0 [sflag:s0], $0x2000  }
0xc2: {  	[sflag:s0] =	ssyncset.done @!p0 $0x0  }
0xc3: {  	[sflag:s0] =	ssyncadd.s32 @!p0 $0xFFFFE000  }
0xc4: {  	_ =	swait.ge @!p0 [sflag:s0], $0x2000  }
0xc5: {  	[sflag:s0] =	ssyncset.done @!p0 $0x0  }
0xc6: {  	s29 =	sshra.s32 s29, $0x2;
	[sflag:s0] =	ssyncadd.s32 @!p0 $0xFFFFE000  }
0xc7: {  	[tilespmem:s16], [sflag:$0x1] =	stream.indirect.gather [hbm4b:s2+s15], $0x40, s29, s15, $0xb8;
	[tilespmem:$0x1EE00] =	vst v63  }
0xc8: {  	s31 =	sadd.s32 $0x80, s29  }
0xc9: {  	[tilespmem:s17], [sflag:$0x1] =	stream.indirect.gather [hbm4b:s2+s15], $0x40, s31, s15, $0xb8;
	[tilespmem:$0x1EE00] =	vst v63  }
0xca: {  	s1 =	sadd.s32 $0x100, s29  }
0xcb: {  	[tilespmem:s18], [sflag:$0x1] =	stream.indirect.gather [hbm4b:s2+s15], $0x40, s1, s15, $0xb8;
	[tilespmem:$0x1EE00] =	vst v63  }
0xcc: {  	s30 =	sadd.s32 $0x180, s29  }
0xcd: {  	[tilespmem:s19], [sflag:$0x1] =	stream.indirect.gather [hbm4b:s2+s15], $0x40, s30, s15, $0xb8;
	[tilespmem:$0x1EE00] =	vst v63  }
0xce: {  	_ =	swait.ge [sflag:s14], $0x2000  }
0xcf: {  	[sflag:s14] =	ssyncset.done $0x0  }
0xd0: {  	[sflag:s14] =	ssyncadd.s32 $0xFFFFE000  }
0xd1: {  	_ =	swait.ge [sflag:s14], $0x2000  }
0xd2: {  	[sflag:s14] =	ssyncset.done $0x0  }
0xd3: {  	[sflag:s14] =	ssyncadd.s32 $0xFFFFE000  }
0xd4: {  	_ =	swait.ge [sflag:s14], $0x2000  }
0xd5: {  	[sflag:s14] =	ssyncset.done $0x0  }
0xd6: {  	[sflag:s14] =	ssyncadd.s32 $0xFFFFE000  }
0xd7: {  	_ =	swait.ge [sflag:s14], $0x2000  }
0xd8: {  	[sflag:s14] =	ssyncset.done $0x0  }
0xd9: {  	s31 =	sadd.s32 $0x2800, s29;
	[sflag:s14] =	ssyncadd.s32 $0xFFFFE000  }
0xda: {  	[spmem:s3] =	stream.indirect.scatter.add.f32 [tilespmem:s16], [sflag:$0x2], $0x40, s31, s15, $0xb8;
	[tilespmem:$0x1EE00] =	vst v63  }
0xdb: {  	s1 =	sadd.s32 $0x2880, s29  }
0xdc: {  	[spmem:s3] =	stream.indirect.scatter.add.f32 [tilespmem:s17], [sflag:$0x2], $0x40, s1, s15, $0xb8;
	[tilespmem:$0x1EE00] =	vst v63  }
0xdd: {  	s30 =	sadd.s32 $0x2900, s29  }
0xde: {  	[spmem:s3] =	stream.indirect.scatter.add.f32 [tilespmem:s18], [sflag:$0x2], $0x40, s30, s15, $0xb8;
	[tilespmem:$0x1EE00] =	vst v63  }
0xdf: {  	s31 =	sadd.s32 $0x2980, s29;
	s1 =	simm.s32 @!p0 $0x3  }
0xe0: {  	[spmem:s3] =	stream.indirect.scatter.add.f32 [tilespmem:s19], [sflag:$0x2], $0x40, s31, s15, $0xb8;
	[tilespmem:$0x1EE00] =	vst v63  }
0xe1: {  	_ =	swait.ge @!p0 [sflag:s1], $0x2000  }
0xe2: {  	[sflag:s1] =	ssyncset.done @!p0 $0x0  }
0xe3: {  	[sflag:s1] =	ssyncadd.s32 @!p0 $0xFFFFE000  }
0xe4: {  	_ =	swait.ge @!p0 [sflag:s1], $0x2000  }
0xe5: {  	[sflag:s1] =	ssyncset.done @!p0 $0x0  }
0xe6: {  	[sflag:s1] =	ssyncadd.s32 @!p0 $0xFFFFE000  }
0xe7: {  	_ =	swait.ge @!p0 [sflag:s1], $0x2000  }
0xe8: {  	[sflag:s1] =	ssyncset.done @!p0 $0x0  }
0xe9: {  	[sflag:s1] =	ssyncadd.s32 @!p0 $0xFFFFE000  }
0xea: {  	_ =	swait.ge @!p0 [sflag:s1], $0x2000  }
0xeb: {  	[sflag:s1] =	ssyncset.done @!p0 $0x0  }
0xec: {  	[sflag:s1] =	ssyncadd.s32 @!p0 $0xFFFFE000;
	s1 =	sadd.s32 $0x200, s29  }
0xed: {  	[tilespmem:s20], [sflag:$0x1] =	stream.indirect.gather [hbm4b:s2+s15], $0x40, s1, s15, $0xb8;
	[tilespmem:$0x1EE00] =	vst v63  }
0xee: {  	s30 =	sadd.s32 $0x280, s29  }
0xef: {  	[tilespmem:s21], [sflag:$0x1] =	stream.indirect.gather [hbm4b:s2+s15], $0x40, s30, s15, $0xb8;
	[tilespmem:$0x1EE00] =	vst v63  }
0xf0: {  	s31 =	sadd.s32 $0x300, s29  }
0xf1: {  	[tilespmem:s22], [sflag:$0x1] =	stream.indirect.gather [hbm4b:s2+s15], $0x40, s31, s15, $0xb8;
	[tilespmem:$0x1EE00] =	vst v63  }
0xf2: {  	s1 =	sadd.s32 $0x380, s29  }
0xf3: {  	[tilespmem:s23], [sflag:$0x1] =	stream.indirect.gather [hbm4b:s2+s15], $0x40, s1, s15, $0xb8;
	[tilespmem:$0x1EE00] =	vst v63  }
0xf4: {  	_ =	swait.ge [sflag:s14], $0x2000  }
0xf5: {  	[sflag:s14] =	ssyncset.done $0x0  }
0xf6: {  	[sflag:s14] =	ssyncadd.s32 $0xFFFFE000  }
0xf7: {  	_ =	swait.ge [sflag:s14], $0x2000  }
0xf8: {  	[sflag:s14] =	ssyncset.done $0x0  }
0xf9: {  	[sflag:s14] =	ssyncadd.s32 $0xFFFFE000  }
0xfa: {  	_ =	swait.ge [sflag:s14], $0x2000  }
0xfb: {  	[sflag:s14] =	ssyncset.done $0x0  }
0xfc: {  	[sflag:s14] =	ssyncadd.s32 $0xFFFFE000  }
0xfd: {  	_ =	swait.ge [sflag:s14], $0x2000  }
0xfe: {  	[sflag:s14] =	ssyncset.done $0x0  }
0xff: {  	s30 =	sadd.s32 $0x2A00, s29;
	[sflag:s14] =	ssyncadd.s32 $0xFFFFE000  }
0x100: {  	[spmem:s3] =	stream.indirect.scatter.add.f32 [tilespmem:s20], [sflag:$0x3], $0x40, s30, s15, $0xb8;
	[tilespmem:$0x1EE00] =	vst v63  }
0x101: {  	s31 =	sadd.s32 $0x2A80, s29  }
0x102: {  	[spmem:s3] =	stream.indirect.scatter.add.f32 [tilespmem:s21], [sflag:$0x3], $0x40, s31, s15, $0xb8;
	[tilespmem:$0x1EE00] =	vst v63  }
0x103: {  	s1 =	sadd.s32 $0x2B00, s29  }
0x104: {  	[spmem:s3] =	stream.indirect.scatter.add.f32 [tilespmem:s22], [sflag:$0x3], $0x40, s1, s15, $0xb8;
	[tilespmem:$0x1EE00] =	vst v63  }
0x105: {  	s30 =	sadd.s32 $0x2B80, s29  }
0x106: {  	[spmem:s3] =	stream.indirect.scatter.add.f32 [tilespmem:s23], [sflag:$0x3], $0x40, s30, s15, $0xb8;
	[tilespmem:$0x1EE00] =	vst v63  }
0x107: {  	_ =	swait.ge [sflag:s24], $0x2000  }
0x108: {  	[sflag:s24] =	ssyncset.done $0x0  }
0x109: {  	[sflag:s24] =	ssyncadd.s32 $0xFFFFE000  }
0x10a: {  	_ =	swait.ge [sflag:s24], $0x2000  }
0x10b: {  	[sflag:s24] =	ssyncset.done $0x0  }
0x10c: {  	[sflag:s24] =	ssyncadd.s32 $0xFFFFE000  }
0x10d: {  	_ =	swait.ge [sflag:s24], $0x2000  }
0x10e: {  	[sflag:s24] =	ssyncset.done $0x0  }
0x10f: {  	[sflag:s24] =	ssyncadd.s32 $0xFFFFE000  }
0x110: {  	_ =	swait.ge [sflag:s24], $0x2000  }
0x111: {  	[sflag:s24] =	ssyncset.done $0x0  }
0x112: {  	[sflag:s24] =	ssyncadd.s32 $0xFFFFE000  }
0x113: {  	_ =	swait.ge [sflag:s25], $0x2000  }
0x114: {  	[sflag:s25] =	ssyncset.done $0x0  }
0x115: {  	[sflag:s25] =	ssyncadd.s32 $0xFFFFE000  }
0x116: {  	_ =	swait.ge [sflag:s25], $0x2000  }
0x117: {  	[sflag:s25] =	ssyncset.done $0x0  }
0x118: {  	[sflag:s25] =	ssyncadd.s32 $0xFFFFE000  }
0x119: {  	_ =	swait.ge [sflag:s25], $0x2000  }
0x11a: {  	[sflag:s25] =	ssyncset.done $0x0  }
0x11b: {  	[sflag:s25] =	ssyncadd.s32 $0xFFFFE000  }
0x11c: {  	_ =	swait.ge [sflag:s25], $0x2000  }
0x11d: {  	s28 =	sadd.s32 $0x1, s28;
	[sflag:s25] =	ssyncset.done $0x0  }
0x11e: {  	p0 =	sne.s32 s28, s11;
	[sflag:s25] =	ssyncadd.s32 $0xFFFFE000  }
.Ltmp1:
0x11f: {  	s31 =	sor.u32 $0x1C04, s6;
	[bflag:$0x0] =	sbarrier.arrive $0xFFFF;
	(pc) =	sbr.rel @p0 .LBB2_1-.Ltmp1, $4  }
0x120: {  	[hbm:s10], [sflag:s31] =	dma.local [spmem:s12], $0x13C0  }
0x121: {  	_ =	swait.ge [sflag:s26], $0x13C0  }
0x122: {  	[sflag:s26] =	ssyncset.done $0x0  }
0x123: {  	[sflag:s26] =	ssyncadd.s32 $0xFFFFEC40  }
0x124: {  	_ =	sfence.sel $0x180000  }
0x125: {  	[bflag:$0x0] =	sbarrier.arrive $0xFFFF  }
0x126: {  	_ =	strace $0x9000004D  }
0x127: {  	s0 =	stileid.u32;
	[bflag:$0x2] =	sbarrier.arrive $0xFFFF  }
0x128: {  	p0 =	sne.s32 s0, $0x0;
	s0 =	rddreg [dreg:$0x3]  }
0x129: {  	s0 =	sadd.s32 @!p0 $0x100000, s0  }
0x12a: {  	[sflag:s0] =	ssyncadd.tile.s32 @!p0 $0x1;
	_ =	shalt  }
.Lfunc_end2:
_tile_overlayer_lowered:
.L_overlay_start_2:
0x12b: {  	(tag) =	ssettag $0x2  }
0x12c: {  	s0 =	rddreg [dreg:$0x0];
	s2 =	stileid.u32  }
0x12d: {  	s1 =	rddreg [dreg:$0x1];
	p0 =	sne.s32 s2, $0x0  }
0x12e: {  	s3 =	rddreg [dreg:$0x2];
	[bflag:$0x3] =	sbarrier.arrive $0xFFFF;
	s2 =	simm.s32 @!p0 $0x1C04  }
0x12f: {  	[timem:s3], [sflag:s2] =	dma.local @!p0 [hbm:s0], s1  }
0x130: {  	s0 =	simm.s32 @!p0 $0x4  }
0x131: {  	_ =	swait.ge @!p0 [sflag:s0], s1  }
0x132: {  	s1 =	ssub.s32 @!p0 $0x0, s1;
	[sflag:s0] =	ssyncset.done @!p0 $0x0  }
0x133: {  	[sflag:s0] =	ssyncadd.s32 @!p0 s1  }
0x134: {  	[bflag:$0x3] =	sbarrier.arrive $0xFFFF  }
0x135: {  	_ =	shalt  }

// kernel: kernel.8.cloned.1.call-start
scs
__scs_entry_jumppad:
0x0: {  	(pc) =	sbr.rel $0x88, $3  }
0x1: {  	(tag) =	ssettag $0x0;
	lr =	simm.s32 $0x1  }
0x2: {  	[smem:$0x3F9B] =	sst lr;
	_ =	strace $0xD0000000  }
0x3: {  	_ = 	snop  }
0x4: {  	_ = 	snop  }
0x5: {  	_ = 	snop  }
0x6: {  	_ = 	snop  }
0x7: {  	_ = 	snop  }
__scs_overlays_trampoline_lowered:
0x8: {  	[smem:$0x3FAA] =	sst s0  }
0x9: {  	[smem:$0x3FAB] =	sst s1  }
0xa: {  	[smem:$0x3FAC] =	sst s2  }
0xb: {  	[smem:$0x3FAD] =	sst s3  }
0xc: {  	[smem:$0x3FAE] =	sst s4  }
0xd: {  	[smem:$0x3FAF] =	sst s5  }
0xe: {  	[smem:$0x3FB0] =	sst s6  }
0xf: {  	[smem:$0x3FB1] =	sst s7  }
0x10: {  	[smem:$0x3FB2] =	sst s8  }
0x11: {  	[smem:$0x3FB3] =	sst s9;
	s0 =	simm.s32 @!p0 $0x0  }
0x12: {  	s1 =	sld [smem:$0x3F99];
	s0 =	simm.s32 @p0 $0x1  }
0x13: {  	[smem:$0x3FB4] =	sst s0;
	s0 =	simm.s32 @!p1 $0x0  }
0x14: {  	s2 =	sld [smem:$0x3F98];
	s0 =	simm.s32 @p1 $0x1  }
0x15: {  	[smem:$0x3FB5] =	sst s0;
	s0 =	simm.s32 @!p2 $0x0  }
0x16: {  	s3 =	sld [smem:$0x3FDB];
	s0 =	simm.s32 @p2 $0x1  }
0x17: {  	s4 =	simm.s32 $0x1BF5;
	[smem:$0x3FB7] =	sst s0  }
0x18: {  	s0 =	sld [smem:$0x3F9A];
	_ =	swait.ge [sflag:s4], $0x0  }
0x19: {  	s7 =	sld [smem:$0x3F9B]  }
0x1a: {  	s8 =	sadd.s32 $0xFFFFE003, lr  }
0x1b: {  	s9 =	sadd.s32 $0xFFFFFEF7, lr;
	s5 =	simm.s32 $0xFFFFFFFF;
	p2 =	slt.u32 s8, $0xFFFFF086  }
0x1c: {  	p1 =	slt.u32 s9, $0xF7A;
	s5 =	simm.s32 @!p2 $0x0  }
0x1d: {  	s5 =	simm.s32 @p1 $0x1;
	p0 =	seq.s32 s7, s2  }
0x1e: {  	s7 =	smul.u32 @!p0 $0xF7A, s2;
	p2 =	seq.s32 @!p0 s5, $0x0  }
0x1f: {  	s9 =	smul.u32 $0xF7A, s1;
	s8 =	simm.s32 @!p0 $0x1BF5;
	p2 =	por !p2, p0  }
0x20: {  	[sflag:s8] =	ssyncset.s32 @!p0 $0xFFFFF086;
	s6 =	sadd.s32 @!p0 s3, s7;
	s7 =	simm.s32 @!p0 $0x108  }
0x21: {  	s3 =	sadd.s32 s3, s9;
	s6 =	sadd.s32 @!p0 $0x88, s6;
	s7 =	simm.s32 @p2 $0x1082  }
0x22: {  	[simem:s7], [sflag:s8] =	dma.local @!p0 [hbm:s6], $0xF7A  }
0x23: {  	s9 =	sor.u32 $0xD0000000, s2;
	s6 =	simm.s32 $0x108;
	_ =	swait.ge @!p0 [sflag:s8], $0x0  }
0x24: {  	s3 =	sadd.s32 $0x88, s3;
	s6 =	simm.s32 @!p1 $0x1082;
	[sflag:s4] =	ssyncset.s32 $0xFFFFF086  }
0x25: {  	[simem:s6], [sflag:s4] =	dma.local [hbm:s3], $0xF7A  }
0x26: {  	[smem:$0x3F9B] =	sst s1;
	(tag) =	ssettag s2;
	_ =	strace s9  }
0x27: {  	s1 =	sld [smem:$0x3FAB]  }
0x28: {  	s2 =	sld [smem:$0x3FAC]  }
0x29: {  	s4 =	sld [smem:$0x3FAE]  }
0x2a: {  	p0 =	seq.s32 s5, $0x0;
	s5 =	sld [smem:$0x3FAF]  }
0x2b: {  	s6 =	sld [smem:$0x3FB0]  }
0x2c: {  	s7 =	sld [smem:$0x3FB1]  }
0x2d: {  	s3 =	simm.s32 $0x108;
	s8 =	sld [smem:$0x3FB2]  }
0x2e: {  	s3 =	simm.s32 @!p0 $0x1082;
	s9 =	sld [smem:$0x3FB3]  }
0x2f: {  	lr =	sadd.s32 s0, s3;
	s0 =	sld [smem:$0x3FAA]  }
0x30: {  	s3 =	sld [smem:$0x3FAD]  }
0x31: {  	[smem:$0x3FB6] =	sst s10  }
0x32: {  	s10 =	sld [smem:$0x3FB4];
	_ =	sdelay $0x3  }
0x33: {  	p0 =	seq.s32 s10, $0x1;
	s10 =	sld [smem:$0x3FB6];
	_ =	sdelay $0x3  }
0x34: {  	[smem:$0x3FB6] =	sst s10  }
0x35: {  	s10 =	sld [smem:$0x3FB5];
	_ =	sdelay $0x3  }
0x36: {  	p1 =	seq.s32 s10, $0x1;
	s10 =	sld [smem:$0x3FB6];
	_ =	sdelay $0x3  }
0x37: {  	[smem:$0x3FB6] =	sst s10  }
0x38: {  	s10 =	sld [smem:$0x3FB7]  }
0x39: {  	_ = 	snop;
	(pc) =	sbr.ind lr, $3  }
0x3a: {  	_ = 	snop  }
0x3b: {  	_ = 	snop  }
0x3c: {  	p2 =	seq.s32 s10, $0x1;
	s10 =	sld [smem:$0x3FB6]  }
0x3d: {  	_ =	shalt  }
0x3e: {  	_ =	shalt  }
0x3f: {  	_ =	shalt  }
0x40: {  	_ =	shalt  }
0x41: {  	_ =	shalt  }
0x42: {  	_ =	shalt  }
0x43: {  	_ =	shalt  }
0x44: {  	_ =	shalt  }
0x45: {  	_ =	shalt  }
0x46: {  	_ =	shalt  }
0x47: {  	_ =	shalt  }
0x48: {  	_ =	shalt  }
0x49: {  	_ =	shalt  }
0x4a: {  	_ =	shalt  }
0x4b: {  	_ =	shalt  }
0x4c: {  	_ =	shalt  }
0x4d: {  	_ =	shalt  }
0x4e: {  	_ =	shalt  }
0x4f: {  	_ =	shalt  }
0x50: {  	_ =	shalt  }
0x51: {  	_ =	shalt  }
0x52: {  	_ =	shalt  }
0x53: {  	_ =	shalt  }
0x54: {  	_ =	shalt  }
0x55: {  	_ =	shalt  }
0x56: {  	_ =	shalt  }
0x57: {  	_ =	shalt  }
0x58: {  	_ =	shalt  }
0x59: {  	_ =	shalt  }
0x5a: {  	_ =	shalt  }
0x5b: {  	_ =	shalt  }
0x5c: {  	_ =	shalt  }
0x5d: {  	_ =	shalt  }
0x5e: {  	_ =	shalt  }
0x5f: {  	_ =	shalt  }
0x60: {  	_ =	shalt  }
0x61: {  	_ =	shalt  }
0x62: {  	_ =	shalt  }
0x63: {  	_ =	shalt  }
0x64: {  	_ =	shalt  }
0x65: {  	_ =	shalt  }
0x66: {  	_ =	shalt  }
0x67: {  	_ =	shalt  }
0x68: {  	_ =	shalt  }
0x69: {  	_ =	shalt  }
0x6a: {  	_ =	shalt  }
0x6b: {  	_ =	shalt  }
0x6c: {  	_ =	shalt  }
0x6d: {  	_ =	shalt  }
0x6e: {  	_ =	shalt  }
0x6f: {  	_ =	shalt  }
0x70: {  	_ =	shalt  }
0x71: {  	_ =	shalt  }
0x72: {  	_ =	shalt  }
0x73: {  	_ =	shalt  }
0x74: {  	_ =	shalt  }
0x75: {  	_ =	shalt  }
0x76: {  	_ =	shalt  }
0x77: {  	_ =	shalt  }
0x78: {  	_ =	shalt  }
0x79: {  	_ =	shalt  }
0x7a: {  	_ =	shalt  }
0x7b: {  	_ =	shalt  }
0x7c: {  	_ =	shalt  }
0x7d: {  	_ =	shalt  }
0x7e: {  	_ =	shalt  }
0x7f: {  	_ =	shalt  }
0x80: {  	_ =	shalt  }
0x81: {  	_ =	shalt  }
0x82: {  	_ =	shalt  }
0x83: {  	_ =	shalt  }
0x84: {  	_ =	shalt  }
0x85: {  	_ =	shalt  }
0x86: {  	_ =	shalt  }
0x87: {  	_ =	shalt  }
.Lfunc_end0:
.L_simem_size_0:
called_computation_lowered:
.L_overlay_start_0:
0x88: {  	s2 =	sld [smem:$0x3FD9]  }
0x89: {  	s3 =	sld [smem:$0x3FFE];
	_ =	sdelay $0x1  }
0x8a: {  	s1 =	srdreg.scid  }
0x8b: {  	s0 =	sand.u32 $0x1, s1  }
0x8c: {  	s17 =	sshll.u32 s0, $0xA;
	s2 =	sadd.s32 s3, s2  }
0x8d: {  	s2 =	sadd.s32 s2, s17  }
0x8e: {  	[smem:$0x3FC2] =	sst s2  }
0x8f: {  	_ = 	snop  }
0x90: {  	s2 =	sld [smem:$0x3FD0];
	(tm) =	ssettm $0x1  }
0x91: {  	s18 =	sld [smem:$0x3FFB];
	_ =	sdelay $0x3  }
0x92: {  	_ =	strace s18  }
0x93: {  	s3 =	sld [smem:$0x3FFC];
	_ =	sdelay $0x3  }
0x94: {  	_ =	strace s3  }
0x95: {  	s3 =	sld [smem:$0x3FFD];
	_ =	sdelay $0x3  }
0x96: {  	_ =	strace s3  }
0x97: {  	_ =	strace $0x8FFFFFFF  }
0x98: {  	s19 =	sld [smem:$0x3FDB];
	_ =	sdelay $0x1  }
0x99: {  	s4 =	simm.s32 $_scs_section_size  }
0x9a: {  	s5 =	simm.s32 $_size__tile_overlayer_lowered;
	s6 =	simm.s32 $_tile_overlayer_lowered  }
0x9b: {  	s22 =	simm.s32 $0x1BFF;
	s21 =	sshll.u32 s6, $0x1;
	s3 =	sadd.s32 s4, s19  }
0x9c: {  	s7 =	simm.s32 $0x0;
	s20 =	sshll.u32 s5, $0x1;
	s5 =	sadd.s32 s21, s3  }
0x9d: {  	[timem:s7], [sflag:s22] =	dma.local [hbm:s5], s20  }
0x9e: {  	_ =	swait.ge [sflag:s22], s20  }
0x9f: {  	s4 =	ssub.s32 $0x0, s20;
	[sflag:s22] =	ssyncset.done $0x0  }
0xa0: {  	[sflag:s22] =	ssyncadd.s32 s4;
	_ =	sdelay $0x1  }
0xa1: {  	s23 =	simm.s32 $0x1B8B  }
0xa2: {  	_ =	swait.ge [sflag:s23], $0x1  }
0xa3: {  	[sflag:s23] =	ssyncset.done $0x0  }
0xa4: {  	s25 =	simm.s32 $0x1B8E;
	s24 =	sld [smem:$0x3FFE];
	[sflag:s23] =	ssyncadd.s32 $0xFFFFFFFF  }
0xa5: {  	s26 =	simm.s32 $execute0_lowered;
	[smem:$0x3FD2] =	sst s25  }
0xa6: {  	s5 =	sshll.u32 s26, $0x1;
	_ =	strace $0x80000046;
	[dreg:$0x1] =	wrdreg $0xFFFFFFFF  }
0xa7: {  	s28 =	simm.s32 $_size_execute0_lowered;
	s3 =	sadd.s32 s3, s5;
	[dreg:$0x0] =	wrdreg $0x0  }
0xa8: {  	s5 =	sshll.u32 s28, $0x1;
	[dreg:$0x2] =	wrdreg s3  }
0xa9: {  	[dreg:$0x3] =	wrdreg s5  }
0xaa: {  	[dreg:$0x4] =	wrdreg $0xC0  }
0xab: {  	_ =	task [dreg:s7], $0x5FFFF  }
0xac: {  	[dreg:$0x1] =	wrdreg $0xFFFFFFFF  }
0xad: {  	[dreg:$0x0] =	wrdreg $0x60  }
0xae: {  	[dreg:$0x2] =	wrdreg s24  }
0xaf: {  	[dreg:$0x3] =	wrdreg s2  }
0xb0: {  	[dreg:$0x4] =	wrdreg $0x57800  }
0xb1: {  	[dreg:$0x5] =	wrdreg $0x9  }
0xb2: {  	_ =	task.clear_ibuf [dreg:s7], $0x6FFFF;
	_ =	strace $0x90000046  }
0xb3: {  	s29 =	simm.s32 $0x9;
	_ =	strace $0x80000048  }
0xb4: {  	_ =	swait.ge [sflag:s29], $0x1  }
0xb5: {  	[sflag:s29] =	ssyncadd.s32 $0xFFFFFFFF  }
0xb6: {  	_ =	strace $0x90000048  }
0xb7: {  	_ =	sfence  }
0xb8: {  	s30 =	sld [smem:$0x0];
	_ =	sdelay $0x2  }
0xb9: {  	s31 =	sshll.u32 s1, $0xD;
	s1 =	sshrl.u32 s1, $0x2  }
0xba: {  	s3 =	sand.u32 $0x4000, s31;
	s1 =	sadd.s32 s1, s30  }
0xbb: {  	s0 =	sor.u32 s3, s0;
	s1 =	sshll.u32 s1, $0x11  }
0xbc: {  	s0 =	sor.u32 s1, s0  }
0xbd: {  	s0 =	sadd.s32 $0x8F2B, s0  }
0xbe: {  	[sflag:s0] =	ssyncadd.remote.s32 $0x1  }
0xbf: {  	_ =	sfence.sel $0xFFFF  }
0xc0: {  	[dreg:$0x0] =	wrdreg $0xFFFFFFFF;
	(pc) =	sbr.abs _section_cstart, $3  }
0xc1: {  	[dreg:$0x1] =	wrdreg $0xFFFFFFFF  }
0xc2: {  	_ =	task.clear_ibuf [dreg:s7], $0x2FFFF;
	_ =	strace $0x9FFFFFFF  }
0xc3: {  	(tm) =	ssettm $0x7FFFFFFF  }
tec
execute0_lowered:
.L_overlay_start_1:
0x0: {  	(tag) =	ssettag $0x1  }
0x1: {  	s5 =	rddreg [dreg:$0x0]  }
0x2: {  	s6 =	rddreg [dreg:$0x1]  }
0x3: {  	s0 =	srdreg.scid;
	s2 =	rddreg [dreg:$0x2];
	s3 =	simm.s32 $0x0  }
0x4: {  	s11 =	simm.s32 $0x80;
	s12 =	simm.s32 $0x2800;
	s13 =	simm.s32 $0x100  }
0x5: {  	s14 =	simm.s32 $0x180;
	s15 =	simm.s32 $0x200;
	s16 =	simm.s32 $0x280  }
0x6: {  	s17 =	simm.s32 $0x300;
	s18 =	simm.s32 $0x380;
	s19 =	simm.s32 $0x2  }
0x7: {  	s22 =	simm.s32 $0x0;
	s4 =	sand.u32 $0x1, s0;
	s0 =	stileid.u32  }
0x8: {  	[smem:$0x7FF] =	sst s3;
	s1 =	sshll.u32 s4, $0x4;
	s8 =	smul.u32 $0x2780, s0  }
0x9: {  	s9 =	ssub.s32 $0x2, s4;
	s4 =	smul.u32 $0x27800, s4;
	s20 =	sshll.u32 s0, $0x6  }
0xa: {  	s1 =	sor.u32 s0, s1;
	s10 =	sshrl.u32 s9, $0x1;
	s20 =	sor.u32 $0x1C03, s20  }
0xb: {  	s7 =	smul.u32 $0x500, s1;
	s1 =	rddreg [dreg:$0x3];
	_ =	strace $0x80000047  }
0xc: {  	s29 =	ssub.s32 s9, s10;
	s30 =	sadd.s32 s8, s4;
	s9 =	simm.s32 $0x3  }
0xd: {  	s10 =	simm.s32 $0x1;
	s31 =	sshrl.u32 s30, $0x3;
	s5 =	sadd.s32 s7, s5  }
0xe: {  	s6 =	sadd.s32 s6, s31;
	s4 =	sadd.s32 $0x1C00, s5;
	s5 =	sadd.s32 s8, s2  }
0xf: {  	v0 =	vimm.f32 $0.0e+00;
	v1 =	vimm.f32 $1.000000000e+00;
	s7 =	smax.u32 s29, $0x1;
	s8 =	simm.s32 $0x3000;
	s21 =	sshrl.u32 s5, $0x3  }
.LBB2_1:
0x10: {  	[tilespmem:s3], [sflag:$0x1] =	stream.linear.gather [hbm4b:s4+s3], $0x2800, $0x38;
	[tilespmem:$0x7F00] =	vst v63  }
0x11: {  	s23 =	simm.s32 $0x0  }
.LBB2_2:
0x12: {  	p0 =	sne.s32 s23, $0x9DC0  }
.Ltmp0:
0x13: {  	_ = 	snop;
	(pc) =	sbr.rel @p0 .LBB2_2-.Ltmp0, $3  }
0x14: {  	_ =	sdelay $0x1  }
0x15: {  	s24 =	sshra.s32 s23, $0x2  }
0x16: {  	s23 =	sadd.s32 $0x40, s23;
	[tilespmem:s24+$0x3000] =	vst v0  }
0x17: {  	s23 =	simm.s32 $0x40;
	s24 =	simm.s32 $0x0  }
.LBB2_4:
0x18: {  	p0 =	sne.s32 s23, $0x1FC0;
	[tilespmem:s24+$0x2800] =	vst v1;
	s24 =	smov.u32 s23;
	s23 =	sadd.s32 $0x40, s23  }
.Ltmp1:
0x19: {  	(pc) =	sbr.rel @p0 .LBB2_4-.Ltmp1, $2  }
0x1a: {  	_ =	sdelay $0x2  }
0x1b: {  	s24 =	sshra.s32 s24, $0x2  }
0x1c: {  	[tilespmem:s24+$0x2800] =	vst v1  }
0x1d: {  	[spmem:s5] =	stream.linear.scatter [tilespmem:s8], [sflag:$0x3], $0x2780, $0x38;
	[tilespmem:$0x7F00] =	vst v63  }
0x1e: {  	_ =	swait.ge [sflag:s9], $0x2780  }
0x1f: {  	[sflag:s9] =	ssyncset.done $0x0  }
0x20: {  	[sflag:s9] =	ssyncadd.s32 $0xFFFFD880  }
0x21: {  	_ =	swait.ge [sflag:s10], $0x2800  }
0x22: {  	[sflag:s10] =	ssyncset.done $0x0  }
0x23: {  	[sflag:s10] =	ssyncadd.s32 $0xFFFFD800  }
0x24: {  	s23 =	simm.s32 $0x0;
	[bflag:$0x0] =	sbarrier.arrive $0xFFFF  }
0x25: {  	[spmem:s2] =	stream.indirect.scatter.add.f32 [tilespmem:s12], [sflag:$0x2], $0x10, s23, s11, $0xb8;
	[tilespmem:$0x7F00] =	vst v63  }
0x26: {  	_ = 	snop  }
0x27: {  	[spmem:s2] =	stream.indirect.scatter.add.f32 [tilespmem:s12], [sflag:$0x2], $0x10, s11, s11, $0xb8;
	[tilespmem:$0x7F00] =	vst v63  }
0x28: {  	_ = 	snop  }
0x29: {  	[spmem:s2] =	stream.indirect.scatter.add.f32 [tilespmem:s12], [sflag:$0x2], $0x10, s13, s11, $0xb8;
	[tilespmem:$0x7F00] =	vst v63  }
0x2a: {  	_ = 	snop  }
0x2b: {  	[spmem:s2] =	stream.indirect.scatter.add.f32 [tilespmem:s12], [sflag:$0x2], $0x10, s14, s11, $0xb8;
	[tilespmem:$0x7F00] =	vst v63  }
0x2c: {  	_ = 	snop  }
0x2d: {  	[spmem:s2] =	stream.indirect.scatter.add.f32 [tilespmem:s12], [sflag:$0x2], $0x10, s15, s11, $0xb8;
	[tilespmem:$0x7F00] =	vst v63  }
0x2e: {  	_ = 	snop  }
0x2f: {  	[spmem:s2] =	stream.indirect.scatter.add.f32 [tilespmem:s12], [sflag:$0x2], $0x10, s16, s11, $0xb8;
	[tilespmem:$0x7F00] =	vst v63  }
0x30: {  	_ = 	snop  }
0x31: {  	[spmem:s2] =	stream.indirect.scatter.add.f32 [tilespmem:s12], [sflag:$0x2], $0x10, s17, s11, $0xb8;
	[tilespmem:$0x7F00] =	vst v63  }
0x32: {  	_ = 	snop  }
0x33: {  	[spmem:s2] =	stream.indirect.scatter.add.f32 [tilespmem:s12], [sflag:$0x2], $0x10, s18, s11, $0xb8;
	[tilespmem:$0x7F00] =	vst v63  }
0x34: {  	s31 =	simm.s32 $0x400  }
0x35: {  	[spmem:s2] =	stream.indirect.scatter.add.f32 [tilespmem:s12], [sflag:$0x2], $0x10, s31, s11, $0xb8;
	[tilespmem:$0x7F00] =	vst v63  }
0x36: {  	s24 =	simm.s32 $0x480  }
0x37: {  	[spmem:s2] =	stream.indirect.scatter.add.f32 [tilespmem:s12], [sflag:$0x2], $0x10, s24, s11, $0xb8;
	[tilespmem:$0x7F00] =	vst v63  }
0x38: {  	s25 =	simm.s32 $0x500  }
0x39: {  	[spmem:s2] =	stream.indirect.scatter.add.f32 [tilespmem:s12], [sflag:$0x2], $0x10, s25, s11, $0xb8;
	[tilespmem:$0x7F00] =	vst v63  }
0x3a: {  	s26 =	simm.s32 $0x580  }
0x3b: {  	[spmem:s2] =	stream.indirect.scatter.add.f32 [tilespmem:s12], [sflag:$0x2], $0x10, s26, s11, $0xb8;
	[tilespmem:$0x7F00] =	vst v63  }
0x3c: {  	s28 =	simm.s32 $0x600  }
0x3d: {  	[spmem:s2] =	stream.indirect.scatter.add.f32 [tilespmem:s12], [sflag:$0x2], $0x10, s28, s11, $0xb8;
	[tilespmem:$0x7F00] =	vst v63  }
0x3e: {  	s29 =	simm.s32 $0x680  }
0x3f: {  	[spmem:s2] =	stream.indirect.scatter.add.f32 [tilespmem:s12], [sflag:$0x2], $0x10, s29, s11, $0xb8;
	[tilespmem:$0x7F00] =	vst v63  }
0x40: {  	s30 =	simm.s32 $0x700  }
0x41: {  	[spmem:s2] =	stream.indirect.scatter.add.f32 [tilespmem:s12], [sflag:$0x2], $0x10, s30, s11, $0xb8;
	[tilespmem:$0x7F00] =	vst v63  }
0x42: {  	s31 =	simm.s32 $0x780  }
0x43: {  	[spmem:s2] =	stream.indirect.scatter.add.f32 [tilespmem:s12], [sflag:$0x2], $0x10, s31, s11, $0xb8;
	[tilespmem:$0x7F00] =	vst v63  }
0x44: {  	_ =	swait.ge [sflag:s19], $0x800  }
0x45: {  	[sflag:s19] =	ssyncset.done $0x0  }
0x46: {  	[sflag:s19] =	ssyncadd.s32 $0xFFFFF800  }
0x47: {  	_ =	swait.ge [sflag:s19], $0x800  }
0x48: {  	[sflag:s19] =	ssyncset.done $0x0  }
0x49: {  	[sflag:s19] =	ssyncadd.s32 $0xFFFFF800  }
0x4a: {  	_ =	swait.ge [sflag:s19], $0x800  }
0x4b: {  	[sflag:s19] =	ssyncset.done $0x0  }
0x4c: {  	[sflag:s19] =	ssyncadd.s32 $0xFFFFF800  }
0x4d: {  	_ =	swait.ge [sflag:s19], $0x800  }
0x4e: {  	[sflag:s19] =	ssyncset.done $0x0  }
0x4f: {  	[sflag:s19] =	ssyncadd.s32 $0xFFFFF800  }
0x50: {  	_ =	swait.ge [sflag:s19], $0x800  }
0x51: {  	[sflag:s19] =	ssyncset.done $0x0  }
0x52: {  	[sflag:s19] =	ssyncadd.s32 $0xFFFFF800  }
0x53: {  	_ =	swait.ge [sflag:s19], $0x800  }
0x54: {  	[sflag:s19] =	ssyncset.done $0x0  }
0x55: {  	[sflag:s19] =	ssyncadd.s32 $0xFFFFF800  }
0x56: {  	_ =	swait.ge [sflag:s19], $0x800  }
0x57: {  	[sflag:s19] =	ssyncset.done $0x0  }
0x58: {  	[sflag:s19] =	ssyncadd.s32 $0xFFFFF800  }
0x59: {  	_ =	swait.ge [sflag:s19], $0x800  }
0x5a: {  	s25 =	simm.s32 $0x400;
	s26 =	simm.s32 $0x2000;
	[sflag:s19] =	ssyncset.done $0x0  }
.LBB2_6:
0x5b: {  	s28 =	sadd.s32 $0x400, s25  }
0x5c: {  	[sflag:s19] =	ssyncadd.s32 $0xFFFFF800;
	s24 =	smov.u32 s26;
	s23 =	sadd.s32 $0x1000, s26  }
0x5d: {  	[spmem:s2] =	stream.indirect.scatter.add.f32 [tilespmem:s12], [sflag:$0x2], $0x10, s28, s11, $0xb8;
	[tilespmem:$0x7F00] =	vst v63  }
0x5e: {  	p0 =	sne.s32 s26, $0x8000;
	s26 =	sadd.s32 $0x480, s25  }
0x5f: {  	[spmem:s2] =	stream.indirect.scatter.add.f32 [tilespmem:s12], [sflag:$0x2], $0x10, s26, s11, $0xb8;
	[tilespmem:$0x7F00] =	vst v63  }
0x60: {  	s26 =	sadd.s32 $0x500, s25  }
0x61: {  	[spmem:s2] =	stream.indirect.scatter.add.f32 [tilespmem:s12], [sflag:$0x2], $0x10, s26, s11, $0xb8;
	[tilespmem:$0x7F00] =	vst v63  }
0x62: {  	s26 =	sadd.s32 $0x580, s25  }
0x63: {  	[spmem:s2] =	stream.indirect.scatter.add.f32 [tilespmem:s12], [sflag:$0x2], $0x10, s26, s11, $0xb8;
	[tilespmem:$0x7F00] =	vst v63  }
0x64: {  	s26 =	sadd.s32 $0x600, s25  }
0x65: {  	[spmem:s2] =	stream.indirect.scatter.add.f32 [tilespmem:s12], [sflag:$0x2], $0x10, s26, s11, $0xb8;
	[tilespmem:$0x7F00] =	vst v63  }
0x66: {  	s26 =	sadd.s32 $0x680, s25  }
0x67: {  	[spmem:s2] =	stream.indirect.scatter.add.f32 [tilespmem:s12], [sflag:$0x2], $0x10, s26, s11, $0xb8;
	[tilespmem:$0x7F00] =	vst v63  }
0x68: {  	s26 =	sadd.s32 $0x700, s25  }
0x69: {  	[spmem:s2] =	stream.indirect.scatter.add.f32 [tilespmem:s12], [sflag:$0x2], $0x10, s26, s11, $0xb8;
	[tilespmem:$0x7F00] =	vst v63  }
0x6a: {  	s25 =	sadd.s32 $0x780, s25  }
0x6b: {  	[spmem:s2] =	stream.indirect.scatter.add.f32 [tilespmem:s12], [sflag:$0x2], $0x10, s25, s11, $0xb8;
	[tilespmem:$0x7F00] =	vst v63  }
0x6c: {  	_ =	swait.ge [sflag:s19], $0x800  }
0x6d: {  	[sflag:s19] =	ssyncset.done $0x0  }
0x6e: {  	[sflag:s19] =	ssyncadd.s32 $0xFFFFF800  }
0x6f: {  	_ =	swait.ge [sflag:s19], $0x800  }
0x70: {  	[sflag:s19] =	ssyncset.done $0x0  }
0x71: {  	[sflag:s19] =	ssyncadd.s32 $0xFFFFF800  }
0x72: {  	_ =	swait.ge [sflag:s19], $0x800  }
0x73: {  	[sflag:s19] =	ssyncset.done $0x0  }
0x74: {  	[sflag:s19] =	ssyncadd.s32 $0xFFFFF800  }
0x75: {  	_ =	swait.ge [sflag:s19], $0x800  }
0x76: {  	[sflag:s19] =	ssyncset.done $0x0  }
0x77: {  	[sflag:s19] =	ssyncadd.s32 $0xFFFFF800  }
0x78: {  	_ =	swait.ge [sflag:s19], $0x800  }
0x79: {  	[sflag:s19] =	ssyncset.done $0x0  }
0x7a: {  	[sflag:s19] =	ssyncadd.s32 $0xFFFFF800  }
0x7b: {  	_ =	swait.ge [sflag:s19], $0x800  }
0x7c: {  	[sflag:s19] =	ssyncset.done $0x0  }
0x7d: {  	[sflag:s19] =	ssyncadd.s32 $0xFFFFF800  }
.Ltmp2:
0x7e: {  	_ =	swait.ge [sflag:s19], $0x800;
	(pc) =	sbr.rel @p0 .LBB2_6-.Ltmp2, $4  }
0x7f: {  	[sflag:s19] =	ssyncset.done $0x0  }
0x80: {  	[sflag:s19] =	ssyncadd.s32 $0xFFFFF800  }
0x81: {  	_ =	swait.ge [sflag:s19], $0x800  }
0x82: {  	s26 =	smov.u32 s23;
	s25 =	sshra.s32 s24, $0x2;
	[sflag:s19] =	ssyncset.done $0x0  }
0x83: {  	s23 =	sadd.s32 $0x400, s25;
	[sflag:s19] =	ssyncadd.s32 $0xFFFFF800  }
0x84: {  	[spmem:s2] =	stream.indirect.scatter.add.f32 [tilespmem:s12], [sflag:$0x2], $0x10, s23, s11, $0xb8;
	[tilespmem:$0x7F00] =	vst v63  }
0x85: {  	s31 =	sadd.s32 $0x480, s25  }
0x86: {  	[spmem:s2] =	stream.indirect.scatter.add.f32 [tilespmem:s12], [sflag:$0x2], $0x10, s31, s11, $0xb8;
	[tilespmem:$0x7F00] =	vst v63  }
0x87: {  	s24 =	sadd.s32 $0x500, s25  }
0x88: {  	[spmem:s2] =	stream.indirect.scatter.add.f32 [tilespmem:s12], [sflag:$0x2], $0x10, s24, s11, $0xb8;
	[tilespmem:$0x7F00] =	vst v63  }
0x89: {  	s26 =	sadd.s32 $0x580, s25  }
0x8a: {  	[spmem:s2] =	stream.indirect.scatter.add.f32 [tilespmem:s12], [sflag:$0x2], $0x10, s26, s11, $0xb8;
	[tilespmem:$0x7F00] =	vst v63  }
0x8b: {  	s28 =	sadd.s32 $0x600, s25  }
0x8c: {  	[spmem:s2] =	stream.indirect.scatter.add.f32 [tilespmem:s12], [sflag:$0x2], $0x10, s28, s11, $0xb8;
	[tilespmem:$0x7F00] =	vst v63  }
0x8d: {  	s29 =	sadd.s32 $0x680, s25  }
0x8e: {  	[spmem:s2] =	stream.indirect.scatter.add.f32 [tilespmem:s12], [sflag:$0x2], $0x10, s29, s11, $0xb8;
	[tilespmem:$0x7F00] =	vst v63  }
0x8f: {  	s30 =	sadd.s32 $0x700, s25  }
0x90: {  	[spmem:s2] =	stream.indirect.scatter.add.f32 [tilespmem:s12], [sflag:$0x2], $0x10, s30, s11, $0xb8;
	[tilespmem:$0x7F00] =	vst v63  }
0x91: {  	s31 =	sadd.s32 $0x780, s25  }
0x92: {  	[spmem:s2] =	stream.indirect.scatter.add.f32 [tilespmem:s12], [sflag:$0x2], $0x10, s31, s11, $0xb8;
	[tilespmem:$0x7F00] =	vst v63  }
0x93: {  	_ =	swait.ge [sflag:s19], $0x800  }
0x94: {  	[sflag:s19] =	ssyncset.done $0x0  }
0x95: {  	[sflag:s19] =	ssyncadd.s32 $0xFFFFF800  }
0x96: {  	_ =	swait.ge [sflag:s19], $0x800  }
0x97: {  	[sflag:s19] =	ssyncset.done $0x0  }
0x98: {  	[sflag:s19] =	ssyncadd.s32 $0xFFFFF800  }
0x99: {  	_ =	swait.ge [sflag:s19], $0x800  }
0x9a: {  	[sflag:s19] =	ssyncset.done $0x0  }
0x9b: {  	[sflag:s19] =	ssyncadd.s32 $0xFFFFF800  }
0x9c: {  	_ =	swait.ge [sflag:s19], $0x800  }
0x9d: {  	[sflag:s19] =	ssyncset.done $0x0  }
0x9e: {  	[sflag:s19] =	ssyncadd.s32 $0xFFFFF800  }
0x9f: {  	_ =	swait.ge [sflag:s19], $0x800  }
0xa0: {  	[sflag:s19] =	ssyncset.done $0x0  }
0xa1: {  	[sflag:s19] =	ssyncadd.s32 $0xFFFFF800  }
0xa2: {  	_ =	swait.ge [sflag:s19], $0x800  }
0xa3: {  	[sflag:s19] =	ssyncset.done $0x0  }
0xa4: {  	[sflag:s19] =	ssyncadd.s32 $0xFFFFF800  }
0xa5: {  	_ =	swait.ge [sflag:s19], $0x800  }
0xa6: {  	[sflag:s19] =	ssyncset.done $0x0  }
0xa7: {  	[sflag:s19] =	ssyncadd.s32 $0xFFFFF800  }
0xa8: {  	_ =	swait.ge [sflag:s19], $0x800  }
0xa9: {  	[sflag:s19] =	ssyncset.done $0x0  }
0xaa: {  	[sflag:s19] =	ssyncadd.s32 $0xFFFFF800  }
0xab: {  	_ =	swait.ge [sflag:s19], $0x800  }
0xac: {  	[sflag:s19] =	ssyncset.done $0x0  }
0xad: {  	[sflag:s19] =	ssyncadd.s32 $0xFFFFF800  }
0xae: {  	_ =	swait.ge [sflag:s19], $0x800  }
0xaf: {  	[sflag:s19] =	ssyncset.done $0x0  }
0xb0: {  	[sflag:s19] =	ssyncadd.s32 $0xFFFFF800  }
0xb1: {  	_ =	swait.ge [sflag:s19], $0x800  }
0xb2: {  	[sflag:s19] =	ssyncset.done $0x0  }
0xb3: {  	[sflag:s19] =	ssyncadd.s32 $0xFFFFF800  }
0xb4: {  	_ =	swait.ge [sflag:s19], $0x800  }
0xb5: {  	[sflag:s19] =	ssyncset.done $0x0  }
0xb6: {  	[sflag:s19] =	ssyncadd.s32 $0xFFFFF800  }
0xb7: {  	_ =	swait.ge [sflag:s19], $0x800  }
0xb8: {  	[sflag:s19] =	ssyncset.done $0x0  }
0xb9: {  	[sflag:s19] =	ssyncadd.s32 $0xFFFFF800  }
0xba: {  	_ =	swait.ge [sflag:s19], $0x800  }
0xbb: {  	[sflag:s19] =	ssyncset.done $0x0  }
0xbc: {  	[sflag:s19] =	ssyncadd.s32 $0xFFFFF800  }
0xbd: {  	_ =	swait.ge [sflag:s19], $0x800  }
0xbe: {  	[sflag:s19] =	ssyncset.done $0x0  }
0xbf: {  	[sflag:s19] =	ssyncadd.s32 $0xFFFFF800  }
0xc0: {  	_ =	swait.ge [sflag:s19], $0x800  }
0xc1: {  	s22 =	sadd.s32 $0x1, s22;
	[sflag:s19] =	ssyncset.done $0x0  }
0xc2: {  	p0 =	sne.s32 s22, s7;
	[sflag:s19] =	ssyncadd.s32 $0xFFFFF800  }
.Ltmp3:
0xc3: {  	[bflag:$0x0] =	sbarrier.arrive $0xFFFF;
	(pc) =	sbr.rel @p0 .LBB2_1-.Ltmp3, $4  }
0xc4: {  	[hbm:s6], [sflag:s20] =	dma.local [spmem:s21], $0x4F0  }
0xc5: {  	_ =	swait.ge [sflag:s9], $0x4F0  }
0xc6: {  	[sflag:s9] =	ssyncset.done $0x0  }
0xc7: {  	[sflag:s9] =	ssyncadd.s32 $0xFFFFFB10  }
0xc8: {  	_ =	sfence.sel $0x180000  }
0xc9: {  	[bflag:$0x0] =	sbarrier.arrive $0xFFFF  }
0xca: {  	p0 =	sne.s32 s0, $0x0;
	_ =	strace $0x90000047  }
0xcb: {  	s0 =	sadd.s32 @!p0 $0x100000, s1;
	[bflag:$0x2] =	sbarrier.arrive $0xFFFF  }
0xcc: {  	[sflag:s0] =	ssyncadd.tile.s32 @!p0 $0x1;
	_ =	shalt  }
.Lfunc_end2:
_tile_overlayer_lowered:
.L_overlay_start_2:
0xcd: {  	(tag) =	ssettag $0x2  }
0xce: {  	s0 =	rddreg [dreg:$0x0];
	s2 =	stileid.u32  }
0xcf: {  	s1 =	rddreg [dreg:$0x1];
	p0 =	sne.s32 s2, $0x0  }
0xd0: {  	s3 =	rddreg [dreg:$0x2];
	[bflag:$0x3] =	sbarrier.arrive $0xFFFF;
	s2 =	simm.s32 @!p0 $0x1C03  }
0xd1: {  	[timem:s3], [sflag:s2] =	dma.local @!p0 [hbm:s0], s1  }
0xd2: {  	s0 =	simm.s32 @!p0 $0x3  }
0xd3: {  	_ =	swait.ge @!p0 [sflag:s0], s1  }
0xd4: {  	s1 =	ssub.s32 @!p0 $0x0, s1;
	[sflag:s0] =	ssyncset.done @!p0 $0x0  }
0xd5: {  	[sflag:s0] =	ssyncadd.s32 @!p0 s1  }
0xd6: {  	[bflag:$0x3] =	sbarrier.arrive $0xFFFF  }
0xd7: {  	_ =	shalt  }

</sc_bundles>
